<compile_context>
chip_gen: v7x
topology: tpu7x:2x2x1
jax: 0.10.2.dev20260603
libtpu: 0.0.44.dev20260713+nightly
codegen_flags: <defaults>
</compile_context>

<pallas_src>
import functools

import jax
import jax.numpy as jnp
from jax import lax
from jax.experimental import pallas as pl
from jax.experimental.pallas import tpu as pltpu
from jax.experimental.pallas import tpu_sc as plsc

N_NODES = 10000
N_EDGES = 160000
NC, NS = 2, 16
NW = NC * NS
K = 40
CH = 125
EPT = CH * K
EPW = N_EDGES // NW
NBUF = 5
NA = 10112
RPT = NA // NS

CH2 = N_EDGES // (NS * K)

BM = 10000


def _worker(c, s):
    return s * NC + c



def _deg_body(dst_hbm, ones_hbm, zeros_hbm, out_hbm, idx_v, ones_v, accum, sem):
    c = lax.axis_index("c")
    s = lax.axis_index("s")
    wid = _worker(c, s)
    pltpu.sync_copy(dst_hbm.at[wid], idx_v)
    pltpu.sync_copy(ones_hbm, ones_v)
    pltpu.sync_copy(zeros_hbm.at[pl.ds(s * RPT, RPT), pl.ds(0, 16)],
                    accum.at[pl.ds(s * RPT, RPT)])
    plsc.subcore_barrier()

    @pl.loop(0, CH, step=5)
    def _grp(i):
        for b in range(5):
            pltpu.async_copy(ones_v, accum.at[idx_v.at[i + b]], sem, add=True)
        for b in range(5):
            pltpu.make_async_copy(ones_v, accum.at[idx_v.at[i + b]], sem).wait()

    plsc.subcore_barrier()
    pltpu.sync_copy(accum.at[pl.ds(s * RPT, RPT)],
                    out_hbm.at[c, pl.ds(s * RPT, RPT)])


_deg_kernel = pl.kernel(
    _deg_body,
    out_type=jax.ShapeDtypeStruct((NC, NA, 16), jnp.float32),
    mesh=plsc.VectorSubcoreMesh(core_axis_name="c", subcore_axis_name="s",
                                num_cores=NC, num_subcores=NS),
    compiler_params=pltpu.CompilerParams(use_tc_tiling_on_sc=False),
    scratch_types=[
        pltpu.VMEM((CH, K), jnp.int32),
        pltpu.VMEM((K, 16), jnp.float32),
        pltpu.VMEM_SHARED((NA, 16), jnp.float32),
        pltpu.SemaphoreType.DMA,
    ],
)


def _prop_body(fw, npair, *refs):
    ys = refs[:npair]
    src_hbm, dst_hbm, zeros_hbm = refs[npair:npair + 3]
    outs = refs[npair + 3:2 * npair + 3]
    scr = refs[2 * npair + 3:]
    src_v, dst_v, bufs, accum = scr[:4]
    sems = scr[4:]

    c = lax.axis_index("c")
    s = lax.axis_index("s")
    wid = _worker(c, s)
    pltpu.sync_copy(src_hbm.at[wid], src_v)
    pltpu.sync_copy(dst_hbm.at[wid], dst_v)

    for b in range(NBUF):
        pltpu.async_copy(ys[0].at[src_v.at[b]], bufs.at[b], sems[b])

    for h, (y_hbm, out_hbm) in enumerate(zip(ys, outs)):
        pltpu.sync_copy(zeros_hbm.at[pl.ds(s * RPT, RPT), pl.ds(0, fw)],
                        accum.at[pl.ds(s * RPT, RPT)])
        plsc.subcore_barrier()

        @pl.loop(0, CH, step=NBUF)
        def _grp(i):
            for b in range(NBUF):
                ch = i + b
                pltpu.make_async_copy(y_hbm.at[src_v.at[ch]], bufs.at[b],
                                      sems[b]).wait()
                pltpu.sync_copy(bufs.at[b], accum.at[dst_v.at[ch]], add=True)

                @pl.when(ch + NBUF < CH)
                def _refill():
                    pltpu.async_copy(y_hbm.at[src_v.at[ch + NBUF]],
                                     bufs.at[b], sems[b])

        plsc.subcore_barrier()
        if h + 1 < len(ys):
            for b in range(NBUF):
                pltpu.async_copy(ys[h + 1].at[src_v.at[b]], bufs.at[b],
                                 sems[b])
        pltpu.sync_copy(accum.at[pl.ds(s * RPT, RPT)],
                        out_hbm.at[c, pl.ds(s * RPT, RPT)])


def _make_prop(fw, npair):
    return pl.kernel(
        functools.partial(_prop_body, fw, npair),
        out_type=[jax.ShapeDtypeStruct((NC, NA, fw), jnp.float32)] * npair,
        mesh=plsc.VectorSubcoreMesh(core_axis_name="c", subcore_axis_name="s",
                                    num_cores=NC, num_subcores=NS),
        compiler_params=pltpu.CompilerParams(use_tc_tiling_on_sc=False),
        scratch_types=[
            pltpu.VMEM((CH, K), jnp.int32),
            pltpu.VMEM((CH, K), jnp.int32),
            pltpu.VMEM((NBUF, K, fw), jnp.float32),
            pltpu.VMEM_SHARED((NA, fw), jnp.float32),
        ] + [pltpu.SemaphoreType.DMA] * NBUF,
    )


_prop128 = _make_prop(128, 2)
_prop48 = _make_prop(48, 1)


def _prop256_body(y_hbm, src_hbm, dst_hbm, zeros_hbm, out_hbm,
                  src_v, dst_v, bufs, accum, *sems):
    c = lax.axis_index("c")
    s = lax.axis_index("s")
    pltpu.sync_copy(src_hbm.at[s], src_v)
    pltpu.sync_copy(dst_hbm.at[s], dst_v)
    yh = y_hbm.at[c]

    for b in range(NBUF):
        pltpu.async_copy(yh.at[src_v.at[b]], bufs.at[b], sems[b])
    pltpu.sync_copy(zeros_hbm.at[pl.ds(s * RPT, RPT)],
                    accum.at[pl.ds(s * RPT, RPT)])
    plsc.subcore_barrier()

    @pl.loop(0, CH2, step=NBUF)
    def _grp(i):
        for b in range(NBUF):
            ch = i + b
            pltpu.make_async_copy(yh.at[src_v.at[ch]], bufs.at[b],
                                  sems[b]).wait()
            pltpu.sync_copy(bufs.at[b], accum.at[dst_v.at[ch]], add=True)

            @pl.when(ch + NBUF < CH2)
            def _refill():
                pltpu.async_copy(yh.at[src_v.at[ch + NBUF]],
                                 bufs.at[b], sems[b])

    plsc.subcore_barrier()
    pltpu.sync_copy(accum.at[pl.ds(s * RPT, RPT)],
                    out_hbm.at[c, pl.ds(s * RPT, RPT)])


_prop256 = pl.kernel(
    _prop256_body,
    out_type=jax.ShapeDtypeStruct((NC, NA, 128), jnp.float32),
    mesh=plsc.VectorSubcoreMesh(core_axis_name="c", subcore_axis_name="s",
                                num_cores=NC, num_subcores=NS),
    compiler_params=pltpu.CompilerParams(use_tc_tiling_on_sc=False),
    scratch_types=[
        pltpu.VMEM((CH2, K), jnp.int32),
        pltpu.VMEM((CH2, K), jnp.int32),
        pltpu.VMEM((NBUF, K, 128), jnp.float32),
        pltpu.VMEM_SHARED((NA, 128), jnp.float32),
    ] + [pltpu.SemaphoreType.DMA] * NBUF,
)



def _norm_from(degp_ref):
    deg = degp_ref[0, :, 0] + degp_ref[1, :, 0]
    return lax.rsqrt(jnp.maximum(deg, 1.0))


def _mm1_body(x_ref, w_ref, degp_ref, y_ref):
    norm = _norm_from(degp_ref)
    y = jnp.dot(x_ref[...], w_ref[...],
                preferred_element_type=jnp.float32) * norm[:, None]
    y_ref[0] = y[:, :128]
    y_ref[1] = y[:, 128:]


_mm1 = pl.pallas_call(
    _mm1_body,
    grid=(N_NODES // BM,),
    in_specs=[
        pl.BlockSpec((BM, 256), lambda i: (i, 0)),
        pl.BlockSpec((256, 256), lambda i: (0, 0)),
        pl.BlockSpec((2, BM, 16), lambda i: (0, i, 0)),
    ],
    out_specs=pl.BlockSpec((2, BM, 128), lambda i: (0, i, 0)),
    out_shape=jax.ShapeDtypeStruct((2, N_NODES, 128), jnp.float32),
)


def _mm2_body(p_ref, degp_ref, b_ref, w_ref, y_ref):
    norm = _norm_from(degp_ref)
    nc = norm[:, None]
    ha = jnp.maximum(p_ref[0] * nc + b_ref[0, :128], 0.0)
    hb = jnp.maximum(p_ref[1] * nc + b_ref[0, 128:], 0.0)
    y = (jnp.dot(ha, w_ref[:128, :], preferred_element_type=jnp.float32)
         + jnp.dot(hb, w_ref[128:, :], preferred_element_type=jnp.float32)) * nc
    y_ref[0] = y[:, :128]
    y_ref[1] = y[:, 128:]


_mm2 = pl.pallas_call(
    _mm2_body,
    grid=(N_NODES // BM,),
    in_specs=[
        pl.BlockSpec((2, BM, 128), lambda i: (0, i, 0)),
        pl.BlockSpec((2, BM, 16), lambda i: (0, i, 0)),
        pl.BlockSpec((1, 256), lambda i: (0, 0)),
        pl.BlockSpec((256, 256), lambda i: (0, 0)),
    ],
    out_specs=pl.BlockSpec((2, BM, 128), lambda i: (0, i, 0)),
    out_shape=jax.ShapeDtypeStruct((2, N_NODES, 128), jnp.float32),
)


def _mm3_body(p_ref, degp_ref, b_ref, w_ref, y_ref):
    norm = _norm_from(degp_ref)
    nc = norm[:, None]
    ha = jnp.maximum(p_ref[0] * nc + b_ref[0, :128], 0.0)
    hb = jnp.maximum(p_ref[1] * nc + b_ref[0, 128:], 0.0)
    y_ref[...] = (jnp.dot(ha, w_ref[:128, :], preferred_element_type=jnp.float32)
                  + jnp.dot(hb, w_ref[128:, :],
                            preferred_element_type=jnp.float32)) * nc


_mm3 = pl.pallas_call(
    _mm3_body,
    grid=(N_NODES // BM,),
    in_specs=[
        pl.BlockSpec((2, BM, 128), lambda i: (0, i, 0)),
        pl.BlockSpec((2, BM, 16), lambda i: (0, i, 0)),
        pl.BlockSpec((1, 256), lambda i: (0, 0)),
        pl.BlockSpec((256, 48), lambda i: (0, 0)),
    ],
    out_specs=pl.BlockSpec((BM, 48), lambda i: (i, 0)),
    out_shape=jax.ShapeDtypeStruct((N_NODES, 48), jnp.float32),
)


def _final_body(p_ref, degp_ref, b_ref, o_ref):
    norm = _norm_from(degp_ref)
    o_ref[...] = ((p_ref[0, :, :40] + p_ref[1, :, :40]) * norm[:, None]
                  + b_ref[0])


_final = pl.pallas_call(
    _final_body,
    grid=(N_NODES // BM,),
    in_specs=[
        pl.BlockSpec((2, BM, 48), lambda i: (0, i, 0)),
        pl.BlockSpec((2, BM, 16), lambda i: (0, i, 0)),
        pl.BlockSpec((1, 40), lambda i: (0, 0)),
    ],
    out_specs=pl.BlockSpec((BM, 40), lambda i: (i, 0)),
    out_shape=jax.ShapeDtypeStruct((N_NODES, 40), jnp.float32),
)



def kernel(features, edge_index, W1, b1, W2, b2, W3, b3):
    src_t = edge_index[0].reshape(NW, CH, K)
    dst_t = edge_index[1].reshape(NW, CH, K)
    srcp = edge_index[0].reshape(NS, CH2, K)
    dstp = edge_index[1].reshape(NS, CH2, K)

    ones16 = jnp.ones((K, 16), jnp.float32)
    zeros128 = jnp.zeros((NA, 128), jnp.float32)
    W3p = jnp.pad(W3, ((0, 0), (0, 48 - W3.shape[1])))
    b1r = b1.reshape(1, 256)
    b2r = b2.reshape(1, 256)
    b3r = b3.reshape(1, 40)

    degp = _deg_kernel(dst_t, ones16, zeros128)
    y1 = _mm1(features, W1, degp)
    p1 = _prop256(y1, srcp, dstp, zeros128)
    y2 = _mm2(p1, degp, b1r, W2)
    p2 = _prop256(y2, srcp, dstp, zeros128)
    y3 = _mm3(p2, degp, b2r, W3p)
    (p3,) = _prop48(y3, src_t, dst_t, zeros128)
    return _final(p3, degp, b3r)

# --- scband reference (transcript-rebuilt; emitter-appended) ---
"""Pipeline reference for scband-gcn-original-76905684402819 (READ-ONLY COPY).

The authoritative reference and input builder live on the scoring server;
editing this copy changes nothing except your own understanding.
"""

import jax, jax.numpy as jnp
import numpy as np

N = 10000
E = 160000
D = 256
H = 256
C = 40


def glorot(key, shape):
    fan_in, fan_out = shape[0], shape[1]
    limit = np.sqrt(6.0 / (fan_in + fan_out))
    return jax.random.uniform(key, shape, dtype=jnp.float32, minval=-limit, maxval=limit)


def setup_inputs(seed: int = 0) -> dict:
    key = jax.random.key(seed)
    ks = jax.random.split(key, 8)
    features = jax.random.normal(ks[0], (N, D), dtype=jnp.float32)
    edge_index = jax.random.randint(ks[1], (2, E), 0, N, dtype=jnp.int32)
    W1 = glorot(ks[2], (D, H))
    b1 = jnp.zeros((H,), jnp.float32)
    W2 = glorot(ks[3], (H, H))
    b2 = jnp.zeros((H,), jnp.float32)
    W3 = glorot(ks[4], (H, C))
    b3 = jnp.zeros((C,), jnp.float32)
    return {"features": features, "edge_index": edge_index,
            "W1": W1, "b1": b1, "W2": W2, "b2": b2, "W3": W3, "b3": b3}


def gcn_layer(x, src, dst, W, b):
    # DGL GraphConv with norm='both': h = D^{-1/2} A D^{-1/2} (X W) + b
    deg = jnp.zeros((N,), jnp.float32).at[dst].add(1.0)
    deg = jnp.maximum(deg, 1.0)
    norm = 1.0 / jnp.sqrt(deg)
    xw = x @ W
    msg = xw[src] * norm[src][:, None]
    agg = jnp.zeros((N, xw.shape[1]), jnp.float32).at[dst].add(msg)
    return agg * norm[:, None] + b


def reference(features, edge_index, W1, b1, W2, b2, W3, b3):
    src, dst = edge_index[0], edge_index[1]
    h = jax.nn.relu(gcn_layer(features, src, dst, W1, b1))
    # dropout omitted (eval mode, self.training=False -> identity)
    h = jax.nn.relu(gcn_layer(h, src, dst, W2, b2))
    logits = gcn_layer(h, src, dst, W3, b3)
    return logits

if __name__ == "__main__":
    import jax
    _d = setup_inputs()
    print(jax.jit(kernel)(*tuple(_d.values())))

</pallas_src>

<mosaic_0001>
#map = affine_map<(d0, d1) -> (0, 0, 0)>
#map1 = affine_map<(d0, d1) -> (0, 0)>
module attributes {stable_mosaic.version = 14 : i64} {
  func.func @_prop256_body(%arg0: i32, %arg1: i32, %arg2: memref<2x10000x128xf32, #tpu.memory_space<hbm>>, %arg3: memref<16x250x40xi32, #tpu.memory_space<hbm>>, %arg4: memref<16x250x40xi32, #tpu.memory_space<hbm>>, %arg5: memref<10112x128xf32, #tpu.memory_space<hbm>>, %arg6: memref<2x10112x128xf32, #tpu.memory_space<hbm>>, %arg7: memref<250x40xi32, #tpu.memory_space<vmem>>, %arg8: memref<250x40xi32, #tpu.memory_space<vmem>>, %arg9: memref<5x40x128xf32, #tpu.memory_space<vmem>>, %arg10: memref<10112x128xf32, #tpu.memory_space<vmem_shared>>, %arg11: memref<!tpu.dma_semaphore, #tpu.memory_space<semaphore_mem>>, %arg12: memref<!tpu.dma_semaphore, #tpu.memory_space<semaphore_mem>>, %arg13: memref<!tpu.dma_semaphore, #tpu.memory_space<semaphore_mem>>, %arg14: memref<!tpu.dma_semaphore, #tpu.memory_space<semaphore_mem>>, %arg15: memref<!tpu.dma_semaphore, #tpu.memory_space<semaphore_mem>>) attributes {dimension_semantics = [#tpu.dimension_semantics<core_parallel>, #tpu.dimension_semantics<subcore_parallel>], iteration_bounds = array<i64: 2, 16>, scalar_prefetch = 0 : i64, scratch_operands = 9 : i64, tpu.core_type = #tpu.core_type<sc_vector_subcore>, window_params = [{transform_indices = #map}, {transform_indices = #map}, {transform_indices = #map}, {transform_indices = #map1}, {transform_indices = #map}]} {
    "tpu.region"() ({
      %run_scoped3A = tpu.sem_alloc : memref<!tpu.dma_semaphore, #tpu.memory_space<semaphore_mem>>
      %dma_start3A_91 = arith.constant 0 : i32
      %dma_start3A_92 = arith.constant 0 : i32
      %dma_start3A_93 = tpu.memref_slice %arg3[%arg1, %dma_start3A_91, %dma_start3A_92] : memref<16x250x40xi32, #tpu.memory_space<hbm>> -> memref<1x250x40xi32, #tpu.memory_space<hbm>>
      %dma_start3A_94 = tpu.memref_squeeze %dma_start3A_93 : memref<1x250x40xi32, #tpu.memory_space<hbm>> -> memref<250x40xi32, #tpu.memory_space<hbm>>
      %dma_start3A_95 = arith.constant 0 : i32
      %dma_start3A_96 = arith.constant 0 : i32
      %dma_start3A_97 = tpu.memref_slice %arg3[%arg1, %dma_start3A_95, %dma_start3A_96] : memref<16x250x40xi32, #tpu.memory_space<hbm>> -> memref<1x250x40xi32, #tpu.memory_space<hbm>>
      %dma_start3A_98 = tpu.memref_squeeze %dma_start3A_97 : memref<1x250x40xi32, #tpu.memory_space<hbm>> -> memref<250x40xi32, #tpu.memory_space<hbm>>
      tpu.enqueue_dma source(%dma_start3A_98 : memref<250x40xi32, #tpu.memory_space<hbm>>) target(%arg7 : memref<250x40xi32, #tpu.memory_space<vmem>>) target_semaphore(%run_scoped3A : memref<!tpu.dma_semaphore, #tpu.memory_space<semaphore_mem>>)
      %dma_wait3A = arith.constant 0 : i32
      %dma_wait3A_99 = arith.constant 0 : i32
      %dma_wait3A_100 = tpu.memref_slice %arg3[%arg1, %dma_wait3A, %dma_wait3A_99] : memref<16x250x40xi32, #tpu.memory_space<hbm>> -> memref<1x250x40xi32, #tpu.memory_space<hbm>>
      %dma_wait3A_101 = tpu.memref_squeeze %dma_wait3A_100 : memref<1x250x40xi32, #tpu.memory_space<hbm>> -> memref<250x40xi32, #tpu.memory_space<hbm>>
      %dma_wait3A_102 = arith.constant 0 : i32
      %dma_wait3A_103 = arith.constant 0 : i32
      %dma_wait3A_104 = tpu.memref_slice %arg3[%arg1, %dma_wait3A_102, %dma_wait3A_103] : memref<16x250x40xi32, #tpu.memory_space<hbm>> -> memref<1x250x40xi32, #tpu.memory_space<hbm>>
      %dma_wait3A_105 = tpu.memref_squeeze %dma_wait3A_104 : memref<1x250x40xi32, #tpu.memory_space<hbm>> -> memref<250x40xi32, #tpu.memory_space<hbm>>
      tpu.wait_dma2 semaphore(%run_scoped3A : memref<!tpu.dma_semaphore, #tpu.memory_space<semaphore_mem>>) src(%dma_wait3A_105 : memref<250x40xi32, #tpu.memory_space<hbm>>) dst(%arg7 : memref<250x40xi32, #tpu.memory_space<vmem>>)
      tpu.yield
    }) : () -> ()
    "tpu.region"() ({
      %run_scoped3A = tpu.sem_alloc : memref<!tpu.dma_semaphore, #tpu.memory_space<semaphore_mem>>
      %dma_start3A_91 = arith.constant 0 : i32
      %dma_start3A_92 = arith.constant 0 : i32
      %dma_start3A_93 = tpu.memref_slice %arg4[%arg1, %dma_start3A_91, %dma_start3A_92] : memref<16x250x40xi32, #tpu.memory_space<hbm>> -> memref<1x250x40xi32, #tpu.memory_space<hbm>>
      %dma_start3A_94 = tpu.memref_squeeze %dma_start3A_93 : memref<1x250x40xi32, #tpu.memory_space<hbm>> -> memref<250x40xi32, #tpu.memory_space<hbm>>
      %dma_start3A_95 = arith.constant 0 : i32
      %dma_start3A_96 = arith.constant 0 : i32
      %dma_start3A_97 = tpu.memref_slice %arg4[%arg1, %dma_start3A_95, %dma_start3A_96] : memref<16x250x40xi32, #tpu.memory_space<hbm>> -> memref<1x250x40xi32, #tpu.memory_space<hbm>>
      %dma_start3A_98 = tpu.memref_squeeze %dma_start3A_97 : memref<1x250x40xi32, #tpu.memory_space<hbm>> -> memref<250x40xi32, #tpu.memory_space<hbm>>
      tpu.enqueue_dma source(%dma_start3A_98 : memref<250x40xi32, #tpu.memory_space<hbm>>) target(%arg8 : memref<250x40xi32, #tpu.memory_space<vmem>>) target_semaphore(%run_scoped3A : memref<!tpu.dma_semaphore, #tpu.memory_space<semaphore_mem>>)
      %dma_wait3A = arith.constant 0 : i32
      %dma_wait3A_99 = arith.constant 0 : i32
      %dma_wait3A_100 = tpu.memref_slice %arg4[%arg1, %dma_wait3A, %dma_wait3A_99] : memref<16x250x40xi32, #tpu.memory_space<hbm>> -> memref<1x250x40xi32, #tpu.memory_space<hbm>>
      %dma_wait3A_101 = tpu.memref_squeeze %dma_wait3A_100 : memref<1x250x40xi32, #tpu.memory_space<hbm>> -> memref<250x40xi32, #tpu.memory_space<hbm>>
      %dma_wait3A_102 = arith.constant 0 : i32
      %dma_wait3A_103 = arith.constant 0 : i32
      %dma_wait3A_104 = tpu.memref_slice %arg4[%arg1, %dma_wait3A_102, %dma_wait3A_103] : memref<16x250x40xi32, #tpu.memory_space<hbm>> -> memref<1x250x40xi32, #tpu.memory_space<hbm>>
      %dma_wait3A_105 = tpu.memref_squeeze %dma_wait3A_104 : memref<1x250x40xi32, #tpu.memory_space<hbm>> -> memref<250x40xi32, #tpu.memory_space<hbm>>
      tpu.wait_dma2 semaphore(%run_scoped3A : memref<!tpu.dma_semaphore, #tpu.memory_space<semaphore_mem>>) src(%dma_wait3A_105 : memref<250x40xi32, #tpu.memory_space<hbm>>) dst(%arg8 : memref<250x40xi32, #tpu.memory_space<vmem>>)
      tpu.yield
    }) : () -> ()
    %dma_start3A = arith.constant 0 : i32
    %dma_start3A_0 = arith.constant 0 : i32
    %dma_start3A_1 = arith.constant 0 : i32
    %dma_start3A_2 = arith.constant 0 : i32
    %dma_start3A_3 = tpu.memref_slice %arg9[%dma_start3A_0, %dma_start3A_1, %dma_start3A_2] : memref<5x40x128xf32, #tpu.memory_space<vmem>> -> memref<1x40x128xf32, #tpu.memory_space<vmem>>
    %dma_start3A_4 = tpu.memref_squeeze %dma_start3A_3 : memref<1x40x128xf32, #tpu.memory_space<vmem>> -> memref<40x128xf32, #tpu.memory_space<vmem>>
    %dma_start3A_5 = arith.constant 0 : i32
    %dma_start3A_6 = tpu.memref_slice %arg7[%dma_start3A, %dma_start3A_5] : memref<250x40xi32, #tpu.memory_space<vmem>> -> memref<1x40xi32, #tpu.memory_space<vmem>>
    %dma_start3A_7 = tpu.memref_squeeze %dma_start3A_6 : memref<1x40xi32, #tpu.memory_space<vmem>> -> memref<40xi32, #tpu.memory_space<vmem>>
    %dma_start3A_8 = arith.constant 0 : i32
    %dma_start3A_9 = arith.constant 0 : i32
    %dma_start3A_10 = tpu.memref_slice %arg2[%arg0, %dma_start3A_8, %dma_start3A_9] : memref<2x10000x128xf32, #tpu.memory_space<hbm>> -> memref<1x10000x128xf32, #tpu.memory_space<hbm>>
    %dma_start3A_11 = tpu.memref_squeeze %dma_start3A_10 : memref<1x10000x128xf32, #tpu.memory_space<hbm>> -> memref<10000x128xf32, #tpu.memory_space<hbm>>
    %dma_start3A_12 = arith.constant 0 : i32
    %dma_start3A_13 = arith.constant 0 : i32
    %dma_start3A_14 = tpu.memref_slice %dma_start3A_11[%dma_start3A_12, %dma_start3A_13] : memref<10000x128xf32, #tpu.memory_space<hbm>> -> memref<10000x128xf32, #tpu.memory_space<hbm>>
    tpu.enqueue_indirect_dma source(%dma_start3A_14 : memref<10000x128xf32, #tpu.memory_space<hbm>>) target(%dma_start3A_4 : memref<40x128xf32, #tpu.memory_space<vmem>>) offsets(%dma_start3A_7 : memref<40xi32, #tpu.memory_space<vmem>>) semaphore(%arg11 : memref<!tpu.dma_semaphore, #tpu.memory_space<semaphore_mem>>)
    %dma_start3A_15 = arith.constant 1 : i32
    %dma_start3A_16 = arith.constant 1 : i32
    %dma_start3A_17 = arith.constant 0 : i32
    %dma_start3A_18 = arith.constant 0 : i32
    %dma_start3A_19 = tpu.memref_slice %arg9[%dma_start3A_16, %dma_start3A_17, %dma_start3A_18] : memref<5x40x128xf32, #tpu.memory_space<vmem>> -> memref<1x40x128xf32, #tpu.memory_space<vmem>>
    %dma_start3A_20 = tpu.memref_squeeze %dma_start3A_19 : memref<1x40x128xf32, #tpu.memory_space<vmem>> -> memref<40x128xf32, #tpu.memory_space<vmem>>
    %dma_start3A_21 = arith.constant 0 : i32
    %dma_start3A_22 = tpu.memref_slice %arg7[%dma_start3A_15, %dma_start3A_21] : memref<250x40xi32, #tpu.memory_space<vmem>> -> memref<1x40xi32, #tpu.memory_space<vmem>>
    %dma_start3A_23 = tpu.memref_squeeze %dma_start3A_22 : memref<1x40xi32, #tpu.memory_space<vmem>> -> memref<40xi32, #tpu.memory_space<vmem>>
    %dma_start3A_24 = arith.constant 0 : i32
    %dma_start3A_25 = arith.constant 0 : i32
    %dma_start3A_26 = tpu.memref_slice %arg2[%arg0, %dma_start3A_24, %dma_start3A_25] : memref<2x10000x128xf32, #tpu.memory_space<hbm>> -> memref<1x10000x128xf32, #tpu.memory_space<hbm>>
    %dma_start3A_27 = tpu.memref_squeeze %dma_start3A_26 : memref<1x10000x128xf32, #tpu.memory_space<hbm>> -> memref<10000x128xf32, #tpu.memory_space<hbm>>
    %dma_start3A_28 = arith.constant 0 : i32
    %dma_start3A_29 = arith.constant 0 : i32
    %dma_start3A_30 = tpu.memref_slice %dma_start3A_27[%dma_start3A_28, %dma_start3A_29] : memref<10000x128xf32, #tpu.memory_space<hbm>> -> memref<10000x128xf32, #tpu.memory_space<hbm>>
    tpu.enqueue_indirect_dma source(%dma_start3A_30 : memref<10000x128xf32, #tpu.memory_space<hbm>>) target(%dma_start3A_20 : memref<40x128xf32, #tpu.memory_space<vmem>>) offsets(%dma_start3A_23 : memref<40xi32, #tpu.memory_space<vmem>>) semaphore(%arg12 : memref<!tpu.dma_semaphore, #tpu.memory_space<semaphore_mem>>)
    %dma_start3A_31 = arith.constant 2 : i32
    %dma_start3A_32 = arith.constant 2 : i32
    %dma_start3A_33 = arith.constant 0 : i32
    %dma_start3A_34 = arith.constant 0 : i32
    %dma_start3A_35 = tpu.memref_slice %arg9[%dma_start3A_32, %dma_start3A_33, %dma_start3A_34] : memref<5x40x128xf32, #tpu.memory_space<vmem>> -> memref<1x40x128xf32, #tpu.memory_space<vmem>>
    %dma_start3A_36 = tpu.memref_squeeze %dma_start3A_35 : memref<1x40x128xf32, #tpu.memory_space<vmem>> -> memref<40x128xf32, #tpu.memory_space<vmem>>
    %dma_start3A_37 = arith.constant 0 : i32
    %dma_start3A_38 = tpu.memref_slice %arg7[%dma_start3A_31, %dma_start3A_37] : memref<250x40xi32, #tpu.memory_space<vmem>> -> memref<1x40xi32, #tpu.memory_space<vmem>>
    %dma_start3A_39 = tpu.memref_squeeze %dma_start3A_38 : memref<1x40xi32, #tpu.memory_space<vmem>> -> memref<40xi32, #tpu.memory_space<vmem>>
    %dma_start3A_40 = arith.constant 0 : i32
    %dma_start3A_41 = arith.constant 0 : i32
    %dma_start3A_42 = tpu.memref_slice %arg2[%arg0, %dma_start3A_40, %dma_start3A_41] : memref<2x10000x128xf32, #tpu.memory_space<hbm>> -> memref<1x10000x128xf32, #tpu.memory_space<hbm>>
    %dma_start3A_43 = tpu.memref_squeeze %dma_start3A_42 : memref<1x10000x128xf32, #tpu.memory_space<hbm>> -> memref<10000x128xf32, #tpu.memory_space<hbm>>
    %dma_start3A_44 = arith.constant 0 : i32
    %dma_start3A_45 = arith.constant 0 : i32
    %dma_start3A_46 = tpu.memref_slice %dma_start3A_43[%dma_start3A_44, %dma_start3A_45] : memref<10000x128xf32, #tpu.memory_space<hbm>> -> memref<10000x128xf32, #tpu.memory_space<hbm>>
    tpu.enqueue_indirect_dma source(%dma_start3A_46 : memref<10000x128xf32, #tpu.memory_space<hbm>>) target(%dma_start3A_36 : memref<40x128xf32, #tpu.memory_space<vmem>>) offsets(%dma_start3A_39 : memref<40xi32, #tpu.memory_space<vmem>>) semaphore(%arg13 : memref<!tpu.dma_semaphore, #tpu.memory_space<semaphore_mem>>)
    %dma_start3A_47 = arith.constant 3 : i32
    %dma_start3A_48 = arith.constant 3 : i32
    %dma_start3A_49 = arith.constant 0 : i32
    %dma_start3A_50 = arith.constant 0 : i32
    %dma_start3A_51 = tpu.memref_slice %arg9[%dma_start3A_48, %dma_start3A_49, %dma_start3A_50] : memref<5x40x128xf32, #tpu.memory_space<vmem>> -> memref<1x40x128xf32, #tpu.memory_space<vmem>>
    %dma_start3A_52 = tpu.memref_squeeze %dma_start3A_51 : memref<1x40x128xf32, #tpu.memory_space<vmem>> -> memref<40x128xf32, #tpu.memory_space<vmem>>
    %dma_start3A_53 = arith.constant 0 : i32
    %dma_start3A_54 = tpu.memref_slice %arg7[%dma_start3A_47, %dma_start3A_53] : memref<250x40xi32, #tpu.memory_space<vmem>> -> memref<1x40xi32, #tpu.memory_space<vmem>>
    %dma_start3A_55 = tpu.memref_squeeze %dma_start3A_54 : memref<1x40xi32, #tpu.memory_space<vmem>> -> memref<40xi32, #tpu.memory_space<vmem>>
    %dma_start3A_56 = arith.constant 0 : i32
    %dma_start3A_57 = arith.constant 0 : i32
    %dma_start3A_58 = tpu.memref_slice %arg2[%arg0, %dma_start3A_56, %dma_start3A_57] : memref<2x10000x128xf32, #tpu.memory_space<hbm>> -> memref<1x10000x128xf32, #tpu.memory_space<hbm>>
    %dma_start3A_59 = tpu.memref_squeeze %dma_start3A_58 : memref<1x10000x128xf32, #tpu.memory_space<hbm>> -> memref<10000x128xf32, #tpu.memory_space<hbm>>
    %dma_start3A_60 = arith.constant 0 : i32
    %dma_start3A_61 = arith.constant 0 : i32
    %dma_start3A_62 = tpu.memref_slice %dma_start3A_59[%dma_start3A_60, %dma_start3A_61] : memref<10000x128xf32, #tpu.memory_space<hbm>> -> memref<10000x128xf32, #tpu.memory_space<hbm>>
    tpu.enqueue_indirect_dma source(%dma_start3A_62 : memref<10000x128xf32, #tpu.memory_space<hbm>>) target(%dma_start3A_52 : memref<40x128xf32, #tpu.memory_space<vmem>>) offsets(%dma_start3A_55 : memref<40xi32, #tpu.memory_space<vmem>>) semaphore(%arg14 : memref<!tpu.dma_semaphore, #tpu.memory_space<semaphore_mem>>)
    %dma_start3A_63 = arith.constant 4 : i32
    %dma_start3A_64 = arith.constant 4 : i32
    %dma_start3A_65 = arith.constant 0 : i32
    %dma_start3A_66 = arith.constant 0 : i32
    %dma_start3A_67 = tpu.memref_slice %arg9[%dma_start3A_64, %dma_start3A_65, %dma_start3A_66] : memref<5x40x128xf32, #tpu.memory_space<vmem>> -> memref<1x40x128xf32, #tpu.memory_space<vmem>>
    %dma_start3A_68 = tpu.memref_squeeze %dma_start3A_67 : memref<1x40x128xf32, #tpu.memory_space<vmem>> -> memref<40x128xf32, #tpu.memory_space<vmem>>
    %dma_start3A_69 = arith.constant 0 : i32
    %dma_start3A_70 = tpu.memref_slice %arg7[%dma_start3A_63, %dma_start3A_69] : memref<250x40xi32, #tpu.memory_space<vmem>> -> memref<1x40xi32, #tpu.memory_space<vmem>>
    %dma_start3A_71 = tpu.memref_squeeze %dma_start3A_70 : memref<1x40xi32, #tpu.memory_space<vmem>> -> memref<40xi32, #tpu.memory_space<vmem>>
    %dma_start3A_72 = arith.constant 0 : i32
    %dma_start3A_73 = arith.constant 0 : i32
    %dma_start3A_74 = tpu.memref_slice %arg2[%arg0, %dma_start3A_72, %dma_start3A_73] : memref<2x10000x128xf32, #tpu.memory_space<hbm>> -> memref<1x10000x128xf32, #tpu.memory_space<hbm>>
    %dma_start3A_75 = tpu.memref_squeeze %dma_start3A_74 : memref<1x10000x128xf32, #tpu.memory_space<hbm>> -> memref<10000x128xf32, #tpu.memory_space<hbm>>
    %dma_start3A_76 = arith.constant 0 : i32
    %dma_start3A_77 = arith.constant 0 : i32
    %dma_start3A_78 = tpu.memref_slice %dma_start3A_75[%dma_start3A_76, %dma_start3A_77] : memref<10000x128xf32, #tpu.memory_space<hbm>> -> memref<10000x128xf32, #tpu.memory_space<hbm>>
    tpu.enqueue_indirect_dma source(%dma_start3A_78 : memref<10000x128xf32, #tpu.memory_space<hbm>>) target(%dma_start3A_68 : memref<40x128xf32, #tpu.memory_space<vmem>>) offsets(%dma_start3A_71 : memref<40xi32, #tpu.memory_space<vmem>>) semaphore(%arg15 : memref<!tpu.dma_semaphore, #tpu.memory_space<semaphore_mem>>)
    %mul3A = arith.constant 632 : i32
    %mul3A_79 = arith.muli %arg1, %mul3A : i32
    %mul3A_80 = arith.constant 632 : i32
    %mul3A_81 = arith.muli %arg1, %mul3A_80 : i32
    "tpu.region"() ({
      %run_scoped3A = tpu.sem_alloc : memref<!tpu.dma_semaphore, #tpu.memory_space<semaphore_mem>>
      %dma_start3A_91 = arith.constant 0 : i32
      %dma_start3A_92 = tpu.memref_slice %arg10[%mul3A_81, %dma_start3A_91] : memref<10112x128xf32, #tpu.memory_space<vmem_shared>> -> memref<632x128xf32, #tpu.memory_space<vmem_shared>>
      %dma_start3A_93 = arith.constant 0 : i32
      %dma_start3A_94 = tpu.memref_slice %arg5[%mul3A_79, %dma_start3A_93] : memref<10112x128xf32, #tpu.memory_space<hbm>> -> memref<632x128xf32, #tpu.memory_space<hbm>>
      tpu.enqueue_dma source(%dma_start3A_94 : memref<632x128xf32, #tpu.memory_space<hbm>>) target(%dma_start3A_92 : memref<632x128xf32, #tpu.memory_space<vmem_shared>>) target_semaphore(%run_scoped3A : memref<!tpu.dma_semaphore, #tpu.memory_space<semaphore_mem>>)
      %dma_wait3A = arith.constant 0 : i32
      %dma_wait3A_95 = tpu.memref_slice %arg10[%mul3A_81, %dma_wait3A] : memref<10112x128xf32, #tpu.memory_space<vmem_shared>> -> memref<632x128xf32, #tpu.memory_space<vmem_shared>>
      %dma_wait3A_96 = arith.constant 0 : i32
      %dma_wait3A_97 = tpu.memref_slice %arg5[%mul3A_79, %dma_wait3A_96] : memref<10112x128xf32, #tpu.memory_space<hbm>> -> memref<632x128xf32, #tpu.memory_space<hbm>>
      tpu.wait_dma2 semaphore(%run_scoped3A : memref<!tpu.dma_semaphore, #tpu.memory_space<semaphore_mem>>) src(%dma_wait3A_97 : memref<632x128xf32, #tpu.memory_space<hbm>>) dst(%dma_wait3A_95 : memref<632x128xf32, #tpu.memory_space<vmem_shared>>)
      tpu.yield
    }) : () -> ()
    %barrier3A = arith.constant 0 : index
    tpu.barrier barrier_id(%barrier3A)
    %scan3A = arith.constant 0 : i32
    %scan3A_82 = arith.constant 50 : i32
    %scan3A_83 = arith.addi %scan3A, %scan3A_82 : i32
    %scan3A_84 = arith.constant 1 : i32
    scf.for %scan3A_91 = %scan3A to %scan3A_83 step %scan3A_84  : i32 {
      %mul3A_92 = arith.constant 5 : i32
      %mul3A_93 = arith.muli %scan3A_91, %mul3A_92 : i32
      %add3A = arith.constant 0 : i32
      %add3A_94 = arith.addi %add3A, %mul3A_93 : i32
      %add3A_95 = arith.constant 0 : i32
      %add3A_96 = arith.addi %add3A_94, %add3A_95 : i32
      %dma_wait3A = arith.constant 0 : i32
      %dma_wait3A_97 = arith.constant 0 : i32
      %dma_wait3A_98 = arith.constant 0 : i32
      %dma_wait3A_99 = tpu.memref_slice %arg9[%dma_wait3A, %dma_wait3A_97, %dma_wait3A_98] : memref<5x40x128xf32, #tpu.memory_space<vmem>> -> memref<1x40x128xf32, #tpu.memory_space<vmem>>
      %dma_wait3A_100 = tpu.memref_squeeze %dma_wait3A_99 : memref<1x40x128xf32, #tpu.memory_space<vmem>> -> memref<40x128xf32, #tpu.memory_space<vmem>>
      %dma_wait3A_101 = arith.constant 0 : i32
      %dma_wait3A_102 = tpu.memref_slice %arg7[%add3A_96, %dma_wait3A_101] : memref<250x40xi32, #tpu.memory_space<vmem>> -> memref<1x40xi32, #tpu.memory_space<vmem>>
      %dma_wait3A_103 = tpu.memref_squeeze %dma_wait3A_102 : memref<1x40xi32, #tpu.memory_space<vmem>> -> memref<40xi32, #tpu.memory_space<vmem>>
      %dma_wait3A_104 = arith.constant 0 : i32
      %dma_wait3A_105 = arith.constant 0 : i32
      %dma_wait3A_106 = tpu.memref_slice %arg2[%arg0, %dma_wait3A_104, %dma_wait3A_105] : memref<2x10000x128xf32, #tpu.memory_space<hbm>> -> memref<1x10000x128xf32, #tpu.memory_space<hbm>>
      %dma_wait3A_107 = tpu.memref_squeeze %dma_wait3A_106 : memref<1x10000x128xf32, #tpu.memory_space<hbm>> -> memref<10000x128xf32, #tpu.memory_space<hbm>>
      %dma_wait3A_108 = arith.constant 0 : i32
      %dma_wait3A_109 = arith.constant 0 : i32
      %dma_wait3A_110 = tpu.memref_slice %dma_wait3A_107[%dma_wait3A_108, %dma_wait3A_109] : memref<10000x128xf32, #tpu.memory_space<hbm>> -> memref<10000x128xf32, #tpu.memory_space<hbm>>
      tpu.wait_indirect_dma semaphore(%arg11 : memref<!tpu.dma_semaphore, #tpu.memory_space<semaphore_mem>>) src(%dma_wait3A_110 : memref<10000x128xf32, #tpu.memory_space<hbm>>) dst(%dma_wait3A_100 : memref<40x128xf32, #tpu.memory_space<vmem>>)
      %run_scoped3A = arith.constant 0 : i32
      "tpu.region"() ({
        %run_scoped3A_215 = tpu.sem_alloc : memref<!tpu.dma_semaphore, #tpu.memory_space<semaphore_mem>>
        %dma_start3A_216 = arith.constant 0 : i32
        %dma_start3A_217 = arith.constant 0 : i32
        %dma_start3A_218 = tpu.memref_slice %arg9[%run_scoped3A, %dma_start3A_216, %dma_start3A_217] : memref<5x40x128xf32, #tpu.memory_space<vmem>> -> memref<1x40x128xf32, #tpu.memory_space<vmem>>
        %dma_start3A_219 = tpu.memref_squeeze %dma_start3A_218 : memref<1x40x128xf32, #tpu.memory_space<vmem>> -> memref<40x128xf32, #tpu.memory_space<vmem>>
        %dma_start3A_220 = arith.constant 0 : i32
        %dma_start3A_221 = tpu.memref_slice %arg8[%add3A_96, %dma_start3A_220] : memref<250x40xi32, #tpu.memory_space<vmem>> -> memref<1x40xi32, #tpu.memory_space<vmem>>
        %dma_start3A_222 = tpu.memref_squeeze %dma_start3A_221 : memref<1x40xi32, #tpu.memory_space<vmem>> -> memref<40xi32, #tpu.memory_space<vmem>>
        %dma_start3A_223 = arith.constant 0 : i32
        %dma_start3A_224 = arith.constant 0 : i32
        %dma_start3A_225 = tpu.memref_slice %arg10[%dma_start3A_223, %dma_start3A_224] : memref<10112x128xf32, #tpu.memory_space<vmem_shared>> -> memref<10112x128xf32, #tpu.memory_space<vmem_shared>>
        tpu.enqueue_indirect_dma source(%dma_start3A_219 : memref<40x128xf32, #tpu.memory_space<vmem>>) target(%dma_start3A_225 : memref<10112x128xf32, #tpu.memory_space<vmem_shared>>) offsets(%dma_start3A_222 : memref<40xi32, #tpu.memory_space<vmem>>) semaphore(%run_scoped3A_215 : memref<!tpu.dma_semaphore, #tpu.memory_space<semaphore_mem>>) {add = true}
        %dma_wait3A_226 = arith.constant 0 : i32
        %dma_wait3A_227 = arith.constant 0 : i32
        %dma_wait3A_228 = tpu.memref_slice %arg9[%run_scoped3A, %dma_wait3A_226, %dma_wait3A_227] : memref<5x40x128xf32, #tpu.memory_space<vmem>> -> memref<1x40x128xf32, #tpu.memory_space<vmem>>
        %dma_wait3A_229 = tpu.memref_squeeze %dma_wait3A_228 : memref<1x40x128xf32, #tpu.memory_space<vmem>> -> memref<40x128xf32, #tpu.memory_space<vmem>>
        %dma_wait3A_230 = arith.constant 0 : i32
        %dma_wait3A_231 = tpu.memref_slice %arg8[%add3A_96, %dma_wait3A_230] : memref<250x40xi32, #tpu.memory_space<vmem>> -> memref<1x40xi32, #tpu.memory_space<vmem>>
        %dma_wait3A_232 = tpu.memref_squeeze %dma_wait3A_231 : memref<1x40xi32, #tpu.memory_space<vmem>> -> memref<40xi32, #tpu.memory_space<vmem>>
        %dma_wait3A_233 = arith.constant 0 : i32
        %dma_wait3A_234 = arith.constant 0 : i32
        %dma_wait3A_235 = tpu.memref_slice %arg10[%dma_wait3A_233, %dma_wait3A_234] : memref<10112x128xf32, #tpu.memory_space<vmem_shared>> -> memref<10112x128xf32, #tpu.memory_space<vmem_shared>>
        tpu.wait_indirect_dma semaphore(%run_scoped3A_215 : memref<!tpu.dma_semaphore, #tpu.memory_space<semaphore_mem>>) src(%dma_wait3A_229 : memref<40x128xf32, #tpu.memory_space<vmem>>) dst(%dma_wait3A_235 : memref<10112x128xf32, #tpu.memory_space<vmem_shared>>)
        tpu.yield
      }) : () -> ()
      %add3A_111 = arith.constant 5 : i32
      %add3A_112 = arith.addi %add3A_96, %add3A_111 : i32
      %lt3A = arith.constant 250 : i32
      %lt3A_113 = arith.cmpi slt, %add3A_112, %lt3A : i32
      %convert_element_type3A = arith.extui %lt3A_113 : i1 to i32
      %cond3A = arith.constant 0 : i32
      %cond3A_114 = arith.cmpi ne, %convert_element_type3A, %cond3A : i32
      scf.if %cond3A_114 {
        %add3A_215 = arith.constant 5 : i32
        %add3A_216 = arith.addi %add3A_96, %add3A_215 : i32
        %dma_start3A_217 = arith.constant 0 : i32
        %dma_start3A_218 = arith.constant 0 : i32
        %dma_start3A_219 = arith.constant 0 : i32
        %dma_start3A_220 = tpu.memref_slice %arg9[%dma_start3A_217, %dma_start3A_218, %dma_start3A_219] : memref<5x40x128xf32, #tpu.memory_space<vmem>> -> memref<1x40x128xf32, #tpu.memory_space<vmem>>
        %dma_start3A_221 = tpu.memref_squeeze %dma_start3A_220 : memref<1x40x128xf32, #tpu.memory_space<vmem>> -> memref<40x128xf32, #tpu.memory_space<vmem>>
        %dma_start3A_222 = arith.constant 0 : i32
        %dma_start3A_223 = tpu.memref_slice %arg7[%add3A_216, %dma_start3A_222] : memref<250x40xi32, #tpu.memory_space<vmem>> -> memref<1x40xi32, #tpu.memory_space<vmem>>
        %dma_start3A_224 = tpu.memref_squeeze %dma_start3A_223 : memref<1x40xi32, #tpu.memory_space<vmem>> -> memref<40xi32, #tpu.memory_space<vmem>>
        %dma_start3A_225 = arith.constant 0 : i32
        %dma_start3A_226 = arith.constant 0 : i32
        %dma_start3A_227 = tpu.memref_slice %arg2[%arg0, %dma_start3A_225, %dma_start3A_226] : memref<2x10000x128xf32, #tpu.memory_space<hbm>> -> memref<1x10000x128xf32, #tpu.memory_space<hbm>>
        %dma_start3A_228 = tpu.memref_squeeze %dma_start3A_227 : memref<1x10000x128xf32, #tpu.memory_space<hbm>> -> memref<10000x128xf32, #tpu.memory_space<hbm>>
        %dma_start3A_229 = arith.constant 0 : i32
        %dma_start3A_230 = arith.constant 0 : i32
        %dma_start3A_231 = tpu.memref_slice %dma_start3A_228[%dma_start3A_229, %dma_start3A_230] : memref<10000x128xf32, #tpu.memory_space<hbm>> -> memref<10000x128xf32, #tpu.memory_space<hbm>>
        tpu.enqueue_indirect_dma source(%dma_start3A_231 : memref<10000x128xf32, #tpu.memory_space<hbm>>) target(%dma_start3A_221 : memref<40x128xf32, #tpu.memory_space<vmem>>) offsets(%dma_start3A_224 : memref<40xi32, #tpu.memory_space<vmem>>) semaphore(%arg11 : memref<!tpu.dma_semaphore, #tpu.memory_space<semaphore_mem>>)
      } else {
      }
      %add3A_115 = arith.constant 1 : i32
      %add3A_116 = arith.addi %add3A_94, %add3A_115 : i32
      %dma_wait3A_117 = arith.constant 1 : i32
      %dma_wait3A_118 = arith.constant 0 : i32
      %dma_wait3A_119 = arith.constant 0 : i32
      %dma_wait3A_120 = tpu.memref_slice %arg9[%dma_wait3A_117, %dma_wait3A_118, %dma_wait3A_119] : memref<5x40x128xf32, #tpu.memory_space<vmem>> -> memref<1x40x128xf32, #tpu.memory_space<vmem>>
      %dma_wait3A_121 = tpu.memref_squeeze %dma_wait3A_120 : memref<1x40x128xf32, #tpu.memory_space<vmem>> -> memref<40x128xf32, #tpu.memory_space<vmem>>
      %dma_wait3A_122 = arith.constant 0 : i32
      %dma_wait3A_123 = tpu.memref_slice %arg7[%add3A_116, %dma_wait3A_122] : memref<250x40xi32, #tpu.memory_space<vmem>> -> memref<1x40xi32, #tpu.memory_space<vmem>>
      %dma_wait3A_124 = tpu.memref_squeeze %dma_wait3A_123 : memref<1x40xi32, #tpu.memory_space<vmem>> -> memref<40xi32, #tpu.memory_space<vmem>>
      %dma_wait3A_125 = arith.constant 0 : i32
      %dma_wait3A_126 = arith.constant 0 : i32
      %dma_wait3A_127 = tpu.memref_slice %arg2[%arg0, %dma_wait3A_125, %dma_wait3A_126] : memref<2x10000x128xf32, #tpu.memory_space<hbm>> -> memref<1x10000x128xf32, #tpu.memory_space<hbm>>
      %dma_wait3A_128 = tpu.memref_squeeze %dma_wait3A_127 : memref<1x10000x128xf32, #tpu.memory_space<hbm>> -> memref<10000x128xf32, #tpu.memory_space<hbm>>
      %dma_wait3A_129 = arith.constant 0 : i32
      %dma_wait3A_130 = arith.constant 0 : i32
      %dma_wait3A_131 = tpu.memref_slice %dma_wait3A_128[%dma_wait3A_129, %dma_wait3A_130] : memref<10000x128xf32, #tpu.memory_space<hbm>> -> memref<10000x128xf32, #tpu.memory_space<hbm>>
      tpu.wait_indirect_dma semaphore(%arg12 : memref<!tpu.dma_semaphore, #tpu.memory_space<semaphore_mem>>) src(%dma_wait3A_131 : memref<10000x128xf32, #tpu.memory_space<hbm>>) dst(%dma_wait3A_121 : memref<40x128xf32, #tpu.memory_space<vmem>>)
      %run_scoped3A_132 = arith.constant 1 : i32
      "tpu.region"() ({
        %run_scoped3A_215 = tpu.sem_alloc : memref<!tpu.dma_semaphore, #tpu.memory_space<semaphore_mem>>
        %dma_start3A_216 = arith.constant 0 : i32
        %dma_start3A_217 = arith.constant 0 : i32
        %dma_start3A_218 = tpu.memref_slice %arg9[%run_scoped3A_132, %dma_start3A_216, %dma_start3A_217] : memref<5x40x128xf32, #tpu.memory_space<vmem>> -> memref<1x40x128xf32, #tpu.memory_space<vmem>>
        %dma_start3A_219 = tpu.memref_squeeze %dma_start3A_218 : memref<1x40x128xf32, #tpu.memory_space<vmem>> -> memref<40x128xf32, #tpu.memory_space<vmem>>
        %dma_start3A_220 = arith.constant 0 : i32
        %dma_start3A_221 = tpu.memref_slice %arg8[%add3A_116, %dma_start3A_220] : memref<250x40xi32, #tpu.memory_space<vmem>> -> memref<1x40xi32, #tpu.memory_space<vmem>>
        %dma_start3A_222 = tpu.memref_squeeze %dma_start3A_221 : memref<1x40xi32, #tpu.memory_space<vmem>> -> memref<40xi32, #tpu.memory_space<vmem>>
        %dma_start3A_223 = arith.constant 0 : i32
        %dma_start3A_224 = arith.constant 0 : i32
        %dma_start3A_225 = tpu.memref_slice %arg10[%dma_start3A_223, %dma_start3A_224] : memref<10112x128xf32, #tpu.memory_space<vmem_shared>> -> memref<10112x128xf32, #tpu.memory_space<vmem_shared>>
        tpu.enqueue_indirect_dma source(%dma_start3A_219 : memref<40x128xf32, #tpu.memory_space<vmem>>) target(%dma_start3A_225 : memref<10112x128xf32, #tpu.memory_space<vmem_shared>>) offsets(%dma_start3A_222 : memref<40xi32, #tpu.memory_space<vmem>>) semaphore(%run_scoped3A_215 : memref<!tpu.dma_semaphore, #tpu.memory_space<semaphore_mem>>) {add = true}
        %dma_wait3A_226 = arith.constant 0 : i32
        %dma_wait3A_227 = arith.constant 0 : i32
        %dma_wait3A_228 = tpu.memref_slice %arg9[%run_scoped3A_132, %dma_wait3A_226, %dma_wait3A_227] : memref<5x40x128xf32, #tpu.memory_space<vmem>> -> memref<1x40x128xf32, #tpu.memory_space<vmem>>
        %dma_wait3A_229 = tpu.memref_squeeze %dma_wait3A_228 : memref<1x40x128xf32, #tpu.memory_space<vmem>> -> memref<40x128xf32, #tpu.memory_space<vmem>>
        %dma_wait3A_230 = arith.constant 0 : i32
        %dma_wait3A_231 = tpu.memref_slice %arg8[%add3A_116, %dma_wait3A_230] : memref<250x40xi32, #tpu.memory_space<vmem>> -> memref<1x40xi32, #tpu.memory_space<vmem>>
        %dma_wait3A_232 = tpu.memref_squeeze %dma_wait3A_231 : memref<1x40xi32, #tpu.memory_space<vmem>> -> memref<40xi32, #tpu.memory_space<vmem>>
        %dma_wait3A_233 = arith.constant 0 : i32
        %dma_wait3A_234 = arith.constant 0 : i32
        %dma_wait3A_235 = tpu.memref_slice %arg10[%dma_wait3A_233, %dma_wait3A_234] : memref<10112x128xf32, #tpu.memory_space<vmem_shared>> -> memref<10112x128xf32, #tpu.memory_space<vmem_shared>>
        tpu.wait_indirect_dma semaphore(%run_scoped3A_215 : memref<!tpu.dma_semaphore, #tpu.memory_space<semaphore_mem>>) src(%dma_wait3A_229 : memref<40x128xf32, #tpu.memory_space<vmem>>) dst(%dma_wait3A_235 : memref<10112x128xf32, #tpu.memory_space<vmem_shared>>)
        tpu.yield
      }) : () -> ()
      %add3A_133 = arith.constant 5 : i32
      %add3A_134 = arith.addi %add3A_116, %add3A_133 : i32
      %lt3A_135 = arith.constant 250 : i32
      %lt3A_136 = arith.cmpi slt, %add3A_134, %lt3A_135 : i32
      %convert_element_type3A_137 = arith.extui %lt3A_136 : i1 to i32
      %cond3A_138 = arith.constant 0 : i32
      %cond3A_139 = arith.cmpi ne, %convert_element_type3A_137, %cond3A_138 : i32
      scf.if %cond3A_139 {
        %add3A_215 = arith.constant 5 : i32
        %add3A_216 = arith.addi %add3A_116, %add3A_215 : i32
        %dma_start3A_217 = arith.constant 1 : i32
        %dma_start3A_218 = arith.constant 0 : i32
        %dma_start3A_219 = arith.constant 0 : i32
        %dma_start3A_220 = tpu.memref_slice %arg9[%dma_start3A_217, %dma_start3A_218, %dma_start3A_219] : memref<5x40x128xf32, #tpu.memory_space<vmem>> -> memref<1x40x128xf32, #tpu.memory_space<vmem>>
        %dma_start3A_221 = tpu.memref_squeeze %dma_start3A_220 : memref<1x40x128xf32, #tpu.memory_space<vmem>> -> memref<40x128xf32, #tpu.memory_space<vmem>>
        %dma_start3A_222 = arith.constant 0 : i32
        %dma_start3A_223 = tpu.memref_slice %arg7[%add3A_216, %dma_start3A_222] : memref<250x40xi32, #tpu.memory_space<vmem>> -> memref<1x40xi32, #tpu.memory_space<vmem>>
        %dma_start3A_224 = tpu.memref_squeeze %dma_start3A_223 : memref<1x40xi32, #tpu.memory_space<vmem>> -> memref<40xi32, #tpu.memory_space<vmem>>
        %dma_start3A_225 = arith.constant 0 : i32
        %dma_start3A_226 = arith.constant 0 : i32
        %dma_start3A_227 = tpu.memref_slice %arg2[%arg0, %dma_start3A_225, %dma_start3A_226] : memref<2x10000x128xf32, #tpu.memory_space<hbm>> -> memref<1x10000x128xf32, #tpu.memory_space<hbm>>
        %dma_start3A_228 = tpu.memref_squeeze %dma_start3A_227 : memref<1x10000x128xf32, #tpu.memory_space<hbm>> -> memref<10000x128xf32, #tpu.memory_space<hbm>>
        %dma_start3A_229 = arith.constant 0 : i32
        %dma_start3A_230 = arith.constant 0 : i32
        %dma_start3A_231 = tpu.memref_slice %dma_start3A_228[%dma_start3A_229, %dma_start3A_230] : memref<10000x128xf32, #tpu.memory_space<hbm>> -> memref<10000x128xf32, #tpu.memory_space<hbm>>
        tpu.enqueue_indirect_dma source(%dma_start3A_231 : memref<10000x128xf32, #tpu.memory_space<hbm>>) target(%dma_start3A_221 : memref<40x128xf32, #tpu.memory_space<vmem>>) offsets(%dma_start3A_224 : memref<40xi32, #tpu.memory_space<vmem>>) semaphore(%arg12 : memref<!tpu.dma_semaphore, #tpu.memory_space<semaphore_mem>>)
      } else {
      }
      %add3A_140 = arith.constant 2 : i32
      %add3A_141 = arith.addi %add3A_94, %add3A_140 : i32
      %dma_wait3A_142 = arith.constant 2 : i32
      %dma_wait3A_143 = arith.constant 0 : i32
      %dma_wait3A_144 = arith.constant 0 : i32
      %dma_wait3A_145 = tpu.memref_slice %arg9[%dma_wait3A_142, %dma_wait3A_143, %dma_wait3A_144] : memref<5x40x128xf32, #tpu.memory_space<vmem>> -> memref<1x40x128xf32, #tpu.memory_space<vmem>>
      %dma_wait3A_146 = tpu.memref_squeeze %dma_wait3A_145 : memref<1x40x128xf32, #tpu.memory_space<vmem>> -> memref<40x128xf32, #tpu.memory_space<vmem>>
      %dma_wait3A_147 = arith.constant 0 : i32
      %dma_wait3A_148 = tpu.memref_slice %arg7[%add3A_141, %dma_wait3A_147] : memref<250x40xi32, #tpu.memory_space<vmem>> -> memref<1x40xi32, #tpu.memory_space<vmem>>
      %dma_wait3A_149 = tpu.memref_squeeze %dma_wait3A_148 : memref<1x40xi32, #tpu.memory_space<vmem>> -> memref<40xi32, #tpu.memory_space<vmem>>
      %dma_wait3A_150 = arith.constant 0 : i32
      %dma_wait3A_151 = arith.constant 0 : i32
      %dma_wait3A_152 = tpu.memref_slice %arg2[%arg0, %dma_wait3A_150, %dma_wait3A_151] : memref<2x10000x128xf32, #tpu.memory_space<hbm>> -> memref<1x10000x128xf32, #tpu.memory_space<hbm>>
      %dma_wait3A_153 = tpu.memref_squeeze %dma_wait3A_152 : memref<1x10000x128xf32, #tpu.memory_space<hbm>> -> memref<10000x128xf32, #tpu.memory_space<hbm>>
      %dma_wait3A_154 = arith.constant 0 : i32
      %dma_wait3A_155 = arith.constant 0 : i32
      %dma_wait3A_156 = tpu.memref_slice %dma_wait3A_153[%dma_wait3A_154, %dma_wait3A_155] : memref<10000x128xf32, #tpu.memory_space<hbm>> -> memref<10000x128xf32, #tpu.memory_space<hbm>>
      tpu.wait_indirect_dma semaphore(%arg13 : memref<!tpu.dma_semaphore, #tpu.memory_space<semaphore_mem>>) src(%dma_wait3A_156 : memref<10000x128xf32, #tpu.memory_space<hbm>>) dst(%dma_wait3A_146 : memref<40x128xf32, #tpu.memory_space<vmem>>)
      %run_scoped3A_157 = arith.constant 2 : i32
      "tpu.region"() ({
        %run_scoped3A_215 = tpu.sem_alloc : memref<!tpu.dma_semaphore, #tpu.memory_space<semaphore_mem>>
        %dma_start3A_216 = arith.constant 0 : i32
        %dma_start3A_217 = arith.constant 0 : i32
        %dma_start3A_218 = tpu.memref_slice %arg9[%run_scoped3A_157, %dma_start3A_216, %dma_start3A_217] : memref<5x40x128xf32, #tpu.memory_space<vmem>> -> memref<1x40x128xf32, #tpu.memory_space<vmem>>
        %dma_start3A_219 = tpu.memref_squeeze %dma_start3A_218 : memref<1x40x128xf32, #tpu.memory_space<vmem>> -> memref<40x128xf32, #tpu.memory_space<vmem>>
        %dma_start3A_220 = arith.constant 0 : i32
        %dma_start3A_221 = tpu.memref_slice %arg8[%add3A_141, %dma_start3A_220] : memref<250x40xi32, #tpu.memory_space<vmem>> -> memref<1x40xi32, #tpu.memory_space<vmem>>
        %dma_start3A_222 = tpu.memref_squeeze %dma_start3A_221 : memref<1x40xi32, #tpu.memory_space<vmem>> -> memref<40xi32, #tpu.memory_space<vmem>>
        %dma_start3A_223 = arith.constant 0 : i32
        %dma_start3A_224 = arith.constant 0 : i32
        %dma_start3A_225 = tpu.memref_slice %arg10[%dma_start3A_223, %dma_start3A_224] : memref<10112x128xf32, #tpu.memory_space<vmem_shared>> -> memref<10112x128xf32, #tpu.memory_space<vmem_shared>>
        tpu.enqueue_indirect_dma source(%dma_start3A_219 : memref<40x128xf32, #tpu.memory_space<vmem>>) target(%dma_start3A_225 : memref<10112x128xf32, #tpu.memory_space<vmem_shared>>) offsets(%dma_start3A_222 : memref<40xi32, #tpu.memory_space<vmem>>) semaphore(%run_scoped3A_215 : memref<!tpu.dma_semaphore, #tpu.memory_space<semaphore_mem>>) {add = true}
        %dma_wait3A_226 = arith.constant 0 : i32
        %dma_wait3A_227 = arith.constant 0 : i32
        %dma_wait3A_228 = tpu.memref_slice %arg9[%run_scoped3A_157, %dma_wait3A_226, %dma_wait3A_227] : memref<5x40x128xf32, #tpu.memory_space<vmem>> -> memref<1x40x128xf32, #tpu.memory_space<vmem>>
        %dma_wait3A_229 = tpu.memref_squeeze %dma_wait3A_228 : memref<1x40x128xf32, #tpu.memory_space<vmem>> -> memref<40x128xf32, #tpu.memory_space<vmem>>
        %dma_wait3A_230 = arith.constant 0 : i32
        %dma_wait3A_231 = tpu.memref_slice %arg8[%add3A_141, %dma_wait3A_230] : memref<250x40xi32, #tpu.memory_space<vmem>> -> memref<1x40xi32, #tpu.memory_space<vmem>>
        %dma_wait3A_232 = tpu.memref_squeeze %dma_wait3A_231 : memref<1x40xi32, #tpu.memory_space<vmem>> -> memref<40xi32, #tpu.memory_space<vmem>>
        %dma_wait3A_233 = arith.constant 0 : i32
        %dma_wait3A_234 = arith.constant 0 : i32
        %dma_wait3A_235 = tpu.memref_slice %arg10[%dma_wait3A_233, %dma_wait3A_234] : memref<10112x128xf32, #tpu.memory_space<vmem_shared>> -> memref<10112x128xf32, #tpu.memory_space<vmem_shared>>
        tpu.wait_indirect_dma semaphore(%run_scoped3A_215 : memref<!tpu.dma_semaphore, #tpu.memory_space<semaphore_mem>>) src(%dma_wait3A_229 : memref<40x128xf32, #tpu.memory_space<vmem>>) dst(%dma_wait3A_235 : memref<10112x128xf32, #tpu.memory_space<vmem_shared>>)
        tpu.yield
      }) : () -> ()
      %add3A_158 = arith.constant 5 : i32
      %add3A_159 = arith.addi %add3A_141, %add3A_158 : i32
      %lt3A_160 = arith.constant 250 : i32
      %lt3A_161 = arith.cmpi slt, %add3A_159, %lt3A_160 : i32
      %convert_element_type3A_162 = arith.extui %lt3A_161 : i1 to i32
      %cond3A_163 = arith.constant 0 : i32
      %cond3A_164 = arith.cmpi ne, %convert_element_type3A_162, %cond3A_163 : i32
      scf.if %cond3A_164 {
        %add3A_215 = arith.constant 5 : i32
        %add3A_216 = arith.addi %add3A_141, %add3A_215 : i32
        %dma_start3A_217 = arith.constant 2 : i32
        %dma_start3A_218 = arith.constant 0 : i32
        %dma_start3A_219 = arith.constant 0 : i32
        %dma_start3A_220 = tpu.memref_slice %arg9[%dma_start3A_217, %dma_start3A_218, %dma_start3A_219] : memref<5x40x128xf32, #tpu.memory_space<vmem>> -> memref<1x40x128xf32, #tpu.memory_space<vmem>>
        %dma_start3A_221 = tpu.memref_squeeze %dma_start3A_220 : memref<1x40x128xf32, #tpu.memory_space<vmem>> -> memref<40x128xf32, #tpu.memory_space<vmem>>
        %dma_start3A_222 = arith.constant 0 : i32
        %dma_start3A_223 = tpu.memref_slice %arg7[%add3A_216, %dma_start3A_222] : memref<250x40xi32, #tpu.memory_space<vmem>> -> memref<1x40xi32, #tpu.memory_space<vmem>>
        %dma_start3A_224 = tpu.memref_squeeze %dma_start3A_223 : memref<1x40xi32, #tpu.memory_space<vmem>> -> memref<40xi32, #tpu.memory_space<vmem>>
        %dma_start3A_225 = arith.constant 0 : i32
        %dma_start3A_226 = arith.constant 0 : i32
        %dma_start3A_227 = tpu.memref_slice %arg2[%arg0, %dma_start3A_225, %dma_start3A_226] : memref<2x10000x128xf32, #tpu.memory_space<hbm>> -> memref<1x10000x128xf32, #tpu.memory_space<hbm>>
        %dma_start3A_228 = tpu.memref_squeeze %dma_start3A_227 : memref<1x10000x128xf32, #tpu.memory_space<hbm>> -> memref<10000x128xf32, #tpu.memory_space<hbm>>
        %dma_start3A_229 = arith.constant 0 : i32
        %dma_start3A_230 = arith.constant 0 : i32
        %dma_start3A_231 = tpu.memref_slice %dma_start3A_228[%dma_start3A_229, %dma_start3A_230] : memref<10000x128xf32, #tpu.memory_space<hbm>> -> memref<10000x128xf32, #tpu.memory_space<hbm>>
        tpu.enqueue_indirect_dma source(%dma_start3A_231 : memref<10000x128xf32, #tpu.memory_space<hbm>>) target(%dma_start3A_221 : memref<40x128xf32, #tpu.memory_space<vmem>>) offsets(%dma_start3A_224 : memref<40xi32, #tpu.memory_space<vmem>>) semaphore(%arg13 : memref<!tpu.dma_semaphore, #tpu.memory_space<semaphore_mem>>)
      } else {
      }
      %add3A_165 = arith.constant 3 : i32
      %add3A_166 = arith.addi %add3A_94, %add3A_165 : i32
      %dma_wait3A_167 = arith.constant 3 : i32
      %dma_wait3A_168 = arith.constant 0 : i32
      %dma_wait3A_169 = arith.constant 0 : i32
      %dma_wait3A_170 = tpu.memref_slice %arg9[%dma_wait3A_167, %dma_wait3A_168, %dma_wait3A_169] : memref<5x40x128xf32, #tpu.memory_space<vmem>> -> memref<1x40x128xf32, #tpu.memory_space<vmem>>
      %dma_wait3A_171 = tpu.memref_squeeze %dma_wait3A_170 : memref<1x40x128xf32, #tpu.memory_space<vmem>> -> memref<40x128xf32, #tpu.memory_space<vmem>>
      %dma_wait3A_172 = arith.constant 0 : i32
      %dma_wait3A_173 = tpu.memref_slice %arg7[%add3A_166, %dma_wait3A_172] : memref<250x40xi32, #tpu.memory_space<vmem>> -> memref<1x40xi32, #tpu.memory_space<vmem>>
      %dma_wait3A_174 = tpu.memref_squeeze %dma_wait3A_173 : memref<1x40xi32, #tpu.memory_space<vmem>> -> memref<40xi32, #tpu.memory_space<vmem>>
      %dma_wait3A_175 = arith.constant 0 : i32
      %dma_wait3A_176 = arith.constant 0 : i32
      %dma_wait3A_177 = tpu.memref_slice %arg2[%arg0, %dma_wait3A_175, %dma_wait3A_176] : memref<2x10000x128xf32, #tpu.memory_space<hbm>> -> memref<1x10000x128xf32, #tpu.memory_space<hbm>>
      %dma_wait3A_178 = tpu.memref_squeeze %dma_wait3A_177 : memref<1x10000x128xf32, #tpu.memory_space<hbm>> -> memref<10000x128xf32, #tpu.memory_space<hbm>>
      %dma_wait3A_179 = arith.constant 0 : i32
      %dma_wait3A_180 = arith.constant 0 : i32
      %dma_wait3A_181 = tpu.memref_slice %dma_wait3A_178[%dma_wait3A_179, %dma_wait3A_180] : memref<10000x128xf32, #tpu.memory_space<hbm>> -> memref<10000x128xf32, #tpu.memory_space<hbm>>
      tpu.wait_indirect_dma semaphore(%arg14 : memref<!tpu.dma_semaphore, #tpu.memory_space<semaphore_mem>>) src(%dma_wait3A_181 : memref<10000x128xf32, #tpu.memory_space<hbm>>) dst(%dma_wait3A_171 : memref<40x128xf32, #tpu.memory_space<vmem>>)
      %run_scoped3A_182 = arith.constant 3 : i32
      "tpu.region"() ({
        %run_scoped3A_215 = tpu.sem_alloc : memref<!tpu.dma_semaphore, #tpu.memory_space<semaphore_mem>>
        %dma_start3A_216 = arith.constant 0 : i32
        %dma_start3A_217 = arith.constant 0 : i32
        %dma_start3A_218 = tpu.memref_slice %arg9[%run_scoped3A_182, %dma_start3A_216, %dma_start3A_217] : memref<5x40x128xf32, #tpu.memory_space<vmem>> -> memref<1x40x128xf32, #tpu.memory_space<vmem>>
        %dma_start3A_219 = tpu.memref_squeeze %dma_start3A_218 : memref<1x40x128xf32, #tpu.memory_space<vmem>> -> memref<40x128xf32, #tpu.memory_space<vmem>>
        %dma_start3A_220 = arith.constant 0 : i32
        %dma_start3A_221 = tpu.memref_slice %arg8[%add3A_166, %dma_start3A_220] : memref<250x40xi32, #tpu.memory_space<vmem>> -> memref<1x40xi32, #tpu.memory_space<vmem>>
        %dma_start3A_222 = tpu.memref_squeeze %dma_start3A_221 : memref<1x40xi32, #tpu.memory_space<vmem>> -> memref<40xi32, #tpu.memory_space<vmem>>
        %dma_start3A_223 = arith.constant 0 : i32
        %dma_start3A_224 = arith.constant 0 : i32
        %dma_start3A_225 = tpu.memref_slice %arg10[%dma_start3A_223, %dma_start3A_224] : memref<10112x128xf32, #tpu.memory_space<vmem_shared>> -> memref<10112x128xf32, #tpu.memory_space<vmem_shared>>
        tpu.enqueue_indirect_dma source(%dma_start3A_219 : memref<40x128xf32, #tpu.memory_space<vmem>>) target(%dma_start3A_225 : memref<10112x128xf32, #tpu.memory_space<vmem_shared>>) offsets(%dma_start3A_222 : memref<40xi32, #tpu.memory_space<vmem>>) semaphore(%run_scoped3A_215 : memref<!tpu.dma_semaphore, #tpu.memory_space<semaphore_mem>>) {add = true}
        %dma_wait3A_226 = arith.constant 0 : i32
        %dma_wait3A_227 = arith.constant 0 : i32
        %dma_wait3A_228 = tpu.memref_slice %arg9[%run_scoped3A_182, %dma_wait3A_226, %dma_wait3A_227] : memref<5x40x128xf32, #tpu.memory_space<vmem>> -> memref<1x40x128xf32, #tpu.memory_space<vmem>>
        %dma_wait3A_229 = tpu.memref_squeeze %dma_wait3A_228 : memref<1x40x128xf32, #tpu.memory_space<vmem>> -> memref<40x128xf32, #tpu.memory_space<vmem>>
        %dma_wait3A_230 = arith.constant 0 : i32
        %dma_wait3A_231 = tpu.memref_slice %arg8[%add3A_166, %dma_wait3A_230] : memref<250x40xi32, #tpu.memory_space<vmem>> -> memref<1x40xi32, #tpu.memory_space<vmem>>
        %dma_wait3A_232 = tpu.memref_squeeze %dma_wait3A_231 : memref<1x40xi32, #tpu.memory_space<vmem>> -> memref<40xi32, #tpu.memory_space<vmem>>
        %dma_wait3A_233 = arith.constant 0 : i32
        %dma_wait3A_234 = arith.constant 0 : i32
        %dma_wait3A_235 = tpu.memref_slice %arg10[%dma_wait3A_233, %dma_wait3A_234] : memref<10112x128xf32, #tpu.memory_space<vmem_shared>> -> memref<10112x128xf32, #tpu.memory_space<vmem_shared>>
        tpu.wait_indirect_dma semaphore(%run_scoped3A_215 : memref<!tpu.dma_semaphore, #tpu.memory_space<semaphore_mem>>) src(%dma_wait3A_229 : memref<40x128xf32, #tpu.memory_space<vmem>>) dst(%dma_wait3A_235 : memref<10112x128xf32, #tpu.memory_space<vmem_shared>>)
        tpu.yield
      }) : () -> ()
      %add3A_183 = arith.constant 5 : i32
      %add3A_184 = arith.addi %add3A_166, %add3A_183 : i32
      %lt3A_185 = arith.constant 250 : i32
      %lt3A_186 = arith.cmpi slt, %add3A_184, %lt3A_185 : i32
      %convert_element_type3A_187 = arith.extui %lt3A_186 : i1 to i32
      %cond3A_188 = arith.constant 0 : i32
      %cond3A_189 = arith.cmpi ne, %convert_element_type3A_187, %cond3A_188 : i32
      scf.if %cond3A_189 {
        %add3A_215 = arith.constant 5 : i32
        %add3A_216 = arith.addi %add3A_166, %add3A_215 : i32
        %dma_start3A_217 = arith.constant 3 : i32
        %dma_start3A_218 = arith.constant 0 : i32
        %dma_start3A_219 = arith.constant 0 : i32
        %dma_start3A_220 = tpu.memref_slice %arg9[%dma_start3A_217, %dma_start3A_218, %dma_start3A_219] : memref<5x40x128xf32, #tpu.memory_space<vmem>> -> memref<1x40x128xf32, #tpu.memory_space<vmem>>
        %dma_start3A_221 = tpu.memref_squeeze %dma_start3A_220 : memref<1x40x128xf32, #tpu.memory_space<vmem>> -> memref<40x128xf32, #tpu.memory_space<vmem>>
        %dma_start3A_222 = arith.constant 0 : i32
        %dma_start3A_223 = tpu.memref_slice %arg7[%add3A_216, %dma_start3A_222] : memref<250x40xi32, #tpu.memory_space<vmem>> -> memref<1x40xi32, #tpu.memory_space<vmem>>
        %dma_start3A_224 = tpu.memref_squeeze %dma_start3A_223 : memref<1x40xi32, #tpu.memory_space<vmem>> -> memref<40xi32, #tpu.memory_space<vmem>>
        %dma_start3A_225 = arith.constant 0 : i32
        %dma_start3A_226 = arith.constant 0 : i32
        %dma_start3A_227 = tpu.memref_slice %arg2[%arg0, %dma_start3A_225, %dma_start3A_226] : memref<2x10000x128xf32, #tpu.memory_space<hbm>> -> memref<1x10000x128xf32, #tpu.memory_space<hbm>>
        %dma_start3A_228 = tpu.memref_squeeze %dma_start3A_227 : memref<1x10000x128xf32, #tpu.memory_space<hbm>> -> memref<10000x128xf32, #tpu.memory_space<hbm>>
        %dma_start3A_229 = arith.constant 0 : i32
        %dma_start3A_230 = arith.constant 0 : i32
        %dma_start3A_231 = tpu.memref_slice %dma_start3A_228[%dma_start3A_229, %dma_start3A_230] : memref<10000x128xf32, #tpu.memory_space<hbm>> -> memref<10000x128xf32, #tpu.memory_space<hbm>>
        tpu.enqueue_indirect_dma source(%dma_start3A_231 : memref<10000x128xf32, #tpu.memory_space<hbm>>) target(%dma_start3A_221 : memref<40x128xf32, #tpu.memory_space<vmem>>) offsets(%dma_start3A_224 : memref<40xi32, #tpu.memory_space<vmem>>) semaphore(%arg14 : memref<!tpu.dma_semaphore, #tpu.memory_space<semaphore_mem>>)
      } else {
      }
      %add3A_190 = arith.constant 4 : i32
      %add3A_191 = arith.addi %add3A_94, %add3A_190 : i32
      %dma_wait3A_192 = arith.constant 4 : i32
      %dma_wait3A_193 = arith.constant 0 : i32
      %dma_wait3A_194 = arith.constant 0 : i32
      %dma_wait3A_195 = tpu.memref_slice %arg9[%dma_wait3A_192, %dma_wait3A_193, %dma_wait3A_194] : memref<5x40x128xf32, #tpu.memory_space<vmem>> -> memref<1x40x128xf32, #tpu.memory_space<vmem>>
      %dma_wait3A_196 = tpu.memref_squeeze %dma_wait3A_195 : memref<1x40x128xf32, #tpu.memory_space<vmem>> -> memref<40x128xf32, #tpu.memory_space<vmem>>
      %dma_wait3A_197 = arith.constant 0 : i32
      %dma_wait3A_198 = tpu.memref_slice %arg7[%add3A_191, %dma_wait3A_197] : memref<250x40xi32, #tpu.memory_space<vmem>> -> memref<1x40xi32, #tpu.memory_space<vmem>>
      %dma_wait3A_199 = tpu.memref_squeeze %dma_wait3A_198 : memref<1x40xi32, #tpu.memory_space<vmem>> -> memref<40xi32, #tpu.memory_space<vmem>>
      %dma_wait3A_200 = arith.constant 0 : i32
      %dma_wait3A_201 = arith.constant 0 : i32
      %dma_wait3A_202 = tpu.memref_slice %arg2[%arg0, %dma_wait3A_200, %dma_wait3A_201] : memref<2x10000x128xf32, #tpu.memory_space<hbm>> -> memref<1x10000x128xf32, #tpu.memory_space<hbm>>
      %dma_wait3A_203 = tpu.memref_squeeze %dma_wait3A_202 : memref<1x10000x128xf32, #tpu.memory_space<hbm>> -> memref<10000x128xf32, #tpu.memory_space<hbm>>
      %dma_wait3A_204 = arith.constant 0 : i32
      %dma_wait3A_205 = arith.constant 0 : i32
      %dma_wait3A_206 = tpu.memref_slice %dma_wait3A_203[%dma_wait3A_204, %dma_wait3A_205] : memref<10000x128xf32, #tpu.memory_space<hbm>> -> memref<10000x128xf32, #tpu.memory_space<hbm>>
      tpu.wait_indirect_dma semaphore(%arg15 : memref<!tpu.dma_semaphore, #tpu.memory_space<semaphore_mem>>) src(%dma_wait3A_206 : memref<10000x128xf32, #tpu.memory_space<hbm>>) dst(%dma_wait3A_196 : memref<40x128xf32, #tpu.memory_space<vmem>>)
      %run_scoped3A_207 = arith.constant 4 : i32
      "tpu.region"() ({
        %run_scoped3A_215 = tpu.sem_alloc : memref<!tpu.dma_semaphore, #tpu.memory_space<semaphore_mem>>
        %dma_start3A_216 = arith.constant 0 : i32
        %dma_start3A_217 = arith.constant 0 : i32
        %dma_start3A_218 = tpu.memref_slice %arg9[%run_scoped3A_207, %dma_start3A_216, %dma_start3A_217] : memref<5x40x128xf32, #tpu.memory_space<vmem>> -> memref<1x40x128xf32, #tpu.memory_space<vmem>>
        %dma_start3A_219 = tpu.memref_squeeze %dma_start3A_218 : memref<1x40x128xf32, #tpu.memory_space<vmem>> -> memref<40x128xf32, #tpu.memory_space<vmem>>
        %dma_start3A_220 = arith.constant 0 : i32
        %dma_start3A_221 = tpu.memref_slice %arg8[%add3A_191, %dma_start3A_220] : memref<250x40xi32, #tpu.memory_space<vmem>> -> memref<1x40xi32, #tpu.memory_space<vmem>>
        %dma_start3A_222 = tpu.memref_squeeze %dma_start3A_221 : memref<1x40xi32, #tpu.memory_space<vmem>> -> memref<40xi32, #tpu.memory_space<vmem>>
        %dma_start3A_223 = arith.constant 0 : i32
        %dma_start3A_224 = arith.constant 0 : i32
        %dma_start3A_225 = tpu.memref_slice %arg10[%dma_start3A_223, %dma_start3A_224] : memref<10112x128xf32, #tpu.memory_space<vmem_shared>> -> memref<10112x128xf32, #tpu.memory_space<vmem_shared>>
        tpu.enqueue_indirect_dma source(%dma_start3A_219 : memref<40x128xf32, #tpu.memory_space<vmem>>) target(%dma_start3A_225 : memref<10112x128xf32, #tpu.memory_space<vmem_shared>>) offsets(%dma_start3A_222 : memref<40xi32, #tpu.memory_space<vmem>>) semaphore(%run_scoped3A_215 : memref<!tpu.dma_semaphore, #tpu.memory_space<semaphore_mem>>) {add = true}
        %dma_wait3A_226 = arith.constant 0 : i32
        %dma_wait3A_227 = arith.constant 0 : i32
        %dma_wait3A_228 = tpu.memref_slice %arg9[%run_scoped3A_207, %dma_wait3A_226, %dma_wait3A_227] : memref<5x40x128xf32, #tpu.memory_space<vmem>> -> memref<1x40x128xf32, #tpu.memory_space<vmem>>
        %dma_wait3A_229 = tpu.memref_squeeze %dma_wait3A_228 : memref<1x40x128xf32, #tpu.memory_space<vmem>> -> memref<40x128xf32, #tpu.memory_space<vmem>>
        %dma_wait3A_230 = arith.constant 0 : i32
        %dma_wait3A_231 = tpu.memref_slice %arg8[%add3A_191, %dma_wait3A_230] : memref<250x40xi32, #tpu.memory_space<vmem>> -> memref<1x40xi32, #tpu.memory_space<vmem>>
        %dma_wait3A_232 = tpu.memref_squeeze %dma_wait3A_231 : memref<1x40xi32, #tpu.memory_space<vmem>> -> memref<40xi32, #tpu.memory_space<vmem>>
        %dma_wait3A_233 = arith.constant 0 : i32
        %dma_wait3A_234 = arith.constant 0 : i32
        %dma_wait3A_235 = tpu.memref_slice %arg10[%dma_wait3A_233, %dma_wait3A_234] : memref<10112x128xf32, #tpu.memory_space<vmem_shared>> -> memref<10112x128xf32, #tpu.memory_space<vmem_shared>>
        tpu.wait_indirect_dma semaphore(%run_scoped3A_215 : memref<!tpu.dma_semaphore, #tpu.memory_space<semaphore_mem>>) src(%dma_wait3A_229 : memref<40x128xf32, #tpu.memory_space<vmem>>) dst(%dma_wait3A_235 : memref<10112x128xf32, #tpu.memory_space<vmem_shared>>)
        tpu.yield
      }) : () -> ()
      %add3A_208 = arith.constant 5 : i32
      %add3A_209 = arith.addi %add3A_191, %add3A_208 : i32
      %lt3A_210 = arith.constant 250 : i32
      %lt3A_211 = arith.cmpi slt, %add3A_209, %lt3A_210 : i32
      %convert_element_type3A_212 = arith.extui %lt3A_211 : i1 to i32
      %cond3A_213 = arith.constant 0 : i32
      %cond3A_214 = arith.cmpi ne, %convert_element_type3A_212, %cond3A_213 : i32
      scf.if %cond3A_214 {
        %add3A_215 = arith.constant 5 : i32
        %add3A_216 = arith.addi %add3A_191, %add3A_215 : i32
        %dma_start3A_217 = arith.constant 4 : i32
        %dma_start3A_218 = arith.constant 0 : i32
        %dma_start3A_219 = arith.constant 0 : i32
        %dma_start3A_220 = tpu.memref_slice %arg9[%dma_start3A_217, %dma_start3A_218, %dma_start3A_219] : memref<5x40x128xf32, #tpu.memory_space<vmem>> -> memref<1x40x128xf32, #tpu.memory_space<vmem>>
        %dma_start3A_221 = tpu.memref_squeeze %dma_start3A_220 : memref<1x40x128xf32, #tpu.memory_space<vmem>> -> memref<40x128xf32, #tpu.memory_space<vmem>>
        %dma_start3A_222 = arith.constant 0 : i32
        %dma_start3A_223 = tpu.memref_slice %arg7[%add3A_216, %dma_start3A_222] : memref<250x40xi32, #tpu.memory_space<vmem>> -> memref<1x40xi32, #tpu.memory_space<vmem>>
        %dma_start3A_224 = tpu.memref_squeeze %dma_start3A_223 : memref<1x40xi32, #tpu.memory_space<vmem>> -> memref<40xi32, #tpu.memory_space<vmem>>
        %dma_start3A_225 = arith.constant 0 : i32
        %dma_start3A_226 = arith.constant 0 : i32
        %dma_start3A_227 = tpu.memref_slice %arg2[%arg0, %dma_start3A_225, %dma_start3A_226] : memref<2x10000x128xf32, #tpu.memory_space<hbm>> -> memref<1x10000x128xf32, #tpu.memory_space<hbm>>
        %dma_start3A_228 = tpu.memref_squeeze %dma_start3A_227 : memref<1x10000x128xf32, #tpu.memory_space<hbm>> -> memref<10000x128xf32, #tpu.memory_space<hbm>>
        %dma_start3A_229 = arith.constant 0 : i32
        %dma_start3A_230 = arith.constant 0 : i32
        %dma_start3A_231 = tpu.memref_slice %dma_start3A_228[%dma_start3A_229, %dma_start3A_230] : memref<10000x128xf32, #tpu.memory_space<hbm>> -> memref<10000x128xf32, #tpu.memory_space<hbm>>
        tpu.enqueue_indirect_dma source(%dma_start3A_231 : memref<10000x128xf32, #tpu.memory_space<hbm>>) target(%dma_start3A_221 : memref<40x128xf32, #tpu.memory_space<vmem>>) offsets(%dma_start3A_224 : memref<40xi32, #tpu.memory_space<vmem>>) semaphore(%arg15 : memref<!tpu.dma_semaphore, #tpu.memory_space<semaphore_mem>>)
      } else {
      }
    }
    %scan3A_85 = arith.constant 50 : i32
    %barrier3A_86 = arith.constant 0 : index
    tpu.barrier barrier_id(%barrier3A_86)
    %mul3A_87 = arith.constant 632 : i32
    %mul3A_88 = arith.muli %arg1, %mul3A_87 : i32
    %mul3A_89 = arith.constant 632 : i32
    %mul3A_90 = arith.muli %arg1, %mul3A_89 : i32
    "tpu.region"() ({
      %run_scoped3A = tpu.sem_alloc : memref<!tpu.dma_semaphore, #tpu.memory_space<semaphore_mem>>
      %dma_start3A_91 = arith.constant 0 : i32
      %dma_start3A_92 = tpu.memref_slice %arg6[%arg0, %mul3A_90, %dma_start3A_91] : memref<2x10112x128xf32, #tpu.memory_space<hbm>> -> memref<1x632x128xf32, #tpu.memory_space<hbm>>
      %dma_start3A_93 = tpu.memref_squeeze %dma_start3A_92 : memref<1x632x128xf32, #tpu.memory_space<hbm>> -> memref<632x128xf32, #tpu.memory_space<hbm>>
      %dma_start3A_94 = arith.constant 0 : i32
      %dma_start3A_95 = tpu.memref_slice %arg10[%mul3A_88, %dma_start3A_94] : memref<10112x128xf32, #tpu.memory_space<vmem_shared>> -> memref<632x128xf32, #tpu.memory_space<vmem_shared>>
      tpu.enqueue_dma source(%dma_start3A_95 : memref<632x128xf32, #tpu.memory_space<vmem_shared>>) target(%dma_start3A_93 : memref<632x128xf32, #tpu.memory_space<hbm>>) target_semaphore(%run_scoped3A : memref<!tpu.dma_semaphore, #tpu.memory_space<semaphore_mem>>)
      %dma_wait3A = arith.constant 0 : i32
      %dma_wait3A_96 = tpu.memref_slice %arg6[%arg0, %mul3A_90, %dma_wait3A] : memref<2x10112x128xf32, #tpu.memory_space<hbm>> -> memref<1x632x128xf32, #tpu.memory_space<hbm>>
      %dma_wait3A_97 = tpu.memref_squeeze %dma_wait3A_96 : memref<1x632x128xf32, #tpu.memory_space<hbm>> -> memref<632x128xf32, #tpu.memory_space<hbm>>
      %dma_wait3A_98 = arith.constant 0 : i32
      %dma_wait3A_99 = tpu.memref_slice %arg10[%mul3A_88, %dma_wait3A_98] : memref<10112x128xf32, #tpu.memory_space<vmem_shared>> -> memref<632x128xf32, #tpu.memory_space<vmem_shared>>
      tpu.wait_dma2 semaphore(%run_scoped3A : memref<!tpu.dma_semaphore, #tpu.memory_space<semaphore_mem>>) src(%dma_wait3A_99 : memref<632x128xf32, #tpu.memory_space<vmem_shared>>) dst(%dma_wait3A_97 : memref<632x128xf32, #tpu.memory_space<hbm>>)
      tpu.yield
    }) : () -> ()
    return
  }
}

#map = affine_map<(d0, d1) -> (0, 0, 0)>
#map1 = affine_map<(d0, d1) -> (0, 0)>
module attributes {stable_mosaic.version = 14 : i64} {
  func.func @_deg_body(%arg0: i32, %arg1: i32, %arg2: memref<32x125x40xi32, #tpu.memory_space<hbm>>, %arg3: memref<40x16xf32, #tpu.memory_space<hbm>>, %arg4: memref<10112x128xf32, #tpu.memory_space<hbm>>, %arg5: memref<2x10112x16xf32, #tpu.memory_space<hbm>>, %arg6: memref<125x40xi32, #tpu.memory_space<vmem>>, %arg7: memref<40x16xf32, #tpu.memory_space<vmem>>, %arg8: memref<10112x16xf32, #tpu.memory_space<vmem_shared>>, %arg9: memref<!tpu.dma_semaphore, #tpu.memory_space<semaphore_mem>>) attributes {dimension_semantics = [#tpu.dimension_semantics<core_parallel>, #tpu.dimension_semantics<subcore_parallel>], iteration_bounds = array<i64: 2, 16>, scalar_prefetch = 0 : i64, scratch_operands = 4 : i64, tpu.core_type = #tpu.core_type<sc_vector_subcore>, window_params = [{transform_indices = #map}, {transform_indices = #map1}, {transform_indices = #map1}, {transform_indices = #map}]} {
    %mul3A = arith.constant 2 : i32
    %mul3A_0 = arith.muli %arg1, %mul3A : i32
    %add3A = arith.addi %mul3A_0, %arg0 : i32
    "tpu.region"() ({
      %run_scoped3A = tpu.sem_alloc : memref<!tpu.dma_semaphore, #tpu.memory_space<semaphore_mem>>
      %dma_start3A = arith.constant 0 : i32
      %dma_start3A_14 = arith.constant 0 : i32
      %dma_start3A_15 = tpu.memref_slice %arg2[%add3A, %dma_start3A, %dma_start3A_14] : memref<32x125x40xi32, #tpu.memory_space<hbm>> -> memref<1x125x40xi32, #tpu.memory_space<hbm>>
      %dma_start3A_16 = tpu.memref_squeeze %dma_start3A_15 : memref<1x125x40xi32, #tpu.memory_space<hbm>> -> memref<125x40xi32, #tpu.memory_space<hbm>>
      %dma_start3A_17 = arith.constant 0 : i32
      %dma_start3A_18 = arith.constant 0 : i32
      %dma_start3A_19 = tpu.memref_slice %arg2[%add3A, %dma_start3A_17, %dma_start3A_18] : memref<32x125x40xi32, #tpu.memory_space<hbm>> -> memref<1x125x40xi32, #tpu.memory_space<hbm>>
      %dma_start3A_20 = tpu.memref_squeeze %dma_start3A_19 : memref<1x125x40xi32, #tpu.memory_space<hbm>> -> memref<125x40xi32, #tpu.memory_space<hbm>>
      tpu.enqueue_dma source(%dma_start3A_20 : memref<125x40xi32, #tpu.memory_space<hbm>>) target(%arg6 : memref<125x40xi32, #tpu.memory_space<vmem>>) target_semaphore(%run_scoped3A : memref<!tpu.dma_semaphore, #tpu.memory_space<semaphore_mem>>)
      %dma_wait3A = arith.constant 0 : i32
      %dma_wait3A_21 = arith.constant 0 : i32
      %dma_wait3A_22 = tpu.memref_slice %arg2[%add3A, %dma_wait3A, %dma_wait3A_21] : memref<32x125x40xi32, #tpu.memory_space<hbm>> -> memref<1x125x40xi32, #tpu.memory_space<hbm>>
      %dma_wait3A_23 = tpu.memref_squeeze %dma_wait3A_22 : memref<1x125x40xi32, #tpu.memory_space<hbm>> -> memref<125x40xi32, #tpu.memory_space<hbm>>
      %dma_wait3A_24 = arith.constant 0 : i32
      %dma_wait3A_25 = arith.constant 0 : i32
      %dma_wait3A_26 = tpu.memref_slice %arg2[%add3A, %dma_wait3A_24, %dma_wait3A_25] : memref<32x125x40xi32, #tpu.memory_space<hbm>> -> memref<1x125x40xi32, #tpu.memory_space<hbm>>
      %dma_wait3A_27 = tpu.memref_squeeze %dma_wait3A_26 : memref<1x125x40xi32, #tpu.memory_space<hbm>> -> memref<125x40xi32, #tpu.memory_space<hbm>>
      tpu.wait_dma2 semaphore(%run_scoped3A : memref<!tpu.dma_semaphore, #tpu.memory_space<semaphore_mem>>) src(%dma_wait3A_27 : memref<125x40xi32, #tpu.memory_space<hbm>>) dst(%arg6 : memref<125x40xi32, #tpu.memory_space<vmem>>)
      tpu.yield
    }) : () -> ()
    "tpu.region"() ({
      %run_scoped3A = tpu.sem_alloc : memref<!tpu.dma_semaphore, #tpu.memory_space<semaphore_mem>>
      tpu.enqueue_dma source(%arg3 : memref<40x16xf32, #tpu.memory_space<hbm>>) target(%arg7 : memref<40x16xf32, #tpu.memory_space<vmem>>) target_semaphore(%run_scoped3A : memref<!tpu.dma_semaphore, #tpu.memory_space<semaphore_mem>>)
      tpu.wait_dma2 semaphore(%run_scoped3A : memref<!tpu.dma_semaphore, #tpu.memory_space<semaphore_mem>>) src(%arg3 : memref<40x16xf32, #tpu.memory_space<hbm>>) dst(%arg7 : memref<40x16xf32, #tpu.memory_space<vmem>>)
      tpu.yield
    }) : () -> ()
    %mul3A_1 = arith.constant 632 : i32
    %mul3A_2 = arith.muli %arg1, %mul3A_1 : i32
    %mul3A_3 = arith.constant 632 : i32
    %mul3A_4 = arith.muli %arg1, %mul3A_3 : i32
    "tpu.region"() ({
      %run_scoped3A = tpu.sem_alloc : memref<!tpu.dma_semaphore, #tpu.memory_space<semaphore_mem>>
      %dma_start3A = arith.constant 0 : i32
      %dma_start3A_14 = tpu.memref_slice %arg8[%mul3A_4, %dma_start3A] : memref<10112x16xf32, #tpu.memory_space<vmem_shared>> -> memref<632x16xf32, #tpu.memory_space<vmem_shared>>
      %dma_start3A_15 = arith.constant 0 : i32
      %dma_start3A_16 = tpu.memref_slice %arg4[%mul3A_2, %dma_start3A_15] : memref<10112x128xf32, #tpu.memory_space<hbm>> -> memref<632x16xf32, #tpu.memory_space<hbm>>
      tpu.enqueue_dma source(%dma_start3A_16 : memref<632x16xf32, #tpu.memory_space<hbm>>) target(%dma_start3A_14 : memref<632x16xf32, #tpu.memory_space<vmem_shared>>) target_semaphore(%run_scoped3A : memref<!tpu.dma_semaphore, #tpu.memory_space<semaphore_mem>>)
      %dma_wait3A = arith.constant 0 : i32
      %dma_wait3A_17 = tpu.memref_slice %arg8[%mul3A_4, %dma_wait3A] : memref<10112x16xf32, #tpu.memory_space<vmem_shared>> -> memref<632x16xf32, #tpu.memory_space<vmem_shared>>
      %dma_wait3A_18 = arith.constant 0 : i32
      %dma_wait3A_19 = tpu.memref_slice %arg4[%mul3A_2, %dma_wait3A_18] : memref<10112x128xf32, #tpu.memory_space<hbm>> -> memref<632x16xf32, #tpu.memory_space<hbm>>
      tpu.wait_dma2 semaphore(%run_scoped3A : memref<!tpu.dma_semaphore, #tpu.memory_space<semaphore_mem>>) src(%dma_wait3A_19 : memref<632x16xf32, #tpu.memory_space<hbm>>) dst(%dma_wait3A_17 : memref<632x16xf32, #tpu.memory_space<vmem_shared>>)
      tpu.yield
    }) : () -> ()
    %barrier3A = arith.constant 0 : index
    tpu.barrier barrier_id(%barrier3A)
    %scan3A = arith.constant 0 : i32
    %scan3A_5 = arith.constant 25 : i32
    %scan3A_6 = arith.addi %scan3A, %scan3A_5 : i32
    %scan3A_7 = arith.constant 1 : i32
    scf.for %scan3A_14 = %scan3A to %scan3A_6 step %scan3A_7  : i32 {
      %mul3A_15 = arith.constant 5 : i32
      %mul3A_16 = arith.muli %scan3A_14, %mul3A_15 : i32
      %add3A_17 = arith.constant 0 : i32
      %add3A_18 = arith.addi %add3A_17, %mul3A_16 : i32
      %add3A_19 = arith.constant 0 : i32
      %add3A_20 = arith.addi %add3A_18, %add3A_19 : i32
      %dma_start3A = arith.constant 0 : i32
      %dma_start3A_21 = tpu.memref_slice %arg6[%add3A_20, %dma_start3A] : memref<125x40xi32, #tpu.memory_space<vmem>> -> memref<1x40xi32, #tpu.memory_space<vmem>>
      %dma_start3A_22 = tpu.memref_squeeze %dma_start3A_21 : memref<1x40xi32, #tpu.memory_space<vmem>> -> memref<40xi32, #tpu.memory_space<vmem>>
      %dma_start3A_23 = arith.constant 0 : i32
      %dma_start3A_24 = arith.constant 0 : i32
      %dma_start3A_25 = tpu.memref_slice %arg8[%dma_start3A_23, %dma_start3A_24] : memref<10112x16xf32, #tpu.memory_space<vmem_shared>> -> memref<10112x16xf32, #tpu.memory_space<vmem_shared>>
      tpu.enqueue_indirect_dma source(%arg7 : memref<40x16xf32, #tpu.memory_space<vmem>>) target(%dma_start3A_25 : memref<10112x16xf32, #tpu.memory_space<vmem_shared>>) offsets(%dma_start3A_22 : memref<40xi32, #tpu.memory_space<vmem>>) semaphore(%arg9 : memref<!tpu.dma_semaphore, #tpu.memory_space<semaphore_mem>>) {add = true}
      %add3A_26 = arith.constant 1 : i32
      %add3A_27 = arith.addi %add3A_18, %add3A_26 : i32
      %dma_start3A_28 = arith.constant 0 : i32
      %dma_start3A_29 = tpu.memref_slice %arg6[%add3A_27, %dma_start3A_28] : memref<125x40xi32, #tpu.memory_space<vmem>> -> memref<1x40xi32, #tpu.memory_space<vmem>>
      %dma_start3A_30 = tpu.memref_squeeze %dma_start3A_29 : memref<1x40xi32, #tpu.memory_space<vmem>> -> memref<40xi32, #tpu.memory_space<vmem>>
      %dma_start3A_31 = arith.constant 0 : i32
      %dma_start3A_32 = arith.constant 0 : i32
      %dma_start3A_33 = tpu.memref_slice %arg8[%dma_start3A_31, %dma_start3A_32] : memref<10112x16xf32, #tpu.memory_space<vmem_shared>> -> memref<10112x16xf32, #tpu.memory_space<vmem_shared>>
      tpu.enqueue_indirect_dma source(%arg7 : memref<40x16xf32, #tpu.memory_space<vmem>>) target(%dma_start3A_33 : memref<10112x16xf32, #tpu.memory_space<vmem_shared>>) offsets(%dma_start3A_30 : memref<40xi32, #tpu.memory_space<vmem>>) semaphore(%arg9 : memref<!tpu.dma_semaphore, #tpu.memory_space<semaphore_mem>>) {add = true}
      %add3A_34 = arith.constant 2 : i32
      %add3A_35 = arith.addi %add3A_18, %add3A_34 : i32
      %dma_start3A_36 = arith.constant 0 : i32
      %dma_start3A_37 = tpu.memref_slice %arg6[%add3A_35, %dma_start3A_36] : memref<125x40xi32, #tpu.memory_space<vmem>> -> memref<1x40xi32, #tpu.memory_space<vmem>>
      %dma_start3A_38 = tpu.memref_squeeze %dma_start3A_37 : memref<1x40xi32, #tpu.memory_space<vmem>> -> memref<40xi32, #tpu.memory_space<vmem>>
      %dma_start3A_39 = arith.constant 0 : i32
      %dma_start3A_40 = arith.constant 0 : i32
      %dma_start3A_41 = tpu.memref_slice %arg8[%dma_start3A_39, %dma_start3A_40] : memref<10112x16xf32, #tpu.memory_space<vmem_shared>> -> memref<10112x16xf32, #tpu.memory_space<vmem_shared>>
      tpu.enqueue_indirect_dma source(%arg7 : memref<40x16xf32, #tpu.memory_space<vmem>>) target(%dma_start3A_41 : memref<10112x16xf32, #tpu.memory_space<vmem_shared>>) offsets(%dma_start3A_38 : memref<40xi32, #tpu.memory_space<vmem>>) semaphore(%arg9 : memref<!tpu.dma_semaphore, #tpu.memory_space<semaphore_mem>>) {add = true}
      %add3A_42 = arith.constant 3 : i32
      %add3A_43 = arith.addi %add3A_18, %add3A_42 : i32
      %dma_start3A_44 = arith.constant 0 : i32
      %dma_start3A_45 = tpu.memref_slice %arg6[%add3A_43, %dma_start3A_44] : memref<125x40xi32, #tpu.memory_space<vmem>> -> memref<1x40xi32, #tpu.memory_space<vmem>>
      %dma_start3A_46 = tpu.memref_squeeze %dma_start3A_45 : memref<1x40xi32, #tpu.memory_space<vmem>> -> memref<40xi32, #tpu.memory_space<vmem>>
      %dma_start3A_47 = arith.constant 0 : i32
      %dma_start3A_48 = arith.constant 0 : i32
      %dma_start3A_49 = tpu.memref_slice %arg8[%dma_start3A_47, %dma_start3A_48] : memref<10112x16xf32, #tpu.memory_space<vmem_shared>> -> memref<10112x16xf32, #tpu.memory_space<vmem_shared>>
      tpu.enqueue_indirect_dma source(%arg7 : memref<40x16xf32, #tpu.memory_space<vmem>>) target(%dma_start3A_49 : memref<10112x16xf32, #tpu.memory_space<vmem_shared>>) offsets(%dma_start3A_46 : memref<40xi32, #tpu.memory_space<vmem>>) semaphore(%arg9 : memref<!tpu.dma_semaphore, #tpu.memory_space<semaphore_mem>>) {add = true}
      %add3A_50 = arith.constant 4 : i32
      %add3A_51 = arith.addi %add3A_18, %add3A_50 : i32
      %dma_start3A_52 = arith.constant 0 : i32
      %dma_start3A_53 = tpu.memref_slice %arg6[%add3A_51, %dma_start3A_52] : memref<125x40xi32, #tpu.memory_space<vmem>> -> memref<1x40xi32, #tpu.memory_space<vmem>>
      %dma_start3A_54 = tpu.memref_squeeze %dma_start3A_53 : memref<1x40xi32, #tpu.memory_space<vmem>> -> memref<40xi32, #tpu.memory_space<vmem>>
      %dma_start3A_55 = arith.constant 0 : i32
      %dma_start3A_56 = arith.constant 0 : i32
      %dma_start3A_57 = tpu.memref_slice %arg8[%dma_start3A_55, %dma_start3A_56] : memref<10112x16xf32, #tpu.memory_space<vmem_shared>> -> memref<10112x16xf32, #tpu.memory_space<vmem_shared>>
      tpu.enqueue_indirect_dma source(%arg7 : memref<40x16xf32, #tpu.memory_space<vmem>>) target(%dma_start3A_57 : memref<10112x16xf32, #tpu.memory_space<vmem_shared>>) offsets(%dma_start3A_54 : memref<40xi32, #tpu.memory_space<vmem>>) semaphore(%arg9 : memref<!tpu.dma_semaphore, #tpu.memory_space<semaphore_mem>>) {add = true}
      %add3A_58 = arith.constant 0 : i32
      %add3A_59 = arith.addi %add3A_18, %add3A_58 : i32
      %dma_wait3A = arith.constant 0 : i32
      %dma_wait3A_60 = tpu.memref_slice %arg6[%add3A_59, %dma_wait3A] : memref<125x40xi32, #tpu.memory_space<vmem>> -> memref<1x40xi32, #tpu.memory_space<vmem>>
      %dma_wait3A_61 = tpu.memref_squeeze %dma_wait3A_60 : memref<1x40xi32, #tpu.memory_space<vmem>> -> memref<40xi32, #tpu.memory_space<vmem>>
      %dma_wait3A_62 = arith.constant 0 : i32
      %dma_wait3A_63 = arith.constant 0 : i32
      %dma_wait3A_64 = tpu.memref_slice %arg8[%dma_wait3A_62, %dma_wait3A_63] : memref<10112x16xf32, #tpu.memory_space<vmem_shared>> -> memref<10112x16xf32, #tpu.memory_space<vmem_shared>>
      tpu.wait_indirect_dma semaphore(%arg9 : memref<!tpu.dma_semaphore, #tpu.memory_space<semaphore_mem>>) src(%arg7 : memref<40x16xf32, #tpu.memory_space<vmem>>) dst(%dma_wait3A_64 : memref<10112x16xf32, #tpu.memory_space<vmem_shared>>)
      %add3A_65 = arith.constant 1 : i32
      %add3A_66 = arith.addi %add3A_18, %add3A_65 : i32
      %dma_wait3A_67 = arith.constant 0 : i32
      %dma_wait3A_68 = tpu.memref_slice %arg6[%add3A_66, %dma_wait3A_67] : memref<125x40xi32, #tpu.memory_space<vmem>> -> memref<1x40xi32, #tpu.memory_space<vmem>>
      %dma_wait3A_69 = tpu.memref_squeeze %dma_wait3A_68 : memref<1x40xi32, #tpu.memory_space<vmem>> -> memref<40xi32, #tpu.memory_space<vmem>>
      %dma_wait3A_70 = arith.constant 0 : i32
      %dma_wait3A_71 = arith.constant 0 : i32
      %dma_wait3A_72 = tpu.memref_slice %arg8[%dma_wait3A_70, %dma_wait3A_71] : memref<10112x16xf32, #tpu.memory_space<vmem_shared>> -> memref<10112x16xf32, #tpu.memory_space<vmem_shared>>
      tpu.wait_indirect_dma semaphore(%arg9 : memref<!tpu.dma_semaphore, #tpu.memory_space<semaphore_mem>>) src(%arg7 : memref<40x16xf32, #tpu.memory_space<vmem>>) dst(%dma_wait3A_72 : memref<10112x16xf32, #tpu.memory_space<vmem_shared>>)
      %add3A_73 = arith.constant 2 : i32
      %add3A_74 = arith.addi %add3A_18, %add3A_73 : i32
      %dma_wait3A_75 = arith.constant 0 : i32
      %dma_wait3A_76 = tpu.memref_slice %arg6[%add3A_74, %dma_wait3A_75] : memref<125x40xi32, #tpu.memory_space<vmem>> -> memref<1x40xi32, #tpu.memory_space<vmem>>
      %dma_wait3A_77 = tpu.memref_squeeze %dma_wait3A_76 : memref<1x40xi32, #tpu.memory_space<vmem>> -> memref<40xi32, #tpu.memory_space<vmem>>
      %dma_wait3A_78 = arith.constant 0 : i32
      %dma_wait3A_79 = arith.constant 0 : i32
      %dma_wait3A_80 = tpu.memref_slice %arg8[%dma_wait3A_78, %dma_wait3A_79] : memref<10112x16xf32, #tpu.memory_space<vmem_shared>> -> memref<10112x16xf32, #tpu.memory_space<vmem_shared>>
      tpu.wait_indirect_dma semaphore(%arg9 : memref<!tpu.dma_semaphore, #tpu.memory_space<semaphore_mem>>) src(%arg7 : memref<40x16xf32, #tpu.memory_space<vmem>>) dst(%dma_wait3A_80 : memref<10112x16xf32, #tpu.memory_space<vmem_shared>>)
      %add3A_81 = arith.constant 3 : i32
      %add3A_82 = arith.addi %add3A_18, %add3A_81 : i32
      %dma_wait3A_83 = arith.constant 0 : i32
      %dma_wait3A_84 = tpu.memref_slice %arg6[%add3A_82, %dma_wait3A_83] : memref<125x40xi32, #tpu.memory_space<vmem>> -> memref<1x40xi32, #tpu.memory_space<vmem>>
      %dma_wait3A_85 = tpu.memref_squeeze %dma_wait3A_84 : memref<1x40xi32, #tpu.memory_space<vmem>> -> memref<40xi32, #tpu.memory_space<vmem>>
      %dma_wait3A_86 = arith.constant 0 : i32
      %dma_wait3A_87 = arith.constant 0 : i32
      %dma_wait3A_88 = tpu.memref_slice %arg8[%dma_wait3A_86, %dma_wait3A_87] : memref<10112x16xf32, #tpu.memory_space<vmem_shared>> -> memref<10112x16xf32, #tpu.memory_space<vmem_shared>>
      tpu.wait_indirect_dma semaphore(%arg9 : memref<!tpu.dma_semaphore, #tpu.memory_space<semaphore_mem>>) src(%arg7 : memref<40x16xf32, #tpu.memory_space<vmem>>) dst(%dma_wait3A_88 : memref<10112x16xf32, #tpu.memory_space<vmem_shared>>)
      %add3A_89 = arith.constant 4 : i32
      %add3A_90 = arith.addi %add3A_18, %add3A_89 : i32
      %dma_wait3A_91 = arith.constant 0 : i32
      %dma_wait3A_92 = tpu.memref_slice %arg6[%add3A_90, %dma_wait3A_91] : memref<125x40xi32, #tpu.memory_space<vmem>> -> memref<1x40xi32, #tpu.memory_space<vmem>>
      %dma_wait3A_93 = tpu.memref_squeeze %dma_wait3A_92 : memref<1x40xi32, #tpu.memory_space<vmem>> -> memref<40xi32, #tpu.memory_space<vmem>>
      %dma_wait3A_94 = arith.constant 0 : i32
      %dma_wait3A_95 = arith.constant 0 : i32
      %dma_wait3A_96 = tpu.memref_slice %arg8[%dma_wait3A_94, %dma_wait3A_95] : memref<10112x16xf32, #tpu.memory_space<vmem_shared>> -> memref<10112x16xf32, #tpu.memory_space<vmem_shared>>
      tpu.wait_indirect_dma semaphore(%arg9 : memref<!tpu.dma_semaphore, #tpu.memory_space<semaphore_mem>>) src(%arg7 : memref<40x16xf32, #tpu.memory_space<vmem>>) dst(%dma_wait3A_96 : memref<10112x16xf32, #tpu.memory_space<vmem_shared>>)
    }
    %scan3A_8 = arith.constant 25 : i32
    %barrier3A_9 = arith.constant 0 : index
    tpu.barrier barrier_id(%barrier3A_9)
    %mul3A_10 = arith.constant 632 : i32
    %mul3A_11 = arith.muli %arg1, %mul3A_10 : i32
    %mul3A_12 = arith.constant 632 : i32
    %mul3A_13 = arith.muli %arg1, %mul3A_12 : i32
    "tpu.region"() ({
      %run_scoped3A = tpu.sem_alloc : memref<!tpu.dma_semaphore, #tpu.memory_space<semaphore_mem>>
      %dma_start3A = arith.constant 0 : i32
      %dma_start3A_14 = tpu.memref_slice %arg5[%arg0, %mul3A_13, %dma_start3A] : memref<2x10112x16xf32, #tpu.memory_space<hbm>> -> memref<1x632x16xf32, #tpu.memory_space<hbm>>
      %dma_start3A_15 = tpu.memref_squeeze %dma_start3A_14 : memref<1x632x16xf32, #tpu.memory_space<hbm>> -> memref<632x16xf32, #tpu.memory_space<hbm>>
      %dma_start3A_16 = arith.constant 0 : i32
      %dma_start3A_17 = tpu.memref_slice %arg8[%mul3A_11, %dma_start3A_16] : memref<10112x16xf32, #tpu.memory_space<vmem_shared>> -> memref<632x16xf32, #tpu.memory_space<vmem_shared>>
      tpu.enqueue_dma source(%dma_start3A_17 : memref<632x16xf32, #tpu.memory_space<vmem_shared>>) target(%dma_start3A_15 : memref<632x16xf32, #tpu.memory_space<hbm>>) target_semaphore(%run_scoped3A : memref<!tpu.dma_semaphore, #tpu.memory_space<semaphore_mem>>)
      %dma_wait3A = arith.constant 0 : i32
      %dma_wait3A_18 = tpu.memref_slice %arg5[%arg0, %mul3A_13, %dma_wait3A] : memref<2x10112x16xf32, #tpu.memory_space<hbm>> -> memref<1x632x16xf32, #tpu.memory_space<hbm>>
      %dma_wait3A_19 = tpu.memref_squeeze %dma_wait3A_18 : memref<1x632x16xf32, #tpu.memory_space<hbm>> -> memref<632x16xf32, #tpu.memory_space<hbm>>
      %dma_wait3A_20 = arith.constant 0 : i32
      %dma_wait3A_21 = tpu.memref_slice %arg8[%mul3A_11, %dma_wait3A_20] : memref<10112x16xf32, #tpu.memory_space<vmem_shared>> -> memref<632x16xf32, #tpu.memory_space<vmem_shared>>
      tpu.wait_dma2 semaphore(%run_scoped3A : memref<!tpu.dma_semaphore, #tpu.memory_space<semaphore_mem>>) src(%dma_wait3A_21 : memref<632x16xf32, #tpu.memory_space<vmem_shared>>) dst(%dma_wait3A_19 : memref<632x16xf32, #tpu.memory_space<hbm>>)
      tpu.yield
    }) : () -> ()
    return
  }
}

#map = affine_map<(d0, d1) -> (0, 0)>
#map1 = affine_map<(d0, d1) -> (0, 0, 0)>
module attributes {stable_mosaic.version = 14 : i64} {
  func.func @_prop_body(%arg0: i32, %arg1: i32, %arg2: memref<10000x48xf32, #tpu.memory_space<hbm>>, %arg3: memref<32x125x40xi32, #tpu.memory_space<hbm>>, %arg4: memref<32x125x40xi32, #tpu.memory_space<hbm>>, %arg5: memref<10112x128xf32, #tpu.memory_space<hbm>>, %arg6: memref<2x10112x48xf32, #tpu.memory_space<hbm>>, %arg7: memref<125x40xi32, #tpu.memory_space<vmem>>, %arg8: memref<125x40xi32, #tpu.memory_space<vmem>>, %arg9: memref<5x40x48xf32, #tpu.memory_space<vmem>>, %arg10: memref<10112x48xf32, #tpu.memory_space<vmem_shared>>, %arg11: memref<!tpu.dma_semaphore, #tpu.memory_space<semaphore_mem>>, %arg12: memref<!tpu.dma_semaphore, #tpu.memory_space<semaphore_mem>>, %arg13: memref<!tpu.dma_semaphore, #tpu.memory_space<semaphore_mem>>, %arg14: memref<!tpu.dma_semaphore, #tpu.memory_space<semaphore_mem>>, %arg15: memref<!tpu.dma_semaphore, #tpu.memory_space<semaphore_mem>>) attributes {dimension_semantics = [#tpu.dimension_semantics<core_parallel>, #tpu.dimension_semantics<subcore_parallel>], iteration_bounds = array<i64: 2, 16>, scalar_prefetch = 0 : i64, scratch_operands = 9 : i64, tpu.core_type = #tpu.core_type<sc_vector_subcore>, window_params = [{transform_indices = #map}, {transform_indices = #map1}, {transform_indices = #map1}, {transform_indices = #map}, {transform_indices = #map1}]} {
    %mul3A = arith.constant 2 : i32
    %mul3A_0 = arith.muli %arg1, %mul3A : i32
    %add3A = arith.addi %mul3A_0, %arg0 : i32
    "tpu.region"() ({
      %run_scoped3A = tpu.sem_alloc : memref<!tpu.dma_semaphore, #tpu.memory_space<semaphore_mem>>
      %dma_start3A_73 = arith.constant 0 : i32
      %dma_start3A_74 = arith.constant 0 : i32
      %dma_start3A_75 = tpu.memref_slice %arg3[%add3A, %dma_start3A_73, %dma_start3A_74] : memref<32x125x40xi32, #tpu.memory_space<hbm>> -> memref<1x125x40xi32, #tpu.memory_space<hbm>>
      %dma_start3A_76 = tpu.memref_squeeze %dma_start3A_75 : memref<1x125x40xi32, #tpu.memory_space<hbm>> -> memref<125x40xi32, #tpu.memory_space<hbm>>
      %dma_start3A_77 = arith.constant 0 : i32
      %dma_start3A_78 = arith.constant 0 : i32
      %dma_start3A_79 = tpu.memref_slice %arg3[%add3A, %dma_start3A_77, %dma_start3A_78] : memref<32x125x40xi32, #tpu.memory_space<hbm>> -> memref<1x125x40xi32, #tpu.memory_space<hbm>>
      %dma_start3A_80 = tpu.memref_squeeze %dma_start3A_79 : memref<1x125x40xi32, #tpu.memory_space<hbm>> -> memref<125x40xi32, #tpu.memory_space<hbm>>
      tpu.enqueue_dma source(%dma_start3A_80 : memref<125x40xi32, #tpu.memory_space<hbm>>) target(%arg7 : memref<125x40xi32, #tpu.memory_space<vmem>>) target_semaphore(%run_scoped3A : memref<!tpu.dma_semaphore, #tpu.memory_space<semaphore_mem>>)
      %dma_wait3A = arith.constant 0 : i32
      %dma_wait3A_81 = arith.constant 0 : i32
      %dma_wait3A_82 = tpu.memref_slice %arg3[%add3A, %dma_wait3A, %dma_wait3A_81] : memref<32x125x40xi32, #tpu.memory_space<hbm>> -> memref<1x125x40xi32, #tpu.memory_space<hbm>>
      %dma_wait3A_83 = tpu.memref_squeeze %dma_wait3A_82 : memref<1x125x40xi32, #tpu.memory_space<hbm>> -> memref<125x40xi32, #tpu.memory_space<hbm>>
      %dma_wait3A_84 = arith.constant 0 : i32
      %dma_wait3A_85 = arith.constant 0 : i32
      %dma_wait3A_86 = tpu.memref_slice %arg3[%add3A, %dma_wait3A_84, %dma_wait3A_85] : memref<32x125x40xi32, #tpu.memory_space<hbm>> -> memref<1x125x40xi32, #tpu.memory_space<hbm>>
      %dma_wait3A_87 = tpu.memref_squeeze %dma_wait3A_86 : memref<1x125x40xi32, #tpu.memory_space<hbm>> -> memref<125x40xi32, #tpu.memory_space<hbm>>
      tpu.wait_dma2 semaphore(%run_scoped3A : memref<!tpu.dma_semaphore, #tpu.memory_space<semaphore_mem>>) src(%dma_wait3A_87 : memref<125x40xi32, #tpu.memory_space<hbm>>) dst(%arg7 : memref<125x40xi32, #tpu.memory_space<vmem>>)
      tpu.yield
    }) : () -> ()
    "tpu.region"() ({
      %run_scoped3A = tpu.sem_alloc : memref<!tpu.dma_semaphore, #tpu.memory_space<semaphore_mem>>
      %dma_start3A_73 = arith.constant 0 : i32
      %dma_start3A_74 = arith.constant 0 : i32
      %dma_start3A_75 = tpu.memref_slice %arg4[%add3A, %dma_start3A_73, %dma_start3A_74] : memref<32x125x40xi32, #tpu.memory_space<hbm>> -> memref<1x125x40xi32, #tpu.memory_space<hbm>>
      %dma_start3A_76 = tpu.memref_squeeze %dma_start3A_75 : memref<1x125x40xi32, #tpu.memory_space<hbm>> -> memref<125x40xi32, #tpu.memory_space<hbm>>
      %dma_start3A_77 = arith.constant 0 : i32
      %dma_start3A_78 = arith.constant 0 : i32
      %dma_start3A_79 = tpu.memref_slice %arg4[%add3A, %dma_start3A_77, %dma_start3A_78] : memref<32x125x40xi32, #tpu.memory_space<hbm>> -> memref<1x125x40xi32, #tpu.memory_space<hbm>>
      %dma_start3A_80 = tpu.memref_squeeze %dma_start3A_79 : memref<1x125x40xi32, #tpu.memory_space<hbm>> -> memref<125x40xi32, #tpu.memory_space<hbm>>
      tpu.enqueue_dma source(%dma_start3A_80 : memref<125x40xi32, #tpu.memory_space<hbm>>) target(%arg8 : memref<125x40xi32, #tpu.memory_space<vmem>>) target_semaphore(%run_scoped3A : memref<!tpu.dma_semaphore, #tpu.memory_space<semaphore_mem>>)
      %dma_wait3A = arith.constant 0 : i32
      %dma_wait3A_81 = arith.constant 0 : i32
      %dma_wait3A_82 = tpu.memref_slice %arg4[%add3A, %dma_wait3A, %dma_wait3A_81] : memref<32x125x40xi32, #tpu.memory_space<hbm>> -> memref<1x125x40xi32, #tpu.memory_space<hbm>>
      %dma_wait3A_83 = tpu.memref_squeeze %dma_wait3A_82 : memref<1x125x40xi32, #tpu.memory_space<hbm>> -> memref<125x40xi32, #tpu.memory_space<hbm>>
      %dma_wait3A_84 = arith.constant 0 : i32
      %dma_wait3A_85 = arith.constant 0 : i32
      %dma_wait3A_86 = tpu.memref_slice %arg4[%add3A, %dma_wait3A_84, %dma_wait3A_85] : memref<32x125x40xi32, #tpu.memory_space<hbm>> -> memref<1x125x40xi32, #tpu.memory_space<hbm>>
      %dma_wait3A_87 = tpu.memref_squeeze %dma_wait3A_86 : memref<1x125x40xi32, #tpu.memory_space<hbm>> -> memref<125x40xi32, #tpu.memory_space<hbm>>
      tpu.wait_dma2 semaphore(%run_scoped3A : memref<!tpu.dma_semaphore, #tpu.memory_space<semaphore_mem>>) src(%dma_wait3A_87 : memref<125x40xi32, #tpu.memory_space<hbm>>) dst(%arg8 : memref<125x40xi32, #tpu.memory_space<vmem>>)
      tpu.yield
    }) : () -> ()
    %dma_start3A = arith.constant 0 : i32
    %dma_start3A_1 = arith.constant 0 : i32
    %dma_start3A_2 = arith.constant 0 : i32
    %dma_start3A_3 = arith.constant 0 : i32
    %dma_start3A_4 = tpu.memref_slice %arg9[%dma_start3A_1, %dma_start3A_2, %dma_start3A_3] : memref<5x40x48xf32, #tpu.memory_space<vmem>> -> memref<1x40x48xf32, #tpu.memory_space<vmem>>
    %dma_start3A_5 = tpu.memref_squeeze %dma_start3A_4 : memref<1x40x48xf32, #tpu.memory_space<vmem>> -> memref<40x48xf32, #tpu.memory_space<vmem>>
    %dma_start3A_6 = arith.constant 0 : i32
    %dma_start3A_7 = tpu.memref_slice %arg7[%dma_start3A, %dma_start3A_6] : memref<125x40xi32, #tpu.memory_space<vmem>> -> memref<1x40xi32, #tpu.memory_space<vmem>>
    %dma_start3A_8 = tpu.memref_squeeze %dma_start3A_7 : memref<1x40xi32, #tpu.memory_space<vmem>> -> memref<40xi32, #tpu.memory_space<vmem>>
    %dma_start3A_9 = arith.constant 0 : i32
    %dma_start3A_10 = arith.constant 0 : i32
    %dma_start3A_11 = tpu.memref_slice %arg2[%dma_start3A_9, %dma_start3A_10] : memref<10000x48xf32, #tpu.memory_space<hbm>> -> memref<10000x48xf32, #tpu.memory_space<hbm>>
    tpu.enqueue_indirect_dma source(%dma_start3A_11 : memref<10000x48xf32, #tpu.memory_space<hbm>>) target(%dma_start3A_5 : memref<40x48xf32, #tpu.memory_space<vmem>>) offsets(%dma_start3A_8 : memref<40xi32, #tpu.memory_space<vmem>>) semaphore(%arg11 : memref<!tpu.dma_semaphore, #tpu.memory_space<semaphore_mem>>)
    %dma_start3A_12 = arith.constant 1 : i32
    %dma_start3A_13 = arith.constant 1 : i32
    %dma_start3A_14 = arith.constant 0 : i32
    %dma_start3A_15 = arith.constant 0 : i32
    %dma_start3A_16 = tpu.memref_slice %arg9[%dma_start3A_13, %dma_start3A_14, %dma_start3A_15] : memref<5x40x48xf32, #tpu.memory_space<vmem>> -> memref<1x40x48xf32, #tpu.memory_space<vmem>>
    %dma_start3A_17 = tpu.memref_squeeze %dma_start3A_16 : memref<1x40x48xf32, #tpu.memory_space<vmem>> -> memref<40x48xf32, #tpu.memory_space<vmem>>
    %dma_start3A_18 = arith.constant 0 : i32
    %dma_start3A_19 = tpu.memref_slice %arg7[%dma_start3A_12, %dma_start3A_18] : memref<125x40xi32, #tpu.memory_space<vmem>> -> memref<1x40xi32, #tpu.memory_space<vmem>>
    %dma_start3A_20 = tpu.memref_squeeze %dma_start3A_19 : memref<1x40xi32, #tpu.memory_space<vmem>> -> memref<40xi32, #tpu.memory_space<vmem>>
    %dma_start3A_21 = arith.constant 0 : i32
    %dma_start3A_22 = arith.constant 0 : i32
    %dma_start3A_23 = tpu.memref_slice %arg2[%dma_start3A_21, %dma_start3A_22] : memref<10000x48xf32, #tpu.memory_space<hbm>> -> memref<10000x48xf32, #tpu.memory_space<hbm>>
    tpu.enqueue_indirect_dma source(%dma_start3A_23 : memref<10000x48xf32, #tpu.memory_space<hbm>>) target(%dma_start3A_17 : memref<40x48xf32, #tpu.memory_space<vmem>>) offsets(%dma_start3A_20 : memref<40xi32, #tpu.memory_space<vmem>>) semaphore(%arg12 : memref<!tpu.dma_semaphore, #tpu.memory_space<semaphore_mem>>)
    %dma_start3A_24 = arith.constant 2 : i32
    %dma_start3A_25 = arith.constant 2 : i32
    %dma_start3A_26 = arith.constant 0 : i32
    %dma_start3A_27 = arith.constant 0 : i32
    %dma_start3A_28 = tpu.memref_slice %arg9[%dma_start3A_25, %dma_start3A_26, %dma_start3A_27] : memref<5x40x48xf32, #tpu.memory_space<vmem>> -> memref<1x40x48xf32, #tpu.memory_space<vmem>>
    %dma_start3A_29 = tpu.memref_squeeze %dma_start3A_28 : memref<1x40x48xf32, #tpu.memory_space<vmem>> -> memref<40x48xf32, #tpu.memory_space<vmem>>
    %dma_start3A_30 = arith.constant 0 : i32
    %dma_start3A_31 = tpu.memref_slice %arg7[%dma_start3A_24, %dma_start3A_30] : memref<125x40xi32, #tpu.memory_space<vmem>> -> memref<1x40xi32, #tpu.memory_space<vmem>>
    %dma_start3A_32 = tpu.memref_squeeze %dma_start3A_31 : memref<1x40xi32, #tpu.memory_space<vmem>> -> memref<40xi32, #tpu.memory_space<vmem>>
    %dma_start3A_33 = arith.constant 0 : i32
    %dma_start3A_34 = arith.constant 0 : i32
    %dma_start3A_35 = tpu.memref_slice %arg2[%dma_start3A_33, %dma_start3A_34] : memref<10000x48xf32, #tpu.memory_space<hbm>> -> memref<10000x48xf32, #tpu.memory_space<hbm>>
    tpu.enqueue_indirect_dma source(%dma_start3A_35 : memref<10000x48xf32, #tpu.memory_space<hbm>>) target(%dma_start3A_29 : memref<40x48xf32, #tpu.memory_space<vmem>>) offsets(%dma_start3A_32 : memref<40xi32, #tpu.memory_space<vmem>>) semaphore(%arg13 : memref<!tpu.dma_semaphore, #tpu.memory_space<semaphore_mem>>)
    %dma_start3A_36 = arith.constant 3 : i32
    %dma_start3A_37 = arith.constant 3 : i32
    %dma_start3A_38 = arith.constant 0 : i32
    %dma_start3A_39 = arith.constant 0 : i32
    %dma_start3A_40 = tpu.memref_slice %arg9[%dma_start3A_37, %dma_start3A_38, %dma_start3A_39] : memref<5x40x48xf32, #tpu.memory_space<vmem>> -> memref<1x40x48xf32, #tpu.memory_space<vmem>>
    %dma_start3A_41 = tpu.memref_squeeze %dma_start3A_40 : memref<1x40x48xf32, #tpu.memory_space<vmem>> -> memref<40x48xf32, #tpu.memory_space<vmem>>
    %dma_start3A_42 = arith.constant 0 : i32
    %dma_start3A_43 = tpu.memref_slice %arg7[%dma_start3A_36, %dma_start3A_42] : memref<125x40xi32, #tpu.memory_space<vmem>> -> memref<1x40xi32, #tpu.memory_space<vmem>>
    %dma_start3A_44 = tpu.memref_squeeze %dma_start3A_43 : memref<1x40xi32, #tpu.memory_space<vmem>> -> memref<40xi32, #tpu.memory_space<vmem>>
    %dma_start3A_45 = arith.constant 0 : i32
    %dma_start3A_46 = arith.constant 0 : i32
    %dma_start3A_47 = tpu.memref_slice %arg2[%dma_start3A_45, %dma_start3A_46] : memref<10000x48xf32, #tpu.memory_space<hbm>> -> memref<10000x48xf32, #tpu.memory_space<hbm>>
    tpu.enqueue_indirect_dma source(%dma_start3A_47 : memref<10000x48xf32, #tpu.memory_space<hbm>>) target(%dma_start3A_41 : memref<40x48xf32, #tpu.memory_space<vmem>>) offsets(%dma_start3A_44 : memref<40xi32, #tpu.memory_space<vmem>>) semaphore(%arg14 : memref<!tpu.dma_semaphore, #tpu.memory_space<semaphore_mem>>)
    %dma_start3A_48 = arith.constant 4 : i32
    %dma_start3A_49 = arith.constant 4 : i32
    %dma_start3A_50 = arith.constant 0 : i32
    %dma_start3A_51 = arith.constant 0 : i32
    %dma_start3A_52 = tpu.memref_slice %arg9[%dma_start3A_49, %dma_start3A_50, %dma_start3A_51] : memref<5x40x48xf32, #tpu.memory_space<vmem>> -> memref<1x40x48xf32, #tpu.memory_space<vmem>>
    %dma_start3A_53 = tpu.memref_squeeze %dma_start3A_52 : memref<1x40x48xf32, #tpu.memory_space<vmem>> -> memref<40x48xf32, #tpu.memory_space<vmem>>
    %dma_start3A_54 = arith.constant 0 : i32
    %dma_start3A_55 = tpu.memref_slice %arg7[%dma_start3A_48, %dma_start3A_54] : memref<125x40xi32, #tpu.memory_space<vmem>> -> memref<1x40xi32, #tpu.memory_space<vmem>>
    %dma_start3A_56 = tpu.memref_squeeze %dma_start3A_55 : memref<1x40xi32, #tpu.memory_space<vmem>> -> memref<40xi32, #tpu.memory_space<vmem>>
    %dma_start3A_57 = arith.constant 0 : i32
    %dma_start3A_58 = arith.constant 0 : i32
    %dma_start3A_59 = tpu.memref_slice %arg2[%dma_start3A_57, %dma_start3A_58] : memref<10000x48xf32, #tpu.memory_space<hbm>> -> memref<10000x48xf32, #tpu.memory_space<hbm>>
    tpu.enqueue_indirect_dma source(%dma_start3A_59 : memref<10000x48xf32, #tpu.memory_space<hbm>>) target(%dma_start3A_53 : memref<40x48xf32, #tpu.memory_space<vmem>>) offsets(%dma_start3A_56 : memref<40xi32, #tpu.memory_space<vmem>>) semaphore(%arg15 : memref<!tpu.dma_semaphore, #tpu.memory_space<semaphore_mem>>)
    %mul3A_60 = arith.constant 632 : i32
    %mul3A_61 = arith.muli %arg1, %mul3A_60 : i32
    %mul3A_62 = arith.constant 632 : i32
    %mul3A_63 = arith.muli %arg1, %mul3A_62 : i32
    "tpu.region"() ({
      %run_scoped3A = tpu.sem_alloc : memref<!tpu.dma_semaphore, #tpu.memory_space<semaphore_mem>>
      %dma_start3A_73 = arith.constant 0 : i32
      %dma_start3A_74 = tpu.memref_slice %arg10[%mul3A_63, %dma_start3A_73] : memref<10112x48xf32, #tpu.memory_space<vmem_shared>> -> memref<632x48xf32, #tpu.memory_space<vmem_shared>>
      %dma_start3A_75 = arith.constant 0 : i32
      %dma_start3A_76 = tpu.memref_slice %arg5[%mul3A_61, %dma_start3A_75] : memref<10112x128xf32, #tpu.memory_space<hbm>> -> memref<632x48xf32, #tpu.memory_space<hbm>>
      tpu.enqueue_dma source(%dma_start3A_76 : memref<632x48xf32, #tpu.memory_space<hbm>>) target(%dma_start3A_74 : memref<632x48xf32, #tpu.memory_space<vmem_shared>>) target_semaphore(%run_scoped3A : memref<!tpu.dma_semaphore, #tpu.memory_space<semaphore_mem>>)
      %dma_wait3A = arith.constant 0 : i32
      %dma_wait3A_77 = tpu.memref_slice %arg10[%mul3A_63, %dma_wait3A] : memref<10112x48xf32, #tpu.memory_space<vmem_shared>> -> memref<632x48xf32, #tpu.memory_space<vmem_shared>>
      %dma_wait3A_78 = arith.constant 0 : i32
      %dma_wait3A_79 = tpu.memref_slice %arg5[%mul3A_61, %dma_wait3A_78] : memref<10112x128xf32, #tpu.memory_space<hbm>> -> memref<632x48xf32, #tpu.memory_space<hbm>>
      tpu.wait_dma2 semaphore(%run_scoped3A : memref<!tpu.dma_semaphore, #tpu.memory_space<semaphore_mem>>) src(%dma_wait3A_79 : memref<632x48xf32, #tpu.memory_space<hbm>>) dst(%dma_wait3A_77 : memref<632x48xf32, #tpu.memory_space<vmem_shared>>)
      tpu.yield
    }) : () -> ()
    %barrier3A = arith.constant 0 : index
    tpu.barrier barrier_id(%barrier3A)
    %scan3A = arith.constant 0 : i32
    %scan3A_64 = arith.constant 25 : i32
    %scan3A_65 = arith.addi %scan3A, %scan3A_64 : i32
    %scan3A_66 = arith.constant 1 : i32
    scf.for %scan3A_73 = %scan3A to %scan3A_65 step %scan3A_66  : i32 {
      %mul3A_74 = arith.constant 5 : i32
      %mul3A_75 = arith.muli %scan3A_73, %mul3A_74 : i32
      %add3A_76 = arith.constant 0 : i32
      %add3A_77 = arith.addi %add3A_76, %mul3A_75 : i32
      %add3A_78 = arith.constant 0 : i32
      %add3A_79 = arith.addi %add3A_77, %add3A_78 : i32
      %dma_wait3A = arith.constant 0 : i32
      %dma_wait3A_80 = arith.constant 0 : i32
      %dma_wait3A_81 = arith.constant 0 : i32
      %dma_wait3A_82 = tpu.memref_slice %arg9[%dma_wait3A, %dma_wait3A_80, %dma_wait3A_81] : memref<5x40x48xf32, #tpu.memory_space<vmem>> -> memref<1x40x48xf32, #tpu.memory_space<vmem>>
      %dma_wait3A_83 = tpu.memref_squeeze %dma_wait3A_82 : memref<1x40x48xf32, #tpu.memory_space<vmem>> -> memref<40x48xf32, #tpu.memory_space<vmem>>
      %dma_wait3A_84 = arith.constant 0 : i32
      %dma_wait3A_85 = tpu.memref_slice %arg7[%add3A_79, %dma_wait3A_84] : memref<125x40xi32, #tpu.memory_space<vmem>> -> memref<1x40xi32, #tpu.memory_space<vmem>>
      %dma_wait3A_86 = tpu.memref_squeeze %dma_wait3A_85 : memref<1x40xi32, #tpu.memory_space<vmem>> -> memref<40xi32, #tpu.memory_space<vmem>>
      %dma_wait3A_87 = arith.constant 0 : i32
      %dma_wait3A_88 = arith.constant 0 : i32
      %dma_wait3A_89 = tpu.memref_slice %arg2[%dma_wait3A_87, %dma_wait3A_88] : memref<10000x48xf32, #tpu.memory_space<hbm>> -> memref<10000x48xf32, #tpu.memory_space<hbm>>
      tpu.wait_indirect_dma semaphore(%arg11 : memref<!tpu.dma_semaphore, #tpu.memory_space<semaphore_mem>>) src(%dma_wait3A_89 : memref<10000x48xf32, #tpu.memory_space<hbm>>) dst(%dma_wait3A_83 : memref<40x48xf32, #tpu.memory_space<vmem>>)
      %run_scoped3A = arith.constant 0 : i32
      "tpu.region"() ({
        %run_scoped3A_178 = tpu.sem_alloc : memref<!tpu.dma_semaphore, #tpu.memory_space<semaphore_mem>>
        %dma_start3A_179 = arith.constant 0 : i32
        %dma_start3A_180 = arith.constant 0 : i32
        %dma_start3A_181 = tpu.memref_slice %arg9[%run_scoped3A, %dma_start3A_179, %dma_start3A_180] : memref<5x40x48xf32, #tpu.memory_space<vmem>> -> memref<1x40x48xf32, #tpu.memory_space<vmem>>
        %dma_start3A_182 = tpu.memref_squeeze %dma_start3A_181 : memref<1x40x48xf32, #tpu.memory_space<vmem>> -> memref<40x48xf32, #tpu.memory_space<vmem>>
        %dma_start3A_183 = arith.constant 0 : i32
        %dma_start3A_184 = tpu.memref_slice %arg8[%add3A_79, %dma_start3A_183] : memref<125x40xi32, #tpu.memory_space<vmem>> -> memref<1x40xi32, #tpu.memory_space<vmem>>
        %dma_start3A_185 = tpu.memref_squeeze %dma_start3A_184 : memref<1x40xi32, #tpu.memory_space<vmem>> -> memref<40xi32, #tpu.memory_space<vmem>>
        %dma_start3A_186 = arith.constant 0 : i32
        %dma_start3A_187 = arith.constant 0 : i32
        %dma_start3A_188 = tpu.memref_slice %arg10[%dma_start3A_186, %dma_start3A_187] : memref<10112x48xf32, #tpu.memory_space<vmem_shared>> -> memref<10112x48xf32, #tpu.memory_space<vmem_shared>>
        tpu.enqueue_indirect_dma source(%dma_start3A_182 : memref<40x48xf32, #tpu.memory_space<vmem>>) target(%dma_start3A_188 : memref<10112x48xf32, #tpu.memory_space<vmem_shared>>) offsets(%dma_start3A_185 : memref<40xi32, #tpu.memory_space<vmem>>) semaphore(%run_scoped3A_178 : memref<!tpu.dma_semaphore, #tpu.memory_space<semaphore_mem>>) {add = true}
        %dma_wait3A_189 = arith.constant 0 : i32
        %dma_wait3A_190 = arith.constant 0 : i32
        %dma_wait3A_191 = tpu.memref_slice %arg9[%run_scoped3A, %dma_wait3A_189, %dma_wait3A_190] : memref<5x40x48xf32, #tpu.memory_space<vmem>> -> memref<1x40x48xf32, #tpu.memory_space<vmem>>
        %dma_wait3A_192 = tpu.memref_squeeze %dma_wait3A_191 : memref<1x40x48xf32, #tpu.memory_space<vmem>> -> memref<40x48xf32, #tpu.memory_space<vmem>>
        %dma_wait3A_193 = arith.constant 0 : i32
        %dma_wait3A_194 = tpu.memref_slice %arg8[%add3A_79, %dma_wait3A_193] : memref<125x40xi32, #tpu.memory_space<vmem>> -> memref<1x40xi32, #tpu.memory_space<vmem>>
        %dma_wait3A_195 = tpu.memref_squeeze %dma_wait3A_194 : memref<1x40xi32, #tpu.memory_space<vmem>> -> memref<40xi32, #tpu.memory_space<vmem>>
        %dma_wait3A_196 = arith.constant 0 : i32
        %dma_wait3A_197 = arith.constant 0 : i32
        %dma_wait3A_198 = tpu.memref_slice %arg10[%dma_wait3A_196, %dma_wait3A_197] : memref<10112x48xf32, #tpu.memory_space<vmem_shared>> -> memref<10112x48xf32, #tpu.memory_space<vmem_shared>>
        tpu.wait_indirect_dma semaphore(%run_scoped3A_178 : memref<!tpu.dma_semaphore, #tpu.memory_space<semaphore_mem>>) src(%dma_wait3A_192 : memref<40x48xf32, #tpu.memory_space<vmem>>) dst(%dma_wait3A_198 : memref<10112x48xf32, #tpu.memory_space<vmem_shared>>)
        tpu.yield
      }) : () -> ()
      %add3A_90 = arith.constant 5 : i32
      %add3A_91 = arith.addi %add3A_79, %add3A_90 : i32
      %lt3A = arith.constant 125 : i32
      %lt3A_92 = arith.cmpi slt, %add3A_91, %lt3A : i32
      %convert_element_type3A = arith.extui %lt3A_92 : i1 to i32
      %cond3A = arith.constant 0 : i32
      %cond3A_93 = arith.cmpi ne, %convert_element_type3A, %cond3A : i32
      scf.if %cond3A_93 {
        %add3A_178 = arith.constant 5 : i32
        %add3A_179 = arith.addi %add3A_79, %add3A_178 : i32
        %dma_start3A_180 = arith.constant 0 : i32
        %dma_start3A_181 = arith.constant 0 : i32
        %dma_start3A_182 = arith.constant 0 : i32
        %dma_start3A_183 = tpu.memref_slice %arg9[%dma_start3A_180, %dma_start3A_181, %dma_start3A_182] : memref<5x40x48xf32, #tpu.memory_space<vmem>> -> memref<1x40x48xf32, #tpu.memory_space<vmem>>
        %dma_start3A_184 = tpu.memref_squeeze %dma_start3A_183 : memref<1x40x48xf32, #tpu.memory_space<vmem>> -> memref<40x48xf32, #tpu.memory_space<vmem>>
        %dma_start3A_185 = arith.constant 0 : i32
        %dma_start3A_186 = tpu.memref_slice %arg7[%add3A_179, %dma_start3A_185] : memref<125x40xi32, #tpu.memory_space<vmem>> -> memref<1x40xi32, #tpu.memory_space<vmem>>
        %dma_start3A_187 = tpu.memref_squeeze %dma_start3A_186 : memref<1x40xi32, #tpu.memory_space<vmem>> -> memref<40xi32, #tpu.memory_space<vmem>>
        %dma_start3A_188 = arith.constant 0 : i32
        %dma_start3A_189 = arith.constant 0 : i32
        %dma_start3A_190 = tpu.memref_slice %arg2[%dma_start3A_188, %dma_start3A_189] : memref<10000x48xf32, #tpu.memory_space<hbm>> -> memref<10000x48xf32, #tpu.memory_space<hbm>>
        tpu.enqueue_indirect_dma source(%dma_start3A_190 : memref<10000x48xf32, #tpu.memory_space<hbm>>) target(%dma_start3A_184 : memref<40x48xf32, #tpu.memory_space<vmem>>) offsets(%dma_start3A_187 : memref<40xi32, #tpu.memory_space<vmem>>) semaphore(%arg11 : memref<!tpu.dma_semaphore, #tpu.memory_space<semaphore_mem>>)
      } else {
      }
      %add3A_94 = arith.constant 1 : i32
      %add3A_95 = arith.addi %add3A_77, %add3A_94 : i32
      %dma_wait3A_96 = arith.constant 1 : i32
      %dma_wait3A_97 = arith.constant 0 : i32
      %dma_wait3A_98 = arith.constant 0 : i32
      %dma_wait3A_99 = tpu.memref_slice %arg9[%dma_wait3A_96, %dma_wait3A_97, %dma_wait3A_98] : memref<5x40x48xf32, #tpu.memory_space<vmem>> -> memref<1x40x48xf32, #tpu.memory_space<vmem>>
      %dma_wait3A_100 = tpu.memref_squeeze %dma_wait3A_99 : memref<1x40x48xf32, #tpu.memory_space<vmem>> -> memref<40x48xf32, #tpu.memory_space<vmem>>
      %dma_wait3A_101 = arith.constant 0 : i32
      %dma_wait3A_102 = tpu.memref_slice %arg7[%add3A_95, %dma_wait3A_101] : memref<125x40xi32, #tpu.memory_space<vmem>> -> memref<1x40xi32, #tpu.memory_space<vmem>>
      %dma_wait3A_103 = tpu.memref_squeeze %dma_wait3A_102 : memref<1x40xi32, #tpu.memory_space<vmem>> -> memref<40xi32, #tpu.memory_space<vmem>>
      %dma_wait3A_104 = arith.constant 0 : i32
      %dma_wait3A_105 = arith.constant 0 : i32
      %dma_wait3A_106 = tpu.memref_slice %arg2[%dma_wait3A_104, %dma_wait3A_105] : memref<10000x48xf32, #tpu.memory_space<hbm>> -> memref<10000x48xf32, #tpu.memory_space<hbm>>
      tpu.wait_indirect_dma semaphore(%arg12 : memref<!tpu.dma_semaphore, #tpu.memory_space<semaphore_mem>>) src(%dma_wait3A_106 : memref<10000x48xf32, #tpu.memory_space<hbm>>) dst(%dma_wait3A_100 : memref<40x48xf32, #tpu.memory_space<vmem>>)
      %run_scoped3A_107 = arith.constant 1 : i32
      "tpu.region"() ({
        %run_scoped3A_178 = tpu.sem_alloc : memref<!tpu.dma_semaphore, #tpu.memory_space<semaphore_mem>>
        %dma_start3A_179 = arith.constant 0 : i32
        %dma_start3A_180 = arith.constant 0 : i32
        %dma_start3A_181 = tpu.memref_slice %arg9[%run_scoped3A_107, %dma_start3A_179, %dma_start3A_180] : memref<5x40x48xf32, #tpu.memory_space<vmem>> -> memref<1x40x48xf32, #tpu.memory_space<vmem>>
        %dma_start3A_182 = tpu.memref_squeeze %dma_start3A_181 : memref<1x40x48xf32, #tpu.memory_space<vmem>> -> memref<40x48xf32, #tpu.memory_space<vmem>>
        %dma_start3A_183 = arith.constant 0 : i32
        %dma_start3A_184 = tpu.memref_slice %arg8[%add3A_95, %dma_start3A_183] : memref<125x40xi32, #tpu.memory_space<vmem>> -> memref<1x40xi32, #tpu.memory_space<vmem>>
        %dma_start3A_185 = tpu.memref_squeeze %dma_start3A_184 : memref<1x40xi32, #tpu.memory_space<vmem>> -> memref<40xi32, #tpu.memory_space<vmem>>
        %dma_start3A_186 = arith.constant 0 : i32
        %dma_start3A_187 = arith.constant 0 : i32
        %dma_start3A_188 = tpu.memref_slice %arg10[%dma_start3A_186, %dma_start3A_187] : memref<10112x48xf32, #tpu.memory_space<vmem_shared>> -> memref<10112x48xf32, #tpu.memory_space<vmem_shared>>
        tpu.enqueue_indirect_dma source(%dma_start3A_182 : memref<40x48xf32, #tpu.memory_space<vmem>>) target(%dma_start3A_188 : memref<10112x48xf32, #tpu.memory_space<vmem_shared>>) offsets(%dma_start3A_185 : memref<40xi32, #tpu.memory_space<vmem>>) semaphore(%run_scoped3A_178 : memref<!tpu.dma_semaphore, #tpu.memory_space<semaphore_mem>>) {add = true}
        %dma_wait3A_189 = arith.constant 0 : i32
        %dma_wait3A_190 = arith.constant 0 : i32
        %dma_wait3A_191 = tpu.memref_slice %arg9[%run_scoped3A_107, %dma_wait3A_189, %dma_wait3A_190] : memref<5x40x48xf32, #tpu.memory_space<vmem>> -> memref<1x40x48xf32, #tpu.memory_space<vmem>>
        %dma_wait3A_192 = tpu.memref_squeeze %dma_wait3A_191 : memref<1x40x48xf32, #tpu.memory_space<vmem>> -> memref<40x48xf32, #tpu.memory_space<vmem>>
        %dma_wait3A_193 = arith.constant 0 : i32
        %dma_wait3A_194 = tpu.memref_slice %arg8[%add3A_95, %dma_wait3A_193] : memref<125x40xi32, #tpu.memory_space<vmem>> -> memref<1x40xi32, #tpu.memory_space<vmem>>
        %dma_wait3A_195 = tpu.memref_squeeze %dma_wait3A_194 : memref<1x40xi32, #tpu.memory_space<vmem>> -> memref<40xi32, #tpu.memory_space<vmem>>
        %dma_wait3A_196 = arith.constant 0 : i32
        %dma_wait3A_197 = arith.constant 0 : i32
        %dma_wait3A_198 = tpu.memref_slice %arg10[%dma_wait3A_196, %dma_wait3A_197] : memref<10112x48xf32, #tpu.memory_space<vmem_shared>> -> memref<10112x48xf32, #tpu.memory_space<vmem_shared>>
        tpu.wait_indirect_dma semaphore(%run_scoped3A_178 : memref<!tpu.dma_semaphore, #tpu.memory_space<semaphore_mem>>) src(%dma_wait3A_192 : memref<40x48xf32, #tpu.memory_space<vmem>>) dst(%dma_wait3A_198 : memref<10112x48xf32, #tpu.memory_space<vmem_shared>>)
        tpu.yield
      }) : () -> ()
      %add3A_108 = arith.constant 5 : i32
      %add3A_109 = arith.addi %add3A_95, %add3A_108 : i32
      %lt3A_110 = arith.constant 125 : i32
      %lt3A_111 = arith.cmpi slt, %add3A_109, %lt3A_110 : i32
      %convert_element_type3A_112 = arith.extui %lt3A_111 : i1 to i32
      %cond3A_113 = arith.constant 0 : i32
      %cond3A_114 = arith.cmpi ne, %convert_element_type3A_112, %cond3A_113 : i32
      scf.if %cond3A_114 {
        %add3A_178 = arith.constant 5 : i32
        %add3A_179 = arith.addi %add3A_95, %add3A_178 : i32
        %dma_start3A_180 = arith.constant 1 : i32
        %dma_start3A_181 = arith.constant 0 : i32
        %dma_start3A_182 = arith.constant 0 : i32
        %dma_start3A_183 = tpu.memref_slice %arg9[%dma_start3A_180, %dma_start3A_181, %dma_start3A_182] : memref<5x40x48xf32, #tpu.memory_space<vmem>> -> memref<1x40x48xf32, #tpu.memory_space<vmem>>
        %dma_start3A_184 = tpu.memref_squeeze %dma_start3A_183 : memref<1x40x48xf32, #tpu.memory_space<vmem>> -> memref<40x48xf32, #tpu.memory_space<vmem>>
        %dma_start3A_185 = arith.constant 0 : i32
        %dma_start3A_186 = tpu.memref_slice %arg7[%add3A_179, %dma_start3A_185] : memref<125x40xi32, #tpu.memory_space<vmem>> -> memref<1x40xi32, #tpu.memory_space<vmem>>
        %dma_start3A_187 = tpu.memref_squeeze %dma_start3A_186 : memref<1x40xi32, #tpu.memory_space<vmem>> -> memref<40xi32, #tpu.memory_space<vmem>>
        %dma_start3A_188 = arith.constant 0 : i32
        %dma_start3A_189 = arith.constant 0 : i32
        %dma_start3A_190 = tpu.memref_slice %arg2[%dma_start3A_188, %dma_start3A_189] : memref<10000x48xf32, #tpu.memory_space<hbm>> -> memref<10000x48xf32, #tpu.memory_space<hbm>>
        tpu.enqueue_indirect_dma source(%dma_start3A_190 : memref<10000x48xf32, #tpu.memory_space<hbm>>) target(%dma_start3A_184 : memref<40x48xf32, #tpu.memory_space<vmem>>) offsets(%dma_start3A_187 : memref<40xi32, #tpu.memory_space<vmem>>) semaphore(%arg12 : memref<!tpu.dma_semaphore, #tpu.memory_space<semaphore_mem>>)
      } else {
      }
      %add3A_115 = arith.constant 2 : i32
      %add3A_116 = arith.addi %add3A_77, %add3A_115 : i32
      %dma_wait3A_117 = arith.constant 2 : i32
      %dma_wait3A_118 = arith.constant 0 : i32
      %dma_wait3A_119 = arith.constant 0 : i32
      %dma_wait3A_120 = tpu.memref_slice %arg9[%dma_wait3A_117, %dma_wait3A_118, %dma_wait3A_119] : memref<5x40x48xf32, #tpu.memory_space<vmem>> -> memref<1x40x48xf32, #tpu.memory_space<vmem>>
      %dma_wait3A_121 = tpu.memref_squeeze %dma_wait3A_120 : memref<1x40x48xf32, #tpu.memory_space<vmem>> -> memref<40x48xf32, #tpu.memory_space<vmem>>
      %dma_wait3A_122 = arith.constant 0 : i32
      %dma_wait3A_123 = tpu.memref_slice %arg7[%add3A_116, %dma_wait3A_122] : memref<125x40xi32, #tpu.memory_space<vmem>> -> memref<1x40xi32, #tpu.memory_space<vmem>>
      %dma_wait3A_124 = tpu.memref_squeeze %dma_wait3A_123 : memref<1x40xi32, #tpu.memory_space<vmem>> -> memref<40xi32, #tpu.memory_space<vmem>>
      %dma_wait3A_125 = arith.constant 0 : i32
      %dma_wait3A_126 = arith.constant 0 : i32
      %dma_wait3A_127 = tpu.memref_slice %arg2[%dma_wait3A_125, %dma_wait3A_126] : memref<10000x48xf32, #tpu.memory_space<hbm>> -> memref<10000x48xf32, #tpu.memory_space<hbm>>
      tpu.wait_indirect_dma semaphore(%arg13 : memref<!tpu.dma_semaphore, #tpu.memory_space<semaphore_mem>>) src(%dma_wait3A_127 : memref<10000x48xf32, #tpu.memory_space<hbm>>) dst(%dma_wait3A_121 : memref<40x48xf32, #tpu.memory_space<vmem>>)
      %run_scoped3A_128 = arith.constant 2 : i32
      "tpu.region"() ({
        %run_scoped3A_178 = tpu.sem_alloc : memref<!tpu.dma_semaphore, #tpu.memory_space<semaphore_mem>>
        %dma_start3A_179 = arith.constant 0 : i32
        %dma_start3A_180 = arith.constant 0 : i32
        %dma_start3A_181 = tpu.memref_slice %arg9[%run_scoped3A_128, %dma_start3A_179, %dma_start3A_180] : memref<5x40x48xf32, #tpu.memory_space<vmem>> -> memref<1x40x48xf32, #tpu.memory_space<vmem>>
        %dma_start3A_182 = tpu.memref_squeeze %dma_start3A_181 : memref<1x40x48xf32, #tpu.memory_space<vmem>> -> memref<40x48xf32, #tpu.memory_space<vmem>>
        %dma_start3A_183 = arith.constant 0 : i32
        %dma_start3A_184 = tpu.memref_slice %arg8[%add3A_116, %dma_start3A_183] : memref<125x40xi32, #tpu.memory_space<vmem>> -> memref<1x40xi32, #tpu.memory_space<vmem>>
        %dma_start3A_185 = tpu.memref_squeeze %dma_start3A_184 : memref<1x40xi32, #tpu.memory_space<vmem>> -> memref<40xi32, #tpu.memory_space<vmem>>
        %dma_start3A_186 = arith.constant 0 : i32
        %dma_start3A_187 = arith.constant 0 : i32
        %dma_start3A_188 = tpu.memref_slice %arg10[%dma_start3A_186, %dma_start3A_187] : memref<10112x48xf32, #tpu.memory_space<vmem_shared>> -> memref<10112x48xf32, #tpu.memory_space<vmem_shared>>
        tpu.enqueue_indirect_dma source(%dma_start3A_182 : memref<40x48xf32, #tpu.memory_space<vmem>>) target(%dma_start3A_188 : memref<10112x48xf32, #tpu.memory_space<vmem_shared>>) offsets(%dma_start3A_185 : memref<40xi32, #tpu.memory_space<vmem>>) semaphore(%run_scoped3A_178 : memref<!tpu.dma_semaphore, #tpu.memory_space<semaphore_mem>>) {add = true}
        %dma_wait3A_189 = arith.constant 0 : i32
        %dma_wait3A_190 = arith.constant 0 : i32
        %dma_wait3A_191 = tpu.memref_slice %arg9[%run_scoped3A_128, %dma_wait3A_189, %dma_wait3A_190] : memref<5x40x48xf32, #tpu.memory_space<vmem>> -> memref<1x40x48xf32, #tpu.memory_space<vmem>>
        %dma_wait3A_192 = tpu.memref_squeeze %dma_wait3A_191 : memref<1x40x48xf32, #tpu.memory_space<vmem>> -> memref<40x48xf32, #tpu.memory_space<vmem>>
        %dma_wait3A_193 = arith.constant 0 : i32
        %dma_wait3A_194 = tpu.memref_slice %arg8[%add3A_116, %dma_wait3A_193] : memref<125x40xi32, #tpu.memory_space<vmem>> -> memref<1x40xi32, #tpu.memory_space<vmem>>
        %dma_wait3A_195 = tpu.memref_squeeze %dma_wait3A_194 : memref<1x40xi32, #tpu.memory_space<vmem>> -> memref<40xi32, #tpu.memory_space<vmem>>
        %dma_wait3A_196 = arith.constant 0 : i32
        %dma_wait3A_197 = arith.constant 0 : i32
        %dma_wait3A_198 = tpu.memref_slice %arg10[%dma_wait3A_196, %dma_wait3A_197] : memref<10112x48xf32, #tpu.memory_space<vmem_shared>> -> memref<10112x48xf32, #tpu.memory_space<vmem_shared>>
        tpu.wait_indirect_dma semaphore(%run_scoped3A_178 : memref<!tpu.dma_semaphore, #tpu.memory_space<semaphore_mem>>) src(%dma_wait3A_192 : memref<40x48xf32, #tpu.memory_space<vmem>>) dst(%dma_wait3A_198 : memref<10112x48xf32, #tpu.memory_space<vmem_shared>>)
        tpu.yield
      }) : () -> ()
      %add3A_129 = arith.constant 5 : i32
      %add3A_130 = arith.addi %add3A_116, %add3A_129 : i32
      %lt3A_131 = arith.constant 125 : i32
      %lt3A_132 = arith.cmpi slt, %add3A_130, %lt3A_131 : i32
      %convert_element_type3A_133 = arith.extui %lt3A_132 : i1 to i32
      %cond3A_134 = arith.constant 0 : i32
      %cond3A_135 = arith.cmpi ne, %convert_element_type3A_133, %cond3A_134 : i32
      scf.if %cond3A_135 {
        %add3A_178 = arith.constant 5 : i32
        %add3A_179 = arith.addi %add3A_116, %add3A_178 : i32
        %dma_start3A_180 = arith.constant 2 : i32
        %dma_start3A_181 = arith.constant 0 : i32
        %dma_start3A_182 = arith.constant 0 : i32
        %dma_start3A_183 = tpu.memref_slice %arg9[%dma_start3A_180, %dma_start3A_181, %dma_start3A_182] : memref<5x40x48xf32, #tpu.memory_space<vmem>> -> memref<1x40x48xf32, #tpu.memory_space<vmem>>
        %dma_start3A_184 = tpu.memref_squeeze %dma_start3A_183 : memref<1x40x48xf32, #tpu.memory_space<vmem>> -> memref<40x48xf32, #tpu.memory_space<vmem>>
        %dma_start3A_185 = arith.constant 0 : i32
        %dma_start3A_186 = tpu.memref_slice %arg7[%add3A_179, %dma_start3A_185] : memref<125x40xi32, #tpu.memory_space<vmem>> -> memref<1x40xi32, #tpu.memory_space<vmem>>
        %dma_start3A_187 = tpu.memref_squeeze %dma_start3A_186 : memref<1x40xi32, #tpu.memory_space<vmem>> -> memref<40xi32, #tpu.memory_space<vmem>>
        %dma_start3A_188 = arith.constant 0 : i32
        %dma_start3A_189 = arith.constant 0 : i32
        %dma_start3A_190 = tpu.memref_slice %arg2[%dma_start3A_188, %dma_start3A_189] : memref<10000x48xf32, #tpu.memory_space<hbm>> -> memref<10000x48xf32, #tpu.memory_space<hbm>>
        tpu.enqueue_indirect_dma source(%dma_start3A_190 : memref<10000x48xf32, #tpu.memory_space<hbm>>) target(%dma_start3A_184 : memref<40x48xf32, #tpu.memory_space<vmem>>) offsets(%dma_start3A_187 : memref<40xi32, #tpu.memory_space<vmem>>) semaphore(%arg13 : memref<!tpu.dma_semaphore, #tpu.memory_space<semaphore_mem>>)
      } else {
      }
      %add3A_136 = arith.constant 3 : i32
      %add3A_137 = arith.addi %add3A_77, %add3A_136 : i32
      %dma_wait3A_138 = arith.constant 3 : i32
      %dma_wait3A_139 = arith.constant 0 : i32
      %dma_wait3A_140 = arith.constant 0 : i32
      %dma_wait3A_141 = tpu.memref_slice %arg9[%dma_wait3A_138, %dma_wait3A_139, %dma_wait3A_140] : memref<5x40x48xf32, #tpu.memory_space<vmem>> -> memref<1x40x48xf32, #tpu.memory_space<vmem>>
      %dma_wait3A_142 = tpu.memref_squeeze %dma_wait3A_141 : memref<1x40x48xf32, #tpu.memory_space<vmem>> -> memref<40x48xf32, #tpu.memory_space<vmem>>
      %dma_wait3A_143 = arith.constant 0 : i32
      %dma_wait3A_144 = tpu.memref_slice %arg7[%add3A_137, %dma_wait3A_143] : memref<125x40xi32, #tpu.memory_space<vmem>> -> memref<1x40xi32, #tpu.memory_space<vmem>>
      %dma_wait3A_145 = tpu.memref_squeeze %dma_wait3A_144 : memref<1x40xi32, #tpu.memory_space<vmem>> -> memref<40xi32, #tpu.memory_space<vmem>>
      %dma_wait3A_146 = arith.constant 0 : i32
      %dma_wait3A_147 = arith.constant 0 : i32
      %dma_wait3A_148 = tpu.memref_slice %arg2[%dma_wait3A_146, %dma_wait3A_147] : memref<10000x48xf32, #tpu.memory_space<hbm>> -> memref<10000x48xf32, #tpu.memory_space<hbm>>
      tpu.wait_indirect_dma semaphore(%arg14 : memref<!tpu.dma_semaphore, #tpu.memory_space<semaphore_mem>>) src(%dma_wait3A_148 : memref<10000x48xf32, #tpu.memory_space<hbm>>) dst(%dma_wait3A_142 : memref<40x48xf32, #tpu.memory_space<vmem>>)
      %run_scoped3A_149 = arith.constant 3 : i32
      "tpu.region"() ({
        %run_scoped3A_178 = tpu.sem_alloc : memref<!tpu.dma_semaphore, #tpu.memory_space<semaphore_mem>>
        %dma_start3A_179 = arith.constant 0 : i32
        %dma_start3A_180 = arith.constant 0 : i32
        %dma_start3A_181 = tpu.memref_slice %arg9[%run_scoped3A_149, %dma_start3A_179, %dma_start3A_180] : memref<5x40x48xf32, #tpu.memory_space<vmem>> -> memref<1x40x48xf32, #tpu.memory_space<vmem>>
        %dma_start3A_182 = tpu.memref_squeeze %dma_start3A_181 : memref<1x40x48xf32, #tpu.memory_space<vmem>> -> memref<40x48xf32, #tpu.memory_space<vmem>>
        %dma_start3A_183 = arith.constant 0 : i32
        %dma_start3A_184 = tpu.memref_slice %arg8[%add3A_137, %dma_start3A_183] : memref<125x40xi32, #tpu.memory_space<vmem>> -> memref<1x40xi32, #tpu.memory_space<vmem>>
        %dma_start3A_185 = tpu.memref_squeeze %dma_start3A_184 : memref<1x40xi32, #tpu.memory_space<vmem>> -> memref<40xi32, #tpu.memory_space<vmem>>
        %dma_start3A_186 = arith.constant 0 : i32
        %dma_start3A_187 = arith.constant 0 : i32
        %dma_start3A_188 = tpu.memref_slice %arg10[%dma_start3A_186, %dma_start3A_187] : memref<10112x48xf32, #tpu.memory_space<vmem_shared>> -> memref<10112x48xf32, #tpu.memory_space<vmem_shared>>
        tpu.enqueue_indirect_dma source(%dma_start3A_182 : memref<40x48xf32, #tpu.memory_space<vmem>>) target(%dma_start3A_188 : memref<10112x48xf32, #tpu.memory_space<vmem_shared>>) offsets(%dma_start3A_185 : memref<40xi32, #tpu.memory_space<vmem>>) semaphore(%run_scoped3A_178 : memref<!tpu.dma_semaphore, #tpu.memory_space<semaphore_mem>>) {add = true}
        %dma_wait3A_189 = arith.constant 0 : i32
        %dma_wait3A_190 = arith.constant 0 : i32
        %dma_wait3A_191 = tpu.memref_slice %arg9[%run_scoped3A_149, %dma_wait3A_189, %dma_wait3A_190] : memref<5x40x48xf32, #tpu.memory_space<vmem>> -> memref<1x40x48xf32, #tpu.memory_space<vmem>>
        %dma_wait3A_192 = tpu.memref_squeeze %dma_wait3A_191 : memref<1x40x48xf32, #tpu.memory_space<vmem>> -> memref<40x48xf32, #tpu.memory_space<vmem>>
        %dma_wait3A_193 = arith.constant 0 : i32
        %dma_wait3A_194 = tpu.memref_slice %arg8[%add3A_137, %dma_wait3A_193] : memref<125x40xi32, #tpu.memory_space<vmem>> -> memref<1x40xi32, #tpu.memory_space<vmem>>
        %dma_wait3A_195 = tpu.memref_squeeze %dma_wait3A_194 : memref<1x40xi32, #tpu.memory_space<vmem>> -> memref<40xi32, #tpu.memory_space<vmem>>
        %dma_wait3A_196 = arith.constant 0 : i32
        %dma_wait3A_197 = arith.constant 0 : i32
        %dma_wait3A_198 = tpu.memref_slice %arg10[%dma_wait3A_196, %dma_wait3A_197] : memref<10112x48xf32, #tpu.memory_space<vmem_shared>> -> memref<10112x48xf32, #tpu.memory_space<vmem_shared>>
        tpu.wait_indirect_dma semaphore(%run_scoped3A_178 : memref<!tpu.dma_semaphore, #tpu.memory_space<semaphore_mem>>) src(%dma_wait3A_192 : memref<40x48xf32, #tpu.memory_space<vmem>>) dst(%dma_wait3A_198 : memref<10112x48xf32, #tpu.memory_space<vmem_shared>>)
        tpu.yield
      }) : () -> ()
      %add3A_150 = arith.constant 5 : i32
      %add3A_151 = arith.addi %add3A_137, %add3A_150 : i32
      %lt3A_152 = arith.constant 125 : i32
      %lt3A_153 = arith.cmpi slt, %add3A_151, %lt3A_152 : i32
      %convert_element_type3A_154 = arith.extui %lt3A_153 : i1 to i32
      %cond3A_155 = arith.constant 0 : i32
      %cond3A_156 = arith.cmpi ne, %convert_element_type3A_154, %cond3A_155 : i32
      scf.if %cond3A_156 {
        %add3A_178 = arith.constant 5 : i32
        %add3A_179 = arith.addi %add3A_137, %add3A_178 : i32
        %dma_start3A_180 = arith.constant 3 : i32
        %dma_start3A_181 = arith.constant 0 : i32
        %dma_start3A_182 = arith.constant 0 : i32
        %dma_start3A_183 = tpu.memref_slice %arg9[%dma_start3A_180, %dma_start3A_181, %dma_start3A_182] : memref<5x40x48xf32, #tpu.memory_space<vmem>> -> memref<1x40x48xf32, #tpu.memory_space<vmem>>
        %dma_start3A_184 = tpu.memref_squeeze %dma_start3A_183 : memref<1x40x48xf32, #tpu.memory_space<vmem>> -> memref<40x48xf32, #tpu.memory_space<vmem>>
        %dma_start3A_185 = arith.constant 0 : i32
        %dma_start3A_186 = tpu.memref_slice %arg7[%add3A_179, %dma_start3A_185] : memref<125x40xi32, #tpu.memory_space<vmem>> -> memref<1x40xi32, #tpu.memory_space<vmem>>
        %dma_start3A_187 = tpu.memref_squeeze %dma_start3A_186 : memref<1x40xi32, #tpu.memory_space<vmem>> -> memref<40xi32, #tpu.memory_space<vmem>>
        %dma_start3A_188 = arith.constant 0 : i32
        %dma_start3A_189 = arith.constant 0 : i32
        %dma_start3A_190 = tpu.memref_slice %arg2[%dma_start3A_188, %dma_start3A_189] : memref<10000x48xf32, #tpu.memory_space<hbm>> -> memref<10000x48xf32, #tpu.memory_space<hbm>>
        tpu.enqueue_indirect_dma source(%dma_start3A_190 : memref<10000x48xf32, #tpu.memory_space<hbm>>) target(%dma_start3A_184 : memref<40x48xf32, #tpu.memory_space<vmem>>) offsets(%dma_start3A_187 : memref<40xi32, #tpu.memory_space<vmem>>) semaphore(%arg14 : memref<!tpu.dma_semaphore, #tpu.memory_space<semaphore_mem>>)
      } else {
      }
      %add3A_157 = arith.constant 4 : i32
      %add3A_158 = arith.addi %add3A_77, %add3A_157 : i32
      %dma_wait3A_159 = arith.constant 4 : i32
      %dma_wait3A_160 = arith.constant 0 : i32
      %dma_wait3A_161 = arith.constant 0 : i32
      %dma_wait3A_162 = tpu.memref_slice %arg9[%dma_wait3A_159, %dma_wait3A_160, %dma_wait3A_161] : memref<5x40x48xf32, #tpu.memory_space<vmem>> -> memref<1x40x48xf32, #tpu.memory_space<vmem>>
      %dma_wait3A_163 = tpu.memref_squeeze %dma_wait3A_162 : memref<1x40x48xf32, #tpu.memory_space<vmem>> -> memref<40x48xf32, #tpu.memory_space<vmem>>
      %dma_wait3A_164 = arith.constant 0 : i32
      %dma_wait3A_165 = tpu.memref_slice %arg7[%add3A_158, %dma_wait3A_164] : memref<125x40xi32, #tpu.memory_space<vmem>> -> memref<1x40xi32, #tpu.memory_space<vmem>>
      %dma_wait3A_166 = tpu.memref_squeeze %dma_wait3A_165 : memref<1x40xi32, #tpu.memory_space<vmem>> -> memref<40xi32, #tpu.memory_space<vmem>>
      %dma_wait3A_167 = arith.constant 0 : i32
      %dma_wait3A_168 = arith.constant 0 : i32
      %dma_wait3A_169 = tpu.memref_slice %arg2[%dma_wait3A_167, %dma_wait3A_168] : memref<10000x48xf32, #tpu.memory_space<hbm>> -> memref<10000x48xf32, #tpu.memory_space<hbm>>
      tpu.wait_indirect_dma semaphore(%arg15 : memref<!tpu.dma_semaphore, #tpu.memory_space<semaphore_mem>>) src(%dma_wait3A_169 : memref<10000x48xf32, #tpu.memory_space<hbm>>) dst(%dma_wait3A_163 : memref<40x48xf32, #tpu.memory_space<vmem>>)
      %run_scoped3A_170 = arith.constant 4 : i32
      "tpu.region"() ({
        %run_scoped3A_178 = tpu.sem_alloc : memref<!tpu.dma_semaphore, #tpu.memory_space<semaphore_mem>>
        %dma_start3A_179 = arith.constant 0 : i32
        %dma_start3A_180 = arith.constant 0 : i32
        %dma_start3A_181 = tpu.memref_slice %arg9[%run_scoped3A_170, %dma_start3A_179, %dma_start3A_180] : memref<5x40x48xf32, #tpu.memory_space<vmem>> -> memref<1x40x48xf32, #tpu.memory_space<vmem>>
        %dma_start3A_182 = tpu.memref_squeeze %dma_start3A_181 : memref<1x40x48xf32, #tpu.memory_space<vmem>> -> memref<40x48xf32, #tpu.memory_space<vmem>>
        %dma_start3A_183 = arith.constant 0 : i32
        %dma_start3A_184 = tpu.memref_slice %arg8[%add3A_158, %dma_start3A_183] : memref<125x40xi32, #tpu.memory_space<vmem>> -> memref<1x40xi32, #tpu.memory_space<vmem>>
        %dma_start3A_185 = tpu.memref_squeeze %dma_start3A_184 : memref<1x40xi32, #tpu.memory_space<vmem>> -> memref<40xi32, #tpu.memory_space<vmem>>
        %dma_start3A_186 = arith.constant 0 : i32
        %dma_start3A_187 = arith.constant 0 : i32
        %dma_start3A_188 = tpu.memref_slice %arg10[%dma_start3A_186, %dma_start3A_187] : memref<10112x48xf32, #tpu.memory_space<vmem_shared>> -> memref<10112x48xf32, #tpu.memory_space<vmem_shared>>
        tpu.enqueue_indirect_dma source(%dma_start3A_182 : memref<40x48xf32, #tpu.memory_space<vmem>>) target(%dma_start3A_188 : memref<10112x48xf32, #tpu.memory_space<vmem_shared>>) offsets(%dma_start3A_185 : memref<40xi32, #tpu.memory_space<vmem>>) semaphore(%run_scoped3A_178 : memref<!tpu.dma_semaphore, #tpu.memory_space<semaphore_mem>>) {add = true}
        %dma_wait3A_189 = arith.constant 0 : i32
        %dma_wait3A_190 = arith.constant 0 : i32
        %dma_wait3A_191 = tpu.memref_slice %arg9[%run_scoped3A_170, %dma_wait3A_189, %dma_wait3A_190] : memref<5x40x48xf32, #tpu.memory_space<vmem>> -> memref<1x40x48xf32, #tpu.memory_space<vmem>>
        %dma_wait3A_192 = tpu.memref_squeeze %dma_wait3A_191 : memref<1x40x48xf32, #tpu.memory_space<vmem>> -> memref<40x48xf32, #tpu.memory_space<vmem>>
        %dma_wait3A_193 = arith.constant 0 : i32
        %dma_wait3A_194 = tpu.memref_slice %arg8[%add3A_158, %dma_wait3A_193] : memref<125x40xi32, #tpu.memory_space<vmem>> -> memref<1x40xi32, #tpu.memory_space<vmem>>
        %dma_wait3A_195 = tpu.memref_squeeze %dma_wait3A_194 : memref<1x40xi32, #tpu.memory_space<vmem>> -> memref<40xi32, #tpu.memory_space<vmem>>
        %dma_wait3A_196 = arith.constant 0 : i32
        %dma_wait3A_197 = arith.constant 0 : i32
        %dma_wait3A_198 = tpu.memref_slice %arg10[%dma_wait3A_196, %dma_wait3A_197] : memref<10112x48xf32, #tpu.memory_space<vmem_shared>> -> memref<10112x48xf32, #tpu.memory_space<vmem_shared>>
        tpu.wait_indirect_dma semaphore(%run_scoped3A_178 : memref<!tpu.dma_semaphore, #tpu.memory_space<semaphore_mem>>) src(%dma_wait3A_192 : memref<40x48xf32, #tpu.memory_space<vmem>>) dst(%dma_wait3A_198 : memref<10112x48xf32, #tpu.memory_space<vmem_shared>>)
        tpu.yield
      }) : () -> ()
      %add3A_171 = arith.constant 5 : i32
      %add3A_172 = arith.addi %add3A_158, %add3A_171 : i32
      %lt3A_173 = arith.constant 125 : i32
      %lt3A_174 = arith.cmpi slt, %add3A_172, %lt3A_173 : i32
      %convert_element_type3A_175 = arith.extui %lt3A_174 : i1 to i32
      %cond3A_176 = arith.constant 0 : i32
      %cond3A_177 = arith.cmpi ne, %convert_element_type3A_175, %cond3A_176 : i32
      scf.if %cond3A_177 {
        %add3A_178 = arith.constant 5 : i32
        %add3A_179 = arith.addi %add3A_158, %add3A_178 : i32
        %dma_start3A_180 = arith.constant 4 : i32
        %dma_start3A_181 = arith.constant 0 : i32
        %dma_start3A_182 = arith.constant 0 : i32
        %dma_start3A_183 = tpu.memref_slice %arg9[%dma_start3A_180, %dma_start3A_181, %dma_start3A_182] : memref<5x40x48xf32, #tpu.memory_space<vmem>> -> memref<1x40x48xf32, #tpu.memory_space<vmem>>
        %dma_start3A_184 = tpu.memref_squeeze %dma_start3A_183 : memref<1x40x48xf32, #tpu.memory_space<vmem>> -> memref<40x48xf32, #tpu.memory_space<vmem>>
        %dma_start3A_185 = arith.constant 0 : i32
        %dma_start3A_186 = tpu.memref_slice %arg7[%add3A_179, %dma_start3A_185] : memref<125x40xi32, #tpu.memory_space<vmem>> -> memref<1x40xi32, #tpu.memory_space<vmem>>
        %dma_start3A_187 = tpu.memref_squeeze %dma_start3A_186 : memref<1x40xi32, #tpu.memory_space<vmem>> -> memref<40xi32, #tpu.memory_space<vmem>>
        %dma_start3A_188 = arith.constant 0 : i32
        %dma_start3A_189 = arith.constant 0 : i32
        %dma_start3A_190 = tpu.memref_slice %arg2[%dma_start3A_188, %dma_start3A_189] : memref<10000x48xf32, #tpu.memory_space<hbm>> -> memref<10000x48xf32, #tpu.memory_space<hbm>>
        tpu.enqueue_indirect_dma source(%dma_start3A_190 : memref<10000x48xf32, #tpu.memory_space<hbm>>) target(%dma_start3A_184 : memref<40x48xf32, #tpu.memory_space<vmem>>) offsets(%dma_start3A_187 : memref<40xi32, #tpu.memory_space<vmem>>) semaphore(%arg15 : memref<!tpu.dma_semaphore, #tpu.memory_space<semaphore_mem>>)
      } else {
      }
    }
    %scan3A_67 = arith.constant 25 : i32
    %barrier3A_68 = arith.constant 0 : index
    tpu.barrier barrier_id(%barrier3A_68)
    %mul3A_69 = arith.constant 632 : i32
    %mul3A_70 = arith.muli %arg1, %mul3A_69 : i32
    %mul3A_71 = arith.constant 632 : i32
    %mul3A_72 = arith.muli %arg1, %mul3A_71 : i32
    "tpu.region"() ({
      %run_scoped3A = tpu.sem_alloc : memref<!tpu.dma_semaphore, #tpu.memory_space<semaphore_mem>>
      %dma_start3A_73 = arith.constant 0 : i32
      %dma_start3A_74 = tpu.memref_slice %arg6[%arg0, %mul3A_72, %dma_start3A_73] : memref<2x10112x48xf32, #tpu.memory_space<hbm>> -> memref<1x632x48xf32, #tpu.memory_space<hbm>>
      %dma_start3A_75 = tpu.memref_squeeze %dma_start3A_74 : memref<1x632x48xf32, #tpu.memory_space<hbm>> -> memref<632x48xf32, #tpu.memory_space<hbm>>
      %dma_start3A_76 = arith.constant 0 : i32
      %dma_start3A_77 = tpu.memref_slice %arg10[%mul3A_70, %dma_start3A_76] : memref<10112x48xf32, #tpu.memory_space<vmem_shared>> -> memref<632x48xf32, #tpu.memory_space<vmem_shared>>
      tpu.enqueue_dma source(%dma_start3A_77 : memref<632x48xf32, #tpu.memory_space<vmem_shared>>) target(%dma_start3A_75 : memref<632x48xf32, #tpu.memory_space<hbm>>) target_semaphore(%run_scoped3A : memref<!tpu.dma_semaphore, #tpu.memory_space<semaphore_mem>>)
      %dma_wait3A = arith.constant 0 : i32
      %dma_wait3A_78 = tpu.memref_slice %arg6[%arg0, %mul3A_72, %dma_wait3A] : memref<2x10112x48xf32, #tpu.memory_space<hbm>> -> memref<1x632x48xf32, #tpu.memory_space<hbm>>
      %dma_wait3A_79 = tpu.memref_squeeze %dma_wait3A_78 : memref<1x632x48xf32, #tpu.memory_space<hbm>> -> memref<632x48xf32, #tpu.memory_space<hbm>>
      %dma_wait3A_80 = arith.constant 0 : i32
      %dma_wait3A_81 = tpu.memref_slice %arg10[%mul3A_70, %dma_wait3A_80] : memref<10112x48xf32, #tpu.memory_space<vmem_shared>> -> memref<632x48xf32, #tpu.memory_space<vmem_shared>>
      tpu.wait_dma2 semaphore(%run_scoped3A : memref<!tpu.dma_semaphore, #tpu.memory_space<semaphore_mem>>) src(%dma_wait3A_81 : memref<632x48xf32, #tpu.memory_space<vmem_shared>>) dst(%dma_wait3A_79 : memref<632x48xf32, #tpu.memory_space<hbm>>)
      tpu.yield
    }) : () -> ()
    return
  }
}

#map = affine_map<(d0, d1) -> (0, 0, 0)>
#map1 = affine_map<(d0, d1) -> (0, 0)>
module attributes {stable_mosaic.version = 14 : i64} {
  func.func @_prop256_body(%arg0: i32, %arg1: i32, %arg2: memref<2x10000x128xf32, #tpu.memory_space<hbm>>, %arg3: memref<16x250x40xi32, #tpu.memory_space<hbm>>, %arg4: memref<16x250x40xi32, #tpu.memory_space<hbm>>, %arg5: memref<10112x128xf32, #tpu.memory_space<hbm>>, %arg6: memref<2x10112x128xf32, #tpu.memory_space<hbm>>, %arg7: memref<250x40xi32, #tpu.memory_space<vmem>>, %arg8: memref<250x40xi32, #tpu.memory_space<vmem>>, %arg9: memref<5x40x128xf32, #tpu.memory_space<vmem>>, %arg10: memref<10112x128xf32, #tpu.memory_space<vmem_shared>>, %arg11: memref<!tpu.dma_semaphore, #tpu.memory_space<semaphore_mem>>, %arg12: memref<!tpu.dma_semaphore, #tpu.memory_space<semaphore_mem>>, %arg13: memref<!tpu.dma_semaphore, #tpu.memory_space<semaphore_mem>>, %arg14: memref<!tpu.dma_semaphore, #tpu.memory_space<semaphore_mem>>, %arg15: memref<!tpu.dma_semaphore, #tpu.memory_space<semaphore_mem>>) attributes {dimension_semantics = [#tpu.dimension_semantics<core_parallel>, #tpu.dimension_semantics<subcore_parallel>], iteration_bounds = array<i64: 2, 16>, scalar_prefetch = 0 : i64, scratch_operands = 9 : i64, tpu.core_type = #tpu.core_type<sc_vector_subcore>, window_params = [{transform_indices = #map}, {transform_indices = #map}, {transform_indices = #map}, {transform_indices = #map1}, {transform_indices = #map}]} {
    "tpu.region"() ({
      %run_scoped3A = tpu.sem_alloc : memref<!tpu.dma_semaphore, #tpu.memory_space<semaphore_mem>>
      %dma_start3A_91 = arith.constant 0 : i32
      %dma_start3A_92 = arith.constant 0 : i32
      %dma_start3A_93 = tpu.memref_slice %arg3[%arg1, %dma_start3A_91, %dma_start3A_92] : memref<16x250x40xi32, #tpu.memory_space<hbm>> -> memref<1x250x40xi32, #tpu.memory_space<hbm>>
      %dma_start3A_94 = tpu.memref_squeeze %dma_start3A_93 : memref<1x250x40xi32, #tpu.memory_space<hbm>> -> memref<250x40xi32, #tpu.memory_space<hbm>>
      %dma_start3A_95 = arith.constant 0 : i32
      %dma_start3A_96 = arith.constant 0 : i32
      %dma_start3A_97 = tpu.memref_slice %arg3[%arg1, %dma_start3A_95, %dma_start3A_96] : memref<16x250x40xi32, #tpu.memory_space<hbm>> -> memref<1x250x40xi32, #tpu.memory_space<hbm>>
      %dma_start3A_98 = tpu.memref_squeeze %dma_start3A_97 : memref<1x250x40xi32, #tpu.memory_space<hbm>> -> memref<250x40xi32, #tpu.memory_space<hbm>>
      tpu.enqueue_dma source(%dma_start3A_98 : memref<250x40xi32, #tpu.memory_space<hbm>>) target(%arg7 : memref<250x40xi32, #tpu.memory_space<vmem>>) target_semaphore(%run_scoped3A : memref<!tpu.dma_semaphore, #tpu.memory_space<semaphore_mem>>)
      %dma_wait3A = arith.constant 0 : i32
      %dma_wait3A_99 = arith.constant 0 : i32
      %dma_wait3A_100 = tpu.memref_slice %arg3[%arg1, %dma_wait3A, %dma_wait3A_99] : memref<16x250x40xi32, #tpu.memory_space<hbm>> -> memref<1x250x40xi32, #tpu.memory_space<hbm>>
      %dma_wait3A_101 = tpu.memref_squeeze %dma_wait3A_100 : memref<1x250x40xi32, #tpu.memory_space<hbm>> -> memref<250x40xi32, #tpu.memory_space<hbm>>
      %dma_wait3A_102 = arith.constant 0 : i32
      %dma_wait3A_103 = arith.constant 0 : i32
      %dma_wait3A_104 = tpu.memref_slice %arg3[%arg1, %dma_wait3A_102, %dma_wait3A_103] : memref<16x250x40xi32, #tpu.memory_space<hbm>> -> memref<1x250x40xi32, #tpu.memory_space<hbm>>
      %dma_wait3A_105 = tpu.memref_squeeze %dma_wait3A_104 : memref<1x250x40xi32, #tpu.memory_space<hbm>> -> memref<250x40xi32, #tpu.memory_space<hbm>>
      tpu.wait_dma2 semaphore(%run_scoped3A : memref<!tpu.dma_semaphore, #tpu.memory_space<semaphore_mem>>) src(%dma_wait3A_105 : memref<250x40xi32, #tpu.memory_space<hbm>>) dst(%arg7 : memref<250x40xi32, #tpu.memory_space<vmem>>)
      tpu.yield
    }) : () -> ()
    "tpu.region"() ({
      %run_scoped3A = tpu.sem_alloc : memref<!tpu.dma_semaphore, #tpu.memory_space<semaphore_mem>>
      %dma_start3A_91 = arith.constant 0 : i32
      %dma_start3A_92 = arith.constant 0 : i32
      %dma_start3A_93 = tpu.memref_slice %arg4[%arg1, %dma_start3A_91, %dma_start3A_92] : memref<16x250x40xi32, #tpu.memory_space<hbm>> -> memref<1x250x40xi32, #tpu.memory_space<hbm>>
      %dma_start3A_94 = tpu.memref_squeeze %dma_start3A_93 : memref<1x250x40xi32, #tpu.memory_space<hbm>> -> memref<250x40xi32, #tpu.memory_space<hbm>>
      %dma_start3A_95 = arith.constant 0 : i32
      %dma_start3A_96 = arith.constant 0 : i32
      %dma_start3A_97 = tpu.memref_slice %arg4[%arg1, %dma_start3A_95, %dma_start3A_96] : memref<16x250x40xi32, #tpu.memory_space<hbm>> -> memref<1x250x40xi32, #tpu.memory_space<hbm>>
      %dma_start3A_98 = tpu.memref_squeeze %dma_start3A_97 : memref<1x250x40xi32, #tpu.memory_space<hbm>> -> memref<250x40xi32, #tpu.memory_space<hbm>>
      tpu.enqueue_dma source(%dma_start3A_98 : memref<250x40xi32, #tpu.memory_space<hbm>>) target(%arg8 : memref<250x40xi32, #tpu.memory_space<vmem>>) target_semaphore(%run_scoped3A : memref<!tpu.dma_semaphore, #tpu.memory_space<semaphore_mem>>)
      %dma_wait3A = arith.constant 0 : i32
      %dma_wait3A_99 = arith.constant 0 : i32
      %dma_wait3A_100 = tpu.memref_slice %arg4[%arg1, %dma_wait3A, %dma_wait3A_99] : memref<16x250x40xi32, #tpu.memory_space<hbm>> -> memref<1x250x40xi32, #tpu.memory_space<hbm>>
      %dma_wait3A_101 = tpu.memref_squeeze %dma_wait3A_100 : memref<1x250x40xi32, #tpu.memory_space<hbm>> -> memref<250x40xi32, #tpu.memory_space<hbm>>
      %dma_wait3A_102 = arith.constant 0 : i32
      %dma_wait3A_103 = arith.constant 0 : i32
      %dma_wait3A_104 = tpu.memref_slice %arg4[%arg1, %dma_wait3A_102, %dma_wait3A_103] : memref<16x250x40xi32, #tpu.memory_space<hbm>> -> memref<1x250x40xi32, #tpu.memory_space<hbm>>
      %dma_wait3A_105 = tpu.memref_squeeze %dma_wait3A_104 : memref<1x250x40xi32, #tpu.memory_space<hbm>> -> memref<250x40xi32, #tpu.memory_space<hbm>>
      tpu.wait_dma2 semaphore(%run_scoped3A : memref<!tpu.dma_semaphore, #tpu.memory_space<semaphore_mem>>) src(%dma_wait3A_105 : memref<250x40xi32, #tpu.memory_space<hbm>>) dst(%arg8 : memref<250x40xi32, #tpu.memory_space<vmem>>)
      tpu.yield
    }) : () -> ()
    %dma_start3A = arith.constant 0 : i32
    %dma_start3A_0 = arith.constant 0 : i32
    %dma_start3A_1 = arith.constant 0 : i32
    %dma_start3A_2 = arith.constant 0 : i32
    %dma_start3A_3 = tpu.memref_slice %arg9[%dma_start3A_0, %dma_start3A_1, %dma_start3A_2] : memref<5x40x128xf32, #tpu.memory_space<vmem>> -> memref<1x40x128xf32, #tpu.memory_space<vmem>>
    %dma_start3A_4 = tpu.memref_squeeze %dma_start3A_3 : memref<1x40x128xf32, #tpu.memory_space<vmem>> -> memref<40x128xf32, #tpu.memory_space<vmem>>
    %dma_start3A_5 = arith.constant 0 : i32
    %dma_start3A_6 = tpu.memref_slice %arg7[%dma_start3A, %dma_start3A_5] : memref<250x40xi32, #tpu.memory_space<vmem>> -> memref<1x40xi32, #tpu.memory_space<vmem>>
    %dma_start3A_7 = tpu.memref_squeeze %dma_start3A_6 : memref<1x40xi32, #tpu.memory_space<vmem>> -> memref<40xi32, #tpu.memory_space<vmem>>
    %dma_start3A_8 = arith.constant 0 : i32
    %dma_start3A_9 = arith.constant 0 : i32
    %dma_start3A_10 = tpu.memref_slice %arg2[%arg0, %dma_start3A_8, %dma_start3A_9] : memref<2x10000x128xf32, #tpu.memory_space<hbm>> -> memref<1x10000x128xf32, #tpu.memory_space<hbm>>
    %dma_start3A_11 = tpu.memref_squeeze %dma_start3A_10 : memref<1x10000x128xf32, #tpu.memory_space<hbm>> -> memref<10000x128xf32, #tpu.memory_space<hbm>>
    %dma_start3A_12 = arith.constant 0 : i32
    %dma_start3A_13 = arith.constant 0 : i32
    %dma_start3A_14 = tpu.memref_slice %dma_start3A_11[%dma_start3A_12, %dma_start3A_13] : memref<10000x128xf32, #tpu.memory_space<hbm>> -> memref<10000x128xf32, #tpu.memory_space<hbm>>
    tpu.enqueue_indirect_dma source(%dma_start3A_14 : memref<10000x128xf32, #tpu.memory_space<hbm>>) target(%dma_start3A_4 : memref<40x128xf32, #tpu.memory_space<vmem>>) offsets(%dma_start3A_7 : memref<40xi32, #tpu.memory_space<vmem>>) semaphore(%arg11 : memref<!tpu.dma_semaphore, #tpu.memory_space<semaphore_mem>>)
    %dma_start3A_15 = arith.constant 1 : i32
    %dma_start3A_16 = arith.constant 1 : i32
    %dma_start3A_17 = arith.constant 0 : i32
    %dma_start3A_18 = arith.constant 0 : i32
    %dma_start3A_19 = tpu.memref_slice %arg9[%dma_start3A_16, %dma_start3A_17, %dma_start3A_18] : memref<5x40x128xf32, #tpu.memory_space<vmem>> -> memref<1x40x128xf32, #tpu.memory_space<vmem>>
    %dma_start3A_20 = tpu.memref_squeeze %dma_start3A_19 : memref<1x40x128xf32, #tpu.memory_space<vmem>> -> memref<40x128xf32, #tpu.memory_space<vmem>>
    %dma_start3A_21 = arith.constant 0 : i32
    %dma_start3A_22 = tpu.memref_slice %arg7[%dma_start3A_15, %dma_start3A_21] : memref<250x40xi32, #tpu.memory_space<vmem>> -> memref<1x40xi32, #tpu.memory_space<vmem>>
    %dma_start3A_23 = tpu.memref_squeeze %dma_start3A_22 : memref<1x40xi32, #tpu.memory_space<vmem>> -> memref<40xi32, #tpu.memory_space<vmem>>
    %dma_start3A_24 = arith.constant 0 : i32
    %dma_start3A_25 = arith.constant 0 : i32
    %dma_start3A_26 = tpu.memref_slice %arg2[%arg0, %dma_start3A_24, %dma_start3A_25] : memref<2x10000x128xf32, #tpu.memory_space<hbm>> -> memref<1x10000x128xf32, #tpu.memory_space<hbm>>
    %dma_start3A_27 = tpu.memref_squeeze %dma_start3A_26 : memref<1x10000x128xf32, #tpu.memory_space<hbm>> -> memref<10000x128xf32, #tpu.memory_space<hbm>>
    %dma_start3A_28 = arith.constant 0 : i32
    %dma_start3A_29 = arith.constant 0 : i32
    %dma_start3A_30 = tpu.memref_slice %dma_start3A_27[%dma_start3A_28, %dma_start3A_29] : memref<10000x128xf32, #tpu.memory_space<hbm>> -> memref<10000x128xf32, #tpu.memory_space<hbm>>
    tpu.enqueue_indirect_dma source(%dma_start3A_30 : memref<10000x128xf32, #tpu.memory_space<hbm>>) target(%dma_start3A_20 : memref<40x128xf32, #tpu.memory_space<vmem>>) offsets(%dma_start3A_23 : memref<40xi32, #tpu.memory_space<vmem>>) semaphore(%arg12 : memref<!tpu.dma_semaphore, #tpu.memory_space<semaphore_mem>>)
    %dma_start3A_31 = arith.constant 2 : i32
    %dma_start3A_32 = arith.constant 2 : i32
    %dma_start3A_33 = arith.constant 0 : i32
    %dma_start3A_34 = arith.constant 0 : i32
    %dma_start3A_35 = tpu.memref_slice %arg9[%dma_start3A_32, %dma_start3A_33, %dma_start3A_34] : memref<5x40x128xf32, #tpu.memory_space<vmem>> -> memref<1x40x128xf32, #tpu.memory_space<vmem>>
    %dma_start3A_36 = tpu.memref_squeeze %dma_start3A_35 : memref<1x40x128xf32, #tpu.memory_space<vmem>> -> memref<40x128xf32, #tpu.memory_space<vmem>>
    %dma_start3A_37 = arith.constant 0 : i32
    %dma_start3A_38 = tpu.memref_slice %arg7[%dma_start3A_31, %dma_start3A_37] : memref<250x40xi32, #tpu.memory_space<vmem>> -> memref<1x40xi32, #tpu.memory_space<vmem>>
    %dma_start3A_39 = tpu.memref_squeeze %dma_start3A_38 : memref<1x40xi32, #tpu.memory_space<vmem>> -> memref<40xi32, #tpu.memory_space<vmem>>
    %dma_start3A_40 = arith.constant 0 : i32
    %dma_start3A_41 = arith.constant 0 : i32
    %dma_start3A_42 = tpu.memref_slice %arg2[%arg0, %dma_start3A_40, %dma_start3A_41] : memref<2x10000x128xf32, #tpu.memory_space<hbm>> -> memref<1x10000x128xf32, #tpu.memory_space<hbm>>
    %dma_start3A_43 = tpu.memref_squeeze %dma_start3A_42 : memref<1x10000x128xf32, #tpu.memory_space<hbm>> -> memref<10000x128xf32, #tpu.memory_space<hbm>>
    %dma_start3A_44 = arith.constant 0 : i32
    %dma_start3A_45 = arith.constant 0 : i32
    %dma_start3A_46 = tpu.memref_slice %dma_start3A_43[%dma_start3A_44, %dma_start3A_45] : memref<10000x128xf32, #tpu.memory_space<hbm>> -> memref<10000x128xf32, #tpu.memory_space<hbm>>
    tpu.enqueue_indirect_dma source(%dma_start3A_46 : memref<10000x128xf32, #tpu.memory_space<hbm>>) target(%dma_start3A_36 : memref<40x128xf32, #tpu.memory_space<vmem>>) offsets(%dma_start3A_39 : memref<40xi32, #tpu.memory_space<vmem>>) semaphore(%arg13 : memref<!tpu.dma_semaphore, #tpu.memory_space<semaphore_mem>>)
    %dma_start3A_47 = arith.constant 3 : i32
    %dma_start3A_48 = arith.constant 3 : i32
    %dma_start3A_49 = arith.constant 0 : i32
    %dma_start3A_50 = arith.constant 0 : i32
    %dma_start3A_51 = tpu.memref_slice %arg9[%dma_start3A_48, %dma_start3A_49, %dma_start3A_50] : memref<5x40x128xf32, #tpu.memory_space<vmem>> -> memref<1x40x128xf32, #tpu.memory_space<vmem>>
    %dma_start3A_52 = tpu.memref_squeeze %dma_start3A_51 : memref<1x40x128xf32, #tpu.memory_space<vmem>> -> memref<40x128xf32, #tpu.memory_space<vmem>>
    %dma_start3A_53 = arith.constant 0 : i32
    %dma_start3A_54 = tpu.memref_slice %arg7[%dma_start3A_47, %dma_start3A_53] : memref<250x40xi32, #tpu.memory_space<vmem>> -> memref<1x40xi32, #tpu.memory_space<vmem>>
    %dma_start3A_55 = tpu.memref_squeeze %dma_start3A_54 : memref<1x40xi32, #tpu.memory_space<vmem>> -> memref<40xi32, #tpu.memory_space<vmem>>
    %dma_start3A_56 = arith.constant 0 : i32
    %dma_start3A_57 = arith.constant 0 : i32
    %dma_start3A_58 = tpu.memref_slice %arg2[%arg0, %dma_start3A_56, %dma_start3A_57] : memref<2x10000x128xf32, #tpu.memory_space<hbm>> -> memref<1x10000x128xf32, #tpu.memory_space<hbm>>
    %dma_start3A_59 = tpu.memref_squeeze %dma_start3A_58 : memref<1x10000x128xf32, #tpu.memory_space<hbm>> -> memref<10000x128xf32, #tpu.memory_space<hbm>>
    %dma_start3A_60 = arith.constant 0 : i32
    %dma_start3A_61 = arith.constant 0 : i32
    %dma_start3A_62 = tpu.memref_slice %dma_start3A_59[%dma_start3A_60, %dma_start3A_61] : memref<10000x128xf32, #tpu.memory_space<hbm>> -> memref<10000x128xf32, #tpu.memory_space<hbm>>
    tpu.enqueue_indirect_dma source(%dma_start3A_62 : memref<10000x128xf32, #tpu.memory_space<hbm>>) target(%dma_start3A_52 : memref<40x128xf32, #tpu.memory_space<vmem>>) offsets(%dma_start3A_55 : memref<40xi32, #tpu.memory_space<vmem>>) semaphore(%arg14 : memref<!tpu.dma_semaphore, #tpu.memory_space<semaphore_mem>>)
    %dma_start3A_63 = arith.constant 4 : i32
    %dma_start3A_64 = arith.constant 4 : i32
    %dma_start3A_65 = arith.constant 0 : i32
    %dma_start3A_66 = arith.constant 0 : i32
    %dma_start3A_67 = tpu.memref_slice %arg9[%dma_start3A_64, %dma_start3A_65, %dma_start3A_66] : memref<5x40x128xf32, #tpu.memory_space<vmem>> -> memref<1x40x128xf32, #tpu.memory_space<vmem>>
    %dma_start3A_68 = tpu.memref_squeeze %dma_start3A_67 : memref<1x40x128xf32, #tpu.memory_space<vmem>> -> memref<40x128xf32, #tpu.memory_space<vmem>>
    %dma_start3A_69 = arith.constant 0 : i32
    %dma_start3A_70 = tpu.memref_slice %arg7[%dma_start3A_63, %dma_start3A_69] : memref<250x40xi32, #tpu.memory_space<vmem>> -> memref<1x40xi32, #tpu.memory_space<vmem>>
    %dma_start3A_71 = tpu.memref_squeeze %dma_start3A_70 : memref<1x40xi32, #tpu.memory_space<vmem>> -> memref<40xi32, #tpu.memory_space<vmem>>
    %dma_start3A_72 = arith.constant 0 : i32
    %dma_start3A_73 = arith.constant 0 : i32
    %dma_start3A_74 = tpu.memref_slice %arg2[%arg0, %dma_start3A_72, %dma_start3A_73] : memref<2x10000x128xf32, #tpu.memory_space<hbm>> -> memref<1x10000x128xf32, #tpu.memory_space<hbm>>
    %dma_start3A_75 = tpu.memref_squeeze %dma_start3A_74 : memref<1x10000x128xf32, #tpu.memory_space<hbm>> -> memref<10000x128xf32, #tpu.memory_space<hbm>>
    %dma_start3A_76 = arith.constant 0 : i32
    %dma_start3A_77 = arith.constant 0 : i32
    %dma_start3A_78 = tpu.memref_slice %dma_start3A_75[%dma_start3A_76, %dma_start3A_77] : memref<10000x128xf32, #tpu.memory_space<hbm>> -> memref<10000x128xf32, #tpu.memory_space<hbm>>
    tpu.enqueue_indirect_dma source(%dma_start3A_78 : memref<10000x128xf32, #tpu.memory_space<hbm>>) target(%dma_start3A_68 : memref<40x128xf32, #tpu.memory_space<vmem>>) offsets(%dma_start3A_71 : memref<40xi32, #tpu.memory_space<vmem>>) semaphore(%arg15 : memref<!tpu.dma_semaphore, #tpu.memory_space<semaphore_mem>>)
    %mul3A = arith.constant 632 : i32
    %mul3A_79 = arith.muli %arg1, %mul3A : i32
    %mul3A_80 = arith.constant 632 : i32
    %mul3A_81 = arith.muli %arg1, %mul3A_80 : i32
    "tpu.region"() ({
      %run_scoped3A = tpu.sem_alloc : memref<!tpu.dma_semaphore, #tpu.memory_space<semaphore_mem>>
      %dma_start3A_91 = arith.constant 0 : i32
      %dma_start3A_92 = tpu.memref_slice %arg10[%mul3A_81, %dma_start3A_91] : memref<10112x128xf32, #tpu.memory_space<vmem_shared>> -> memref<632x128xf32, #tpu.memory_space<vmem_shared>>
      %dma_start3A_93 = arith.constant 0 : i32
      %dma_start3A_94 = tpu.memref_slice %arg5[%mul3A_79, %dma_start3A_93] : memref<10112x128xf32, #tpu.memory_space<hbm>> -> memref<632x128xf32, #tpu.memory_space<hbm>>
      tpu.enqueue_dma source(%dma_start3A_94 : memref<632x128xf32, #tpu.memory_space<hbm>>) target(%dma_start3A_92 : memref<632x128xf32, #tpu.memory_space<vmem_shared>>) target_semaphore(%run_scoped3A : memref<!tpu.dma_semaphore, #tpu.memory_space<semaphore_mem>>)
      %dma_wait3A = arith.constant 0 : i32
      %dma_wait3A_95 = tpu.memref_slice %arg10[%mul3A_81, %dma_wait3A] : memref<10112x128xf32, #tpu.memory_space<vmem_shared>> -> memref<632x128xf32, #tpu.memory_space<vmem_shared>>
      %dma_wait3A_96 = arith.constant 0 : i32
      %dma_wait3A_97 = tpu.memref_slice %arg5[%mul3A_79, %dma_wait3A_96] : memref<10112x128xf32, #tpu.memory_space<hbm>> -> memref<632x128xf32, #tpu.memory_space<hbm>>
      tpu.wait_dma2 semaphore(%run_scoped3A : memref<!tpu.dma_semaphore, #tpu.memory_space<semaphore_mem>>) src(%dma_wait3A_97 : memref<632x128xf32, #tpu.memory_space<hbm>>) dst(%dma_wait3A_95 : memref<632x128xf32, #tpu.memory_space<vmem_shared>>)
      tpu.yield
    }) : () -> ()
    %barrier3A = arith.constant 0 : index
    tpu.barrier barrier_id(%barrier3A)
    %scan3A = arith.constant 0 : i32
    %scan3A_82 = arith.constant 50 : i32
    %scan3A_83 = arith.addi %scan3A, %scan3A_82 : i32
    %scan3A_84 = arith.constant 1 : i32
    scf.for %scan3A_91 = %scan3A to %scan3A_83 step %scan3A_84  : i32 {
      %mul3A_92 = arith.constant 5 : i32
      %mul3A_93 = arith.muli %scan3A_91, %mul3A_92 : i32
      %add3A = arith.constant 0 : i32
      %add3A_94 = arith.addi %add3A, %mul3A_93 : i32
      %add3A_95 = arith.constant 0 : i32
      %add3A_96 = arith.addi %add3A_94, %add3A_95 : i32
      %dma_wait3A = arith.constant 0 : i32
      %dma_wait3A_97 = arith.constant 0 : i32
      %dma_wait3A_98 = arith.constant 0 : i32
      %dma_wait3A_99 = tpu.memref_slice %arg9[%dma_wait3A, %dma_wait3A_97, %dma_wait3A_98] : memref<5x40x128xf32, #tpu.memory_space<vmem>> -> memref<1x40x128xf32, #tpu.memory_space<vmem>>
      %dma_wait3A_100 = tpu.memref_squeeze %dma_wait3A_99 : memref<1x40x128xf32, #tpu.memory_space<vmem>> -> memref<40x128xf32, #tpu.memory_space<vmem>>
      %dma_wait3A_101 = arith.constant 0 : i32
      %dma_wait3A_102 = tpu.memref_slice %arg7[%add3A_96, %dma_wait3A_101] : memref<250x40xi32, #tpu.memory_space<vmem>> -> memref<1x40xi32, #tpu.memory_space<vmem>>
      %dma_wait3A_103 = tpu.memref_squeeze %dma_wait3A_102 : memref<1x40xi32, #tpu.memory_space<vmem>> -> memref<40xi32, #tpu.memory_space<vmem>>
      %dma_wait3A_104 = arith.constant 0 : i32
      %dma_wait3A_105 = arith.constant 0 : i32
      %dma_wait3A_106 = tpu.memref_slice %arg2[%arg0, %dma_wait3A_104, %dma_wait3A_105] : memref<2x10000x128xf32, #tpu.memory_space<hbm>> -> memref<1x10000x128xf32, #tpu.memory_space<hbm>>
      %dma_wait3A_107 = tpu.memref_squeeze %dma_wait3A_106 : memref<1x10000x128xf32, #tpu.memory_space<hbm>> -> memref<10000x128xf32, #tpu.memory_space<hbm>>
      %dma_wait3A_108 = arith.constant 0 : i32
      %dma_wait3A_109 = arith.constant 0 : i32
      %dma_wait3A_110 = tpu.memref_slice %dma_wait3A_107[%dma_wait3A_108, %dma_wait3A_109] : memref<10000x128xf32, #tpu.memory_space<hbm>> -> memref<10000x128xf32, #tpu.memory_space<hbm>>
      tpu.wait_indirect_dma semaphore(%arg11 : memref<!tpu.dma_semaphore, #tpu.memory_space<semaphore_mem>>) src(%dma_wait3A_110 : memref<10000x128xf32, #tpu.memory_space<hbm>>) dst(%dma_wait3A_100 : memref<40x128xf32, #tpu.memory_space<vmem>>)
      %run_scoped3A = arith.constant 0 : i32
      "tpu.region"() ({
        %run_scoped3A_215 = tpu.sem_alloc : memref<!tpu.dma_semaphore, #tpu.memory_space<semaphore_mem>>
        %dma_start3A_216 = arith.constant 0 : i32
        %dma_start3A_217 = arith.constant 0 : i32
        %dma_start3A_218 = tpu.memref_slice %arg9[%run_scoped3A, %dma_start3A_216, %dma_start3A_217] : memref<5x40x128xf32, #tpu.memory_space<vmem>> -> memref<1x40x128xf32, #tpu.memory_space<vmem>>
        %dma_start3A_219 = tpu.memref_squeeze %dma_start3A_218 : memref<1x40x128xf32, #tpu.memory_space<vmem>> -> memref<40x128xf32, #tpu.memory_space<vmem>>
        %dma_start3A_220 = arith.constant 0 : i32
        %dma_start3A_221 = tpu.memref_slice %arg8[%add3A_96, %dma_start3A_220] : memref<250x40xi32, #tpu.memory_space<vmem>> -> memref<1x40xi32, #tpu.memory_space<vmem>>
        %dma_start3A_222 = tpu.memref_squeeze %dma_start3A_221 : memref<1x40xi32, #tpu.memory_space<vmem>> -> memref<40xi32, #tpu.memory_space<vmem>>
        %dma_start3A_223 = arith.constant 0 : i32
        %dma_start3A_224 = arith.constant 0 : i32
        %dma_start3A_225 = tpu.memref_slice %arg10[%dma_start3A_223, %dma_start3A_224] : memref<10112x128xf32, #tpu.memory_space<vmem_shared>> -> memref<10112x128xf32, #tpu.memory_space<vmem_shared>>
        tpu.enqueue_indirect_dma source(%dma_start3A_219 : memref<40x128xf32, #tpu.memory_space<vmem>>) target(%dma_start3A_225 : memref<10112x128xf32, #tpu.memory_space<vmem_shared>>) offsets(%dma_start3A_222 : memref<40xi32, #tpu.memory_space<vmem>>) semaphore(%run_scoped3A_215 : memref<!tpu.dma_semaphore, #tpu.memory_space<semaphore_mem>>) {add = true}
        %dma_wait3A_226 = arith.constant 0 : i32
        %dma_wait3A_227 = arith.constant 0 : i32
        %dma_wait3A_228 = tpu.memref_slice %arg9[%run_scoped3A, %dma_wait3A_226, %dma_wait3A_227] : memref<5x40x128xf32, #tpu.memory_space<vmem>> -> memref<1x40x128xf32, #tpu.memory_space<vmem>>
        %dma_wait3A_229 = tpu.memref_squeeze %dma_wait3A_228 : memref<1x40x128xf32, #tpu.memory_space<vmem>> -> memref<40x128xf32, #tpu.memory_space<vmem>>
        %dma_wait3A_230 = arith.constant 0 : i32
        %dma_wait3A_231 = tpu.memref_slice %arg8[%add3A_96, %dma_wait3A_230] : memref<250x40xi32, #tpu.memory_space<vmem>> -> memref<1x40xi32, #tpu.memory_space<vmem>>
        %dma_wait3A_232 = tpu.memref_squeeze %dma_wait3A_231 : memref<1x40xi32, #tpu.memory_space<vmem>> -> memref<40xi32, #tpu.memory_space<vmem>>
        %dma_wait3A_233 = arith.constant 0 : i32
        %dma_wait3A_234 = arith.constant 0 : i32
        %dma_wait3A_235 = tpu.memref_slice %arg10[%dma_wait3A_233, %dma_wait3A_234] : memref<10112x128xf32, #tpu.memory_space<vmem_shared>> -> memref<10112x128xf32, #tpu.memory_space<vmem_shared>>
        tpu.wait_indirect_dma semaphore(%run_scoped3A_215 : memref<!tpu.dma_semaphore, #tpu.memory_space<semaphore_mem>>) src(%dma_wait3A_229 : memref<40x128xf32, #tpu.memory_space<vmem>>) dst(%dma_wait3A_235 : memref<10112x128xf32, #tpu.memory_space<vmem_shared>>)
        tpu.yield
      }) : () -> ()
      %add3A_111 = arith.constant 5 : i32
      %add3A_112 = arith.addi %add3A_96, %add3A_111 : i32
      %lt3A = arith.constant 250 : i32
      %lt3A_113 = arith.cmpi slt, %add3A_112, %lt3A : i32
      %convert_element_type3A = arith.extui %lt3A_113 : i1 to i32
      %cond3A = arith.constant 0 : i32
      %cond3A_114 = arith.cmpi ne, %convert_element_type3A, %cond3A : i32
      scf.if %cond3A_114 {
        %add3A_215 = arith.constant 5 : i32
        %add3A_216 = arith.addi %add3A_96, %add3A_215 : i32
        %dma_start3A_217 = arith.constant 0 : i32
        %dma_start3A_218 = arith.constant 0 : i32
        %dma_start3A_219 = arith.constant 0 : i32
        %dma_start3A_220 = tpu.memref_slice %arg9[%dma_start3A_217, %dma_start3A_218, %dma_start3A_219] : memref<5x40x128xf32, #tpu.memory_space<vmem>> -> memref<1x40x128xf32, #tpu.memory_space<vmem>>
        %dma_start3A_221 = tpu.memref_squeeze %dma_start3A_220 : memref<1x40x128xf32, #tpu.memory_space<vmem>> -> memref<40x128xf32, #tpu.memory_space<vmem>>
        %dma_start3A_222 = arith.constant 0 : i32
        %dma_start3A_223 = tpu.memref_slice %arg7[%add3A_216, %dma_start3A_222] : memref<250x40xi32, #tpu.memory_space<vmem>> -> memref<1x40xi32, #tpu.memory_space<vmem>>
        %dma_start3A_224 = tpu.memref_squeeze %dma_start3A_223 : memref<1x40xi32, #tpu.memory_space<vmem>> -> memref<40xi32, #tpu.memory_space<vmem>>
        %dma_start3A_225 = arith.constant 0 : i32
        %dma_start3A_226 = arith.constant 0 : i32
        %dma_start3A_227 = tpu.memref_slice %arg2[%arg0, %dma_start3A_225, %dma_start3A_226] : memref<2x10000x128xf32, #tpu.memory_space<hbm>> -> memref<1x10000x128xf32, #tpu.memory_space<hbm>>
        %dma_start3A_228 = tpu.memref_squeeze %dma_start3A_227 : memref<1x10000x128xf32, #tpu.memory_space<hbm>> -> memref<10000x128xf32, #tpu.memory_space<hbm>>
        %dma_start3A_229 = arith.constant 0 : i32
        %dma_start3A_230 = arith.constant 0 : i32
        %dma_start3A_231 = tpu.memref_slice %dma_start3A_228[%dma_start3A_229, %dma_start3A_230] : memref<10000x128xf32, #tpu.memory_space<hbm>> -> memref<10000x128xf32, #tpu.memory_space<hbm>>
        tpu.enqueue_indirect_dma source(%dma_start3A_231 : memref<10000x128xf32, #tpu.memory_space<hbm>>) target(%dma_start3A_221 : memref<40x128xf32, #tpu.memory_space<vmem>>) offsets(%dma_start3A_224 : memref<40xi32, #tpu.memory_space<vmem>>) semaphore(%arg11 : memref<!tpu.dma_semaphore, #tpu.memory_space<semaphore_mem>>)
      } else {
      }
      %add3A_115 = arith.constant 1 : i32
      %add3A_116 = arith.addi %add3A_94, %add3A_115 : i32
      %dma_wait3A_117 = arith.constant 1 : i32
      %dma_wait3A_118 = arith.constant 0 : i32
      %dma_wait3A_119 = arith.constant 0 : i32
      %dma_wait3A_120 = tpu.memref_slice %arg9[%dma_wait3A_117, %dma_wait3A_118, %dma_wait3A_119] : memref<5x40x128xf32, #tpu.memory_space<vmem>> -> memref<1x40x128xf32, #tpu.memory_space<vmem>>
      %dma_wait3A_121 = tpu.memref_squeeze %dma_wait3A_120 : memref<1x40x128xf32, #tpu.memory_space<vmem>> -> memref<40x128xf32, #tpu.memory_space<vmem>>
      %dma_wait3A_122 = arith.constant 0 : i32
      %dma_wait3A_123 = tpu.memref_slice %arg7[%add3A_116, %dma_wait3A_122] : memref<250x40xi32, #tpu.memory_space<vmem>> -> memref<1x40xi32, #tpu.memory_space<vmem>>
      %dma_wait3A_124 = tpu.memref_squeeze %dma_wait3A_123 : memref<1x40xi32, #tpu.memory_space<vmem>> -> memref<40xi32, #tpu.memory_space<vmem>>
      %dma_wait3A_125 = arith.constant 0 : i32
      %dma_wait3A_126 = arith.constant 0 : i32
      %dma_wait3A_127 = tpu.memref_slice %arg2[%arg0, %dma_wait3A_125, %dma_wait3A_126] : memref<2x10000x128xf32, #tpu.memory_space<hbm>> -> memref<1x10000x128xf32, #tpu.memory_space<hbm>>
      %dma_wait3A_128 = tpu.memref_squeeze %dma_wait3A_127 : memref<1x10000x128xf32, #tpu.memory_space<hbm>> -> memref<10000x128xf32, #tpu.memory_space<hbm>>
      %dma_wait3A_129 = arith.constant 0 : i32
      %dma_wait3A_130 = arith.constant 0 : i32
      %dma_wait3A_131 = tpu.memref_slice %dma_wait3A_128[%dma_wait3A_129, %dma_wait3A_130] : memref<10000x128xf32, #tpu.memory_space<hbm>> -> memref<10000x128xf32, #tpu.memory_space<hbm>>
      tpu.wait_indirect_dma semaphore(%arg12 : memref<!tpu.dma_semaphore, #tpu.memory_space<semaphore_mem>>) src(%dma_wait3A_131 : memref<10000x128xf32, #tpu.memory_space<hbm>>) dst(%dma_wait3A_121 : memref<40x128xf32, #tpu.memory_space<vmem>>)
      %run_scoped3A_132 = arith.constant 1 : i32
      "tpu.region"() ({
        %run_scoped3A_215 = tpu.sem_alloc : memref<!tpu.dma_semaphore, #tpu.memory_space<semaphore_mem>>
        %dma_start3A_216 = arith.constant 0 : i32
        %dma_start3A_217 = arith.constant 0 : i32
        %dma_start3A_218 = tpu.memref_slice %arg9[%run_scoped3A_132, %dma_start3A_216, %dma_start3A_217] : memref<5x40x128xf32, #tpu.memory_space<vmem>> -> memref<1x40x128xf32, #tpu.memory_space<vmem>>
        %dma_start3A_219 = tpu.memref_squeeze %dma_start3A_218 : memref<1x40x128xf32, #tpu.memory_space<vmem>> -> memref<40x128xf32, #tpu.memory_space<vmem>>
        %dma_start3A_220 = arith.constant 0 : i32
        %dma_start3A_221 = tpu.memref_slice %arg8[%add3A_116, %dma_start3A_220] : memref<250x40xi32, #tpu.memory_space<vmem>> -> memref<1x40xi32, #tpu.memory_space<vmem>>
        %dma_start3A_222 = tpu.memref_squeeze %dma_start3A_221 : memref<1x40xi32, #tpu.memory_space<vmem>> -> memref<40xi32, #tpu.memory_space<vmem>>
        %dma_start3A_223 = arith.constant 0 : i32
        %dma_start3A_224 = arith.constant 0 : i32
        %dma_start3A_225 = tpu.memref_slice %arg10[%dma_start3A_223, %dma_start3A_224] : memref<10112x128xf32, #tpu.memory_space<vmem_shared>> -> memref<10112x128xf32, #tpu.memory_space<vmem_shared>>
        tpu.enqueue_indirect_dma source(%dma_start3A_219 : memref<40x128xf32, #tpu.memory_space<vmem>>) target(%dma_start3A_225 : memref<10112x128xf32, #tpu.memory_space<vmem_shared>>) offsets(%dma_start3A_222 : memref<40xi32, #tpu.memory_space<vmem>>) semaphore(%run_scoped3A_215 : memref<!tpu.dma_semaphore, #tpu.memory_space<semaphore_mem>>) {add = true}
        %dma_wait3A_226 = arith.constant 0 : i32
        %dma_wait3A_227 = arith.constant 0 : i32
        %dma_wait3A_228 = tpu.memref_slice %arg9[%run_scoped3A_132, %dma_wait3A_226, %dma_wait3A_227] : memref<5x40x128xf32, #tpu.memory_space<vmem>> -> memref<1x40x128xf32, #tpu.memory_space<vmem>>
        %dma_wait3A_229 = tpu.memref_squeeze %dma_wait3A_228 : memref<1x40x128xf32, #tpu.memory_space<vmem>> -> memref<40x128xf32, #tpu.memory_space<vmem>>
        %dma_wait3A_230 = arith.constant 0 : i32
        %dma_wait3A_231 = tpu.memref_slice %arg8[%add3A_116, %dma_wait3A_230] : memref<250x40xi32, #tpu.memory_space<vmem>> -> memref<1x40xi32, #tpu.memory_space<vmem>>
        %dma_wait3A_232 = tpu.memref_squeeze %dma_wait3A_231 : memref<1x40xi32, #tpu.memory_space<vmem>> -> memref<40xi32, #tpu.memory_space<vmem>>
        %dma_wait3A_233 = arith.constant 0 : i32
        %dma_wait3A_234 = arith.constant 0 : i32
        %dma_wait3A_235 = tpu.memref_slice %arg10[%dma_wait3A_233, %dma_wait3A_234] : memref<10112x128xf32, #tpu.memory_space<vmem_shared>> -> memref<10112x128xf32, #tpu.memory_space<vmem_shared>>
        tpu.wait_indirect_dma semaphore(%run_scoped3A_215 : memref<!tpu.dma_semaphore, #tpu.memory_space<semaphore_mem>>) src(%dma_wait3A_229 : memref<40x128xf32, #tpu.memory_space<vmem>>) dst(%dma_wait3A_235 : memref<10112x128xf32, #tpu.memory_space<vmem_shared>>)
        tpu.yield
      }) : () -> ()
      %add3A_133 = arith.constant 5 : i32
      %add3A_134 = arith.addi %add3A_116, %add3A_133 : i32
      %lt3A_135 = arith.constant 250 : i32
      %lt3A_136 = arith.cmpi slt, %add3A_134, %lt3A_135 : i32
      %convert_element_type3A_137 = arith.extui %lt3A_136 : i1 to i32
      %cond3A_138 = arith.constant 0 : i32
      %cond3A_139 = arith.cmpi ne, %convert_element_type3A_137, %cond3A_138 : i32
      scf.if %cond3A_139 {
        %add3A_215 = arith.constant 5 : i32
        %add3A_216 = arith.addi %add3A_116, %add3A_215 : i32
        %dma_start3A_217 = arith.constant 1 : i32
        %dma_start3A_218 = arith.constant 0 : i32
        %dma_start3A_219 = arith.constant 0 : i32
        %dma_start3A_220 = tpu.memref_slice %arg9[%dma_start3A_217, %dma_start3A_218, %dma_start3A_219] : memref<5x40x128xf32, #tpu.memory_space<vmem>> -> memref<1x40x128xf32, #tpu.memory_space<vmem>>
        %dma_start3A_221 = tpu.memref_squeeze %dma_start3A_220 : memref<1x40x128xf32, #tpu.memory_space<vmem>> -> memref<40x128xf32, #tpu.memory_space<vmem>>
        %dma_start3A_222 = arith.constant 0 : i32
        %dma_start3A_223 = tpu.memref_slice %arg7[%add3A_216, %dma_start3A_222] : memref<250x40xi32, #tpu.memory_space<vmem>> -> memref<1x40xi32, #tpu.memory_space<vmem>>
        %dma_start3A_224 = tpu.memref_squeeze %dma_start3A_223 : memref<1x40xi32, #tpu.memory_space<vmem>> -> memref<40xi32, #tpu.memory_space<vmem>>
        %dma_start3A_225 = arith.constant 0 : i32
        %dma_start3A_226 = arith.constant 0 : i32
        %dma_start3A_227 = tpu.memref_slice %arg2[%arg0, %dma_start3A_225, %dma_start3A_226] : memref<2x10000x128xf32, #tpu.memory_space<hbm>> -> memref<1x10000x128xf32, #tpu.memory_space<hbm>>
        %dma_start3A_228 = tpu.memref_squeeze %dma_start3A_227 : memref<1x10000x128xf32, #tpu.memory_space<hbm>> -> memref<10000x128xf32, #tpu.memory_space<hbm>>
        %dma_start3A_229 = arith.constant 0 : i32
        %dma_start3A_230 = arith.constant 0 : i32
        %dma_start3A_231 = tpu.memref_slice %dma_start3A_228[%dma_start3A_229, %dma_start3A_230] : memref<10000x128xf32, #tpu.memory_space<hbm>> -> memref<10000x128xf32, #tpu.memory_space<hbm>>
        tpu.enqueue_indirect_dma source(%dma_start3A_231 : memref<10000x128xf32, #tpu.memory_space<hbm>>) target(%dma_start3A_221 : memref<40x128xf32, #tpu.memory_space<vmem>>) offsets(%dma_start3A_224 : memref<40xi32, #tpu.memory_space<vmem>>) semaphore(%arg12 : memref<!tpu.dma_semaphore, #tpu.memory_space<semaphore_mem>>)
      } else {
      }
      %add3A_140 = arith.constant 2 : i32
      %add3A_141 = arith.addi %add3A_94, %add3A_140 : i32
      %dma_wait3A_142 = arith.constant 2 : i32
      %dma_wait3A_143 = arith.constant 0 : i32
      %dma_wait3A_144 = arith.constant 0 : i32
      %dma_wait3A_145 = tpu.memref_slice %arg9[%dma_wait3A_142, %dma_wait3A_143, %dma_wait3A_144] : memref<5x40x128xf32, #tpu.memory_space<vmem>> -> memref<1x40x128xf32, #tpu.memory_space<vmem>>
      %dma_wait3A_146 = tpu.memref_squeeze %dma_wait3A_145 : memref<1x40x128xf32, #tpu.memory_space<vmem>> -> memref<40x128xf32, #tpu.memory_space<vmem>>
      %dma_wait3A_147 = arith.constant 0 : i32
      %dma_wait3A_148 = tpu.memref_slice %arg7[%add3A_141, %dma_wait3A_147] : memref<250x40xi32, #tpu.memory_space<vmem>> -> memref<1x40xi32, #tpu.memory_space<vmem>>
      %dma_wait3A_149 = tpu.memref_squeeze %dma_wait3A_148 : memref<1x40xi32, #tpu.memory_space<vmem>> -> memref<40xi32, #tpu.memory_space<vmem>>
      %dma_wait3A_150 = arith.constant 0 : i32
      %dma_wait3A_151 = arith.constant 0 : i32
      %dma_wait3A_152 = tpu.memref_slice %arg2[%arg0, %dma_wait3A_150, %dma_wait3A_151] : memref<2x10000x128xf32, #tpu.memory_space<hbm>> -> memref<1x10000x128xf32, #tpu.memory_space<hbm>>
      %dma_wait3A_153 = tpu.memref_squeeze %dma_wait3A_152 : memref<1x10000x128xf32, #tpu.memory_space<hbm>> -> memref<10000x128xf32, #tpu.memory_space<hbm>>
      %dma_wait3A_154 = arith.constant 0 : i32
      %dma_wait3A_155 = arith.constant 0 : i32
      %dma_wait3A_156 = tpu.memref_slice %dma_wait3A_153[%dma_wait3A_154, %dma_wait3A_155] : memref<10000x128xf32, #tpu.memory_space<hbm>> -> memref<10000x128xf32, #tpu.memory_space<hbm>>
      tpu.wait_indirect_dma semaphore(%arg13 : memref<!tpu.dma_semaphore, #tpu.memory_space<semaphore_mem>>) src(%dma_wait3A_156 : memref<10000x128xf32, #tpu.memory_space<hbm>>) dst(%dma_wait3A_146 : memref<40x128xf32, #tpu.memory_space<vmem>>)
      %run_scoped3A_157 = arith.constant 2 : i32
      "tpu.region"() ({
        %run_scoped3A_215 = tpu.sem_alloc : memref<!tpu.dma_semaphore, #tpu.memory_space<semaphore_mem>>
        %dma_start3A_216 = arith.constant 0 : i32
        %dma_start3A_217 = arith.constant 0 : i32
        %dma_start3A_218 = tpu.memref_slice %arg9[%run_scoped3A_157, %dma_start3A_216, %dma_start3A_217] : memref<5x40x128xf32, #tpu.memory_space<vmem>> -> memref<1x40x128xf32, #tpu.memory_space<vmem>>
        %dma_start3A_219 = tpu.memref_squeeze %dma_start3A_218 : memref<1x40x128xf32, #tpu.memory_space<vmem>> -> memref<40x128xf32, #tpu.memory_space<vmem>>
        %dma_start3A_220 = arith.constant 0 : i32
        %dma_start3A_221 = tpu.memref_slice %arg8[%add3A_141, %dma_start3A_220] : memref<250x40xi32, #tpu.memory_space<vmem>> -> memref<1x40xi32, #tpu.memory_space<vmem>>
        %dma_start3A_222 = tpu.memref_squeeze %dma_start3A_221 : memref<1x40xi32, #tpu.memory_space<vmem>> -> memref<40xi32, #tpu.memory_space<vmem>>
        %dma_start3A_223 = arith.constant 0 : i32
        %dma_start3A_224 = arith.constant 0 : i32
        %dma_start3A_225 = tpu.memref_slice %arg10[%dma_start3A_223, %dma_start3A_224] : memref<10112x128xf32, #tpu.memory_space<vmem_shared>> -> memref<10112x128xf32, #tpu.memory_space<vmem_shared>>
        tpu.enqueue_indirect_dma source(%dma_start3A_219 : memref<40x128xf32, #tpu.memory_space<vmem>>) target(%dma_start3A_225 : memref<10112x128xf32, #tpu.memory_space<vmem_shared>>) offsets(%dma_start3A_222 : memref<40xi32, #tpu.memory_space<vmem>>) semaphore(%run_scoped3A_215 : memref<!tpu.dma_semaphore, #tpu.memory_space<semaphore_mem>>) {add = true}
        %dma_wait3A_226 = arith.constant 0 : i32
        %dma_wait3A_227 = arith.constant 0 : i32
        %dma_wait3A_228 = tpu.memref_slice %arg9[%run_scoped3A_157, %dma_wait3A_226, %dma_wait3A_227] : memref<5x40x128xf32, #tpu.memory_space<vmem>> -> memref<1x40x128xf32, #tpu.memory_space<vmem>>
        %dma_wait3A_229 = tpu.memref_squeeze %dma_wait3A_228 : memref<1x40x128xf32, #tpu.memory_space<vmem>> -> memref<40x128xf32, #tpu.memory_space<vmem>>
        %dma_wait3A_230 = arith.constant 0 : i32
        %dma_wait3A_231 = tpu.memref_slice %arg8[%add3A_141, %dma_wait3A_230] : memref<250x40xi32, #tpu.memory_space<vmem>> -> memref<1x40xi32, #tpu.memory_space<vmem>>
        %dma_wait3A_232 = tpu.memref_squeeze %dma_wait3A_231 : memref<1x40xi32, #tpu.memory_space<vmem>> -> memref<40xi32, #tpu.memory_space<vmem>>
        %dma_wait3A_233 = arith.constant 0 : i32
        %dma_wait3A_234 = arith.constant 0 : i32
        %dma_wait3A_235 = tpu.memref_slice %arg10[%dma_wait3A_233, %dma_wait3A_234] : memref<10112x128xf32, #tpu.memory_space<vmem_shared>> -> memref<10112x128xf32, #tpu.memory_space<vmem_shared>>
        tpu.wait_indirect_dma semaphore(%run_scoped3A_215 : memref<!tpu.dma_semaphore, #tpu.memory_space<semaphore_mem>>) src(%dma_wait3A_229 : memref<40x128xf32, #tpu.memory_space<vmem>>) dst(%dma_wait3A_235 : memref<10112x128xf32, #tpu.memory_space<vmem_shared>>)
        tpu.yield
      }) : () -> ()
      %add3A_158 = arith.constant 5 : i32
      %add3A_159 = arith.addi %add3A_141, %add3A_158 : i32
      %lt3A_160 = arith.constant 250 : i32
      %lt3A_161 = arith.cmpi slt, %add3A_159, %lt3A_160 : i32
      %convert_element_type3A_162 = arith.extui %lt3A_161 : i1 to i32
      %cond3A_163 = arith.constant 0 : i32
      %cond3A_164 = arith.cmpi ne, %convert_element_type3A_162, %cond3A_163 : i32
      scf.if %cond3A_164 {
        %add3A_215 = arith.constant 5 : i32
        %add3A_216 = arith.addi %add3A_141, %add3A_215 : i32
        %dma_start3A_217 = arith.constant 2 : i32
        %dma_start3A_218 = arith.constant 0 : i32
        %dma_start3A_219 = arith.constant 0 : i32
        %dma_start3A_220 = tpu.memref_slice %arg9[%dma_start3A_217, %dma_start3A_218, %dma_start3A_219] : memref<5x40x128xf32, #tpu.memory_space<vmem>> -> memref<1x40x128xf32, #tpu.memory_space<vmem>>
        %dma_start3A_221 = tpu.memref_squeeze %dma_start3A_220 : memref<1x40x128xf32, #tpu.memory_space<vmem>> -> memref<40x128xf32, #tpu.memory_space<vmem>>
        %dma_start3A_222 = arith.constant 0 : i32
        %dma_start3A_223 = tpu.memref_slice %arg7[%add3A_216, %dma_start3A_222] : memref<250x40xi32, #tpu.memory_space<vmem>> -> memref<1x40xi32, #tpu.memory_space<vmem>>
        %dma_start3A_224 = tpu.memref_squeeze %dma_start3A_223 : memref<1x40xi32, #tpu.memory_space<vmem>> -> memref<40xi32, #tpu.memory_space<vmem>>
        %dma_start3A_225 = arith.constant 0 : i32
        %dma_start3A_226 = arith.constant 0 : i32
        %dma_start3A_227 = tpu.memref_slice %arg2[%arg0, %dma_start3A_225, %dma_start3A_226] : memref<2x10000x128xf32, #tpu.memory_space<hbm>> -> memref<1x10000x128xf32, #tpu.memory_space<hbm>>
        %dma_start3A_228 = tpu.memref_squeeze %dma_start3A_227 : memref<1x10000x128xf32, #tpu.memory_space<hbm>> -> memref<10000x128xf32, #tpu.memory_space<hbm>>
        %dma_start3A_229 = arith.constant 0 : i32
        %dma_start3A_230 = arith.constant 0 : i32
        %dma_start3A_231 = tpu.memref_slice %dma_start3A_228[%dma_start3A_229, %dma_start3A_230] : memref<10000x128xf32, #tpu.memory_space<hbm>> -> memref<10000x128xf32, #tpu.memory_space<hbm>>
        tpu.enqueue_indirect_dma source(%dma_start3A_231 : memref<10000x128xf32, #tpu.memory_space<hbm>>) target(%dma_start3A_221 : memref<40x128xf32, #tpu.memory_space<vmem>>) offsets(%dma_start3A_224 : memref<40xi32, #tpu.memory_space<vmem>>) semaphore(%arg13 : memref<!tpu.dma_semaphore, #tpu.memory_space<semaphore_mem>>)
      } else {
      }
      %add3A_165 = arith.constant 3 : i32
      %add3A_166 = arith.addi %add3A_94, %add3A_165 : i32
      %dma_wait3A_167 = arith.constant 3 : i32
      %dma_wait3A_168 = arith.constant 0 : i32
      %dma_wait3A_169 = arith.constant 0 : i32
      %dma_wait3A_170 = tpu.memref_slice %arg9[%dma_wait3A_167, %dma_wait3A_168, %dma_wait3A_169] : memref<5x40x128xf32, #tpu.memory_space<vmem>> -> memref<1x40x128xf32, #tpu.memory_space<vmem>>
      %dma_wait3A_171 = tpu.memref_squeeze %dma_wait3A_170 : memref<1x40x128xf32, #tpu.memory_space<vmem>> -> memref<40x128xf32, #tpu.memory_space<vmem>>
      %dma_wait3A_172 = arith.constant 0 : i32
      %dma_wait3A_173 = tpu.memref_slice %arg7[%add3A_166, %dma_wait3A_172] : memref<250x40xi32, #tpu.memory_space<vmem>> -> memref<1x40xi32, #tpu.memory_space<vmem>>
      %dma_wait3A_174 = tpu.memref_squeeze %dma_wait3A_173 : memref<1x40xi32, #tpu.memory_space<vmem>> -> memref<40xi32, #tpu.memory_space<vmem>>
      %dma_wait3A_175 = arith.constant 0 : i32
      %dma_wait3A_176 = arith.constant 0 : i32
      %dma_wait3A_177 = tpu.memref_slice %arg2[%arg0, %dma_wait3A_175, %dma_wait3A_176] : memref<2x10000x128xf32, #tpu.memory_space<hbm>> -> memref<1x10000x128xf32, #tpu.memory_space<hbm>>
      %dma_wait3A_178 = tpu.memref_squeeze %dma_wait3A_177 : memref<1x10000x128xf32, #tpu.memory_space<hbm>> -> memref<10000x128xf32, #tpu.memory_space<hbm>>
      %dma_wait3A_179 = arith.constant 0 : i32
      %dma_wait3A_180 = arith.constant 0 : i32
      %dma_wait3A_181 = tpu.memref_slice %dma_wait3A_178[%dma_wait3A_179, %dma_wait3A_180] : memref<10000x128xf32, #tpu.memory_space<hbm>> -> memref<10000x128xf32, #tpu.memory_space<hbm>>
      tpu.wait_indirect_dma semaphore(%arg14 : memref<!tpu.dma_semaphore, #tpu.memory_space<semaphore_mem>>) src(%dma_wait3A_181 : memref<10000x128xf32, #tpu.memory_space<hbm>>) dst(%dma_wait3A_171 : memref<40x128xf32, #tpu.memory_space<vmem>>)
      %run_scoped3A_182 = arith.constant 3 : i32
      "tpu.region"() ({
        %run_scoped3A_215 = tpu.sem_alloc : memref<!tpu.dma_semaphore, #tpu.memory_space<semaphore_mem>>
        %dma_start3A_216 = arith.constant 0 : i32
        %dma_start3A_217 = arith.constant 0 : i32
        %dma_start3A_218 = tpu.memref_slice %arg9[%run_scoped3A_182, %dma_start3A_216, %dma_start3A_217] : memref<5x40x128xf32, #tpu.memory_space<vmem>> -> memref<1x40x128xf32, #tpu.memory_space<vmem>>
        %dma_start3A_219 = tpu.memref_squeeze %dma_start3A_218 : memref<1x40x128xf32, #tpu.memory_space<vmem>> -> memref<40x128xf32, #tpu.memory_space<vmem>>
        %dma_start3A_220 = arith.constant 0 : i32
        %dma_start3A_221 = tpu.memref_slice %arg8[%add3A_166, %dma_start3A_220] : memref<250x40xi32, #tpu.memory_space<vmem>> -> memref<1x40xi32, #tpu.memory_space<vmem>>
        %dma_start3A_222 = tpu.memref_squeeze %dma_start3A_221 : memref<1x40xi32, #tpu.memory_space<vmem>> -> memref<40xi32, #tpu.memory_space<vmem>>
        %dma_start3A_223 = arith.constant 0 : i32
        %dma_start3A_224 = arith.constant 0 : i32
        %dma_start3A_225 = tpu.memref_slice %arg10[%dma_start3A_223, %dma_start3A_224] : memref<10112x128xf32, #tpu.memory_space<vmem_shared>> -> memref<10112x128xf32, #tpu.memory_space<vmem_shared>>
        tpu.enqueue_indirect_dma source(%dma_start3A_219 : memref<40x128xf32, #tpu.memory_space<vmem>>) target(%dma_start3A_225 : memref<10112x128xf32, #tpu.memory_space<vmem_shared>>) offsets(%dma_start3A_222 : memref<40xi32, #tpu.memory_space<vmem>>) semaphore(%run_scoped3A_215 : memref<!tpu.dma_semaphore, #tpu.memory_space<semaphore_mem>>) {add = true}
        %dma_wait3A_226 = arith.constant 0 : i32
        %dma_wait3A_227 = arith.constant 0 : i32
        %dma_wait3A_228 = tpu.memref_slice %arg9[%run_scoped3A_182, %dma_wait3A_226, %dma_wait3A_227] : memref<5x40x128xf32, #tpu.memory_space<vmem>> -> memref<1x40x128xf32, #tpu.memory_space<vmem>>
        %dma_wait3A_229 = tpu.memref_squeeze %dma_wait3A_228 : memref<1x40x128xf32, #tpu.memory_space<vmem>> -> memref<40x128xf32, #tpu.memory_space<vmem>>
        %dma_wait3A_230 = arith.constant 0 : i32
        %dma_wait3A_231 = tpu.memref_slice %arg8[%add3A_166, %dma_wait3A_230] : memref<250x40xi32, #tpu.memory_space<vmem>> -> memref<1x40xi32, #tpu.memory_space<vmem>>
        %dma_wait3A_232 = tpu.memref_squeeze %dma_wait3A_231 : memref<1x40xi32, #tpu.memory_space<vmem>> -> memref<40xi32, #tpu.memory_space<vmem>>
        %dma_wait3A_233 = arith.constant 0 : i32
        %dma_wait3A_234 = arith.constant 0 : i32
        %dma_wait3A_235 = tpu.memref_slice %arg10[%dma_wait3A_233, %dma_wait3A_234] : memref<10112x128xf32, #tpu.memory_space<vmem_shared>> -> memref<10112x128xf32, #tpu.memory_space<vmem_shared>>
        tpu.wait_indirect_dma semaphore(%run_scoped3A_215 : memref<!tpu.dma_semaphore, #tpu.memory_space<semaphore_mem>>) src(%dma_wait3A_229 : memref<40x128xf32, #tpu.memory_space<vmem>>) dst(%dma_wait3A_235 : memref<10112x128xf32, #tpu.memory_space<vmem_shared>>)
        tpu.yield
      }) : () -> ()
      %add3A_183 = arith.constant 5 : i32
      %add3A_184 = arith.addi %add3A_166, %add3A_183 : i32
      %lt3A_185 = arith.constant 250 : i32
      %lt3A_186 = arith.cmpi slt, %add3A_184, %lt3A_185 : i32
      %convert_element_type3A_187 = arith.extui %lt3A_186 : i1 to i32
      %cond3A_188 = arith.constant 0 : i32
      %cond3A_189 = arith.cmpi ne, %convert_element_type3A_187, %cond3A_188 : i32
      scf.if %cond3A_189 {
        %add3A_215 = arith.constant 5 : i32
        %add3A_216 = arith.addi %add3A_166, %add3A_215 : i32
        %dma_start3A_217 = arith.constant 3 : i32
        %dma_start3A_218 = arith.constant 0 : i32
        %dma_start3A_219 = arith.constant 0 : i32
        %dma_start3A_220 = tpu.memref_slice %arg9[%dma_start3A_217, %dma_start3A_218, %dma_start3A_219] : memref<5x40x128xf32, #tpu.memory_space<vmem>> -> memref<1x40x128xf32, #tpu.memory_space<vmem>>
        %dma_start3A_221 = tpu.memref_squeeze %dma_start3A_220 : memref<1x40x128xf32, #tpu.memory_space<vmem>> -> memref<40x128xf32, #tpu.memory_space<vmem>>
        %dma_start3A_222 = arith.constant 0 : i32
        %dma_start3A_223 = tpu.memref_slice %arg7[%add3A_216, %dma_start3A_222] : memref<250x40xi32, #tpu.memory_space<vmem>> -> memref<1x40xi32, #tpu.memory_space<vmem>>
        %dma_start3A_224 = tpu.memref_squeeze %dma_start3A_223 : memref<1x40xi32, #tpu.memory_space<vmem>> -> memref<40xi32, #tpu.memory_space<vmem>>
        %dma_start3A_225 = arith.constant 0 : i32
        %dma_start3A_226 = arith.constant 0 : i32
        %dma_start3A_227 = tpu.memref_slice %arg2[%arg0, %dma_start3A_225, %dma_start3A_226] : memref<2x10000x128xf32, #tpu.memory_space<hbm>> -> memref<1x10000x128xf32, #tpu.memory_space<hbm>>
        %dma_start3A_228 = tpu.memref_squeeze %dma_start3A_227 : memref<1x10000x128xf32, #tpu.memory_space<hbm>> -> memref<10000x128xf32, #tpu.memory_space<hbm>>
        %dma_start3A_229 = arith.constant 0 : i32
        %dma_start3A_230 = arith.constant 0 : i32
        %dma_start3A_231 = tpu.memref_slice %dma_start3A_228[%dma_start3A_229, %dma_start3A_230] : memref<10000x128xf32, #tpu.memory_space<hbm>> -> memref<10000x128xf32, #tpu.memory_space<hbm>>
        tpu.enqueue_indirect_dma source(%dma_start3A_231 : memref<10000x128xf32, #tpu.memory_space<hbm>>) target(%dma_start3A_221 : memref<40x128xf32, #tpu.memory_space<vmem>>) offsets(%dma_start3A_224 : memref<40xi32, #tpu.memory_space<vmem>>) semaphore(%arg14 : memref<!tpu.dma_semaphore, #tpu.memory_space<semaphore_mem>>)
      } else {
      }
      %add3A_190 = arith.constant 4 : i32
      %add3A_191 = arith.addi %add3A_94, %add3A_190 : i32
      %dma_wait3A_192 = arith.constant 4 : i32
      %dma_wait3A_193 = arith.constant 0 : i32
      %dma_wait3A_194 = arith.constant 0 : i32
      %dma_wait3A_195 = tpu.memref_slice %arg9[%dma_wait3A_192, %dma_wait3A_193, %dma_wait3A_194] : memref<5x40x128xf32, #tpu.memory_space<vmem>> -> memref<1x40x128xf32, #tpu.memory_space<vmem>>
      %dma_wait3A_196 = tpu.memref_squeeze %dma_wait3A_195 : memref<1x40x128xf32, #tpu.memory_space<vmem>> -> memref<40x128xf32, #tpu.memory_space<vmem>>
      %dma_wait3A_197 = arith.constant 0 : i32
      %dma_wait3A_198 = tpu.memref_slice %arg7[%add3A_191, %dma_wait3A_197] : memref<250x40xi32, #tpu.memory_space<vmem>> -> memref<1x40xi32, #tpu.memory_space<vmem>>
      %dma_wait3A_199 = tpu.memref_squeeze %dma_wait3A_198 : memref<1x40xi32, #tpu.memory_space<vmem>> -> memref<40xi32, #tpu.memory_space<vmem>>
      %dma_wait3A_200 = arith.constant 0 : i32
      %dma_wait3A_201 = arith.constant 0 : i32
      %dma_wait3A_202 = tpu.memref_slice %arg2[%arg0, %dma_wait3A_200, %dma_wait3A_201] : memref<2x10000x128xf32, #tpu.memory_space<hbm>> -> memref<1x10000x128xf32, #tpu.memory_space<hbm>>
      %dma_wait3A_203 = tpu.memref_squeeze %dma_wait3A_202 : memref<1x10000x128xf32, #tpu.memory_space<hbm>> -> memref<10000x128xf32, #tpu.memory_space<hbm>>
      %dma_wait3A_204 = arith.constant 0 : i32
      %dma_wait3A_205 = arith.constant 0 : i32
      %dma_wait3A_206 = tpu.memref_slice %dma_wait3A_203[%dma_wait3A_204, %dma_wait3A_205] : memref<10000x128xf32, #tpu.memory_space<hbm>> -> memref<10000x128xf32, #tpu.memory_space<hbm>>
      tpu.wait_indirect_dma semaphore(%arg15 : memref<!tpu.dma_semaphore, #tpu.memory_space<semaphore_mem>>) src(%dma_wait3A_206 : memref<10000x128xf32, #tpu.memory_space<hbm>>) dst(%dma_wait3A_196 : memref<40x128xf32, #tpu.memory_space<vmem>>)
      %run_scoped3A_207 = arith.constant 4 : i32
      "tpu.region"() ({
        %run_scoped3A_215 = tpu.sem_alloc : memref<!tpu.dma_semaphore, #tpu.memory_space<semaphore_mem>>
        %dma_start3A_216 = arith.constant 0 : i32
        %dma_start3A_217 = arith.constant 0 : i32
        %dma_start3A_218 = tpu.memref_slice %arg9[%run_scoped3A_207, %dma_start3A_216, %dma_start3A_217] : memref<5x40x128xf32, #tpu.memory_space<vmem>> -> memref<1x40x128xf32, #tpu.memory_space<vmem>>
        %dma_start3A_219 = tpu.memref_squeeze %dma_start3A_218 : memref<1x40x128xf32, #tpu.memory_space<vmem>> -> memref<40x128xf32, #tpu.memory_space<vmem>>
        %dma_start3A_220 = arith.constant 0 : i32
        %dma_start3A_221 = tpu.memref_slice %arg8[%add3A_191, %dma_start3A_220] : memref<250x40xi32, #tpu.memory_space<vmem>> -> memref<1x40xi32, #tpu.memory_space<vmem>>
        %dma_start3A_222 = tpu.memref_squeeze %dma_start3A_221 : memref<1x40xi32, #tpu.memory_space<vmem>> -> memref<40xi32, #tpu.memory_space<vmem>>
        %dma_start3A_223 = arith.constant 0 : i32
        %dma_start3A_224 = arith.constant 0 : i32
        %dma_start3A_225 = tpu.memref_slice %arg10[%dma_start3A_223, %dma_start3A_224] : memref<10112x128xf32, #tpu.memory_space<vmem_shared>> -> memref<10112x128xf32, #tpu.memory_space<vmem_shared>>
        tpu.enqueue_indirect_dma source(%dma_start3A_219 : memref<40x128xf32, #tpu.memory_space<vmem>>) target(%dma_start3A_225 : memref<10112x128xf32, #tpu.memory_space<vmem_shared>>) offsets(%dma_start3A_222 : memref<40xi32, #tpu.memory_space<vmem>>) semaphore(%run_scoped3A_215 : memref<!tpu.dma_semaphore, #tpu.memory_space<semaphore_mem>>) {add = true}
        %dma_wait3A_226 = arith.constant 0 : i32
        %dma_wait3A_227 = arith.constant 0 : i32
        %dma_wait3A_228 = tpu.memref_slice %arg9[%run_scoped3A_207, %dma_wait3A_226, %dma_wait3A_227] : memref<5x40x128xf32, #tpu.memory_space<vmem>> -> memref<1x40x128xf32, #tpu.memory_space<vmem>>
        %dma_wait3A_229 = tpu.memref_squeeze %dma_wait3A_228 : memref<1x40x128xf32, #tpu.memory_space<vmem>> -> memref<40x128xf32, #tpu.memory_space<vmem>>
        %dma_wait3A_230 = arith.constant 0 : i32
        %dma_wait3A_231 = tpu.memref_slice %arg8[%add3A_191, %dma_wait3A_230] : memref<250x40xi32, #tpu.memory_space<vmem>> -> memref<1x40xi32, #tpu.memory_space<vmem>>
        %dma_wait3A_232 = tpu.memref_squeeze %dma_wait3A_231 : memref<1x40xi32, #tpu.memory_space<vmem>> -> memref<40xi32, #tpu.memory_space<vmem>>
        %dma_wait3A_233 = arith.constant 0 : i32
        %dma_wait3A_234 = arith.constant 0 : i32
        %dma_wait3A_235 = tpu.memref_slice %arg10[%dma_wait3A_233, %dma_wait3A_234] : memref<10112x128xf32, #tpu.memory_space<vmem_shared>> -> memref<10112x128xf32, #tpu.memory_space<vmem_shared>>
        tpu.wait_indirect_dma semaphore(%run_scoped3A_215 : memref<!tpu.dma_semaphore, #tpu.memory_space<semaphore_mem>>) src(%dma_wait3A_229 : memref<40x128xf32, #tpu.memory_space<vmem>>) dst(%dma_wait3A_235 : memref<10112x128xf32, #tpu.memory_space<vmem_shared>>)
        tpu.yield
      }) : () -> ()
      %add3A_208 = arith.constant 5 : i32
      %add3A_209 = arith.addi %add3A_191, %add3A_208 : i32
      %lt3A_210 = arith.constant 250 : i32
      %lt3A_211 = arith.cmpi slt, %add3A_209, %lt3A_210 : i32
      %convert_element_type3A_212 = arith.extui %lt3A_211 : i1 to i32
      %cond3A_213 = arith.constant 0 : i32
      %cond3A_214 = arith.cmpi ne, %convert_element_type3A_212, %cond3A_213 : i32
      scf.if %cond3A_214 {
        %add3A_215 = arith.constant 5 : i32
        %add3A_216 = arith.addi %add3A_191, %add3A_215 : i32
        %dma_start3A_217 = arith.constant 4 : i32
        %dma_start3A_218 = arith.constant 0 : i32
        %dma_start3A_219 = arith.constant 0 : i32
        %dma_start3A_220 = tpu.memref_slice %arg9[%dma_start3A_217, %dma_start3A_218, %dma_start3A_219] : memref<5x40x128xf32, #tpu.memory_space<vmem>> -> memref<1x40x128xf32, #tpu.memory_space<vmem>>
        %dma_start3A_221 = tpu.memref_squeeze %dma_start3A_220 : memref<1x40x128xf32, #tpu.memory_space<vmem>> -> memref<40x128xf32, #tpu.memory_space<vmem>>
        %dma_start3A_222 = arith.constant 0 : i32
        %dma_start3A_223 = tpu.memref_slice %arg7[%add3A_216, %dma_start3A_222] : memref<250x40xi32, #tpu.memory_space<vmem>> -> memref<1x40xi32, #tpu.memory_space<vmem>>
        %dma_start3A_224 = tpu.memref_squeeze %dma_start3A_223 : memref<1x40xi32, #tpu.memory_space<vmem>> -> memref<40xi32, #tpu.memory_space<vmem>>
        %dma_start3A_225 = arith.constant 0 : i32
        %dma_start3A_226 = arith.constant 0 : i32
        %dma_start3A_227 = tpu.memref_slice %arg2[%arg0, %dma_start3A_225, %dma_start3A_226] : memref<2x10000x128xf32, #tpu.memory_space<hbm>> -> memref<1x10000x128xf32, #tpu.memory_space<hbm>>
        %dma_start3A_228 = tpu.memref_squeeze %dma_start3A_227 : memref<1x10000x128xf32, #tpu.memory_space<hbm>> -> memref<10000x128xf32, #tpu.memory_space<hbm>>
        %dma_start3A_229 = arith.constant 0 : i32
        %dma_start3A_230 = arith.constant 0 : i32
        %dma_start3A_231 = tpu.memref_slice %dma_start3A_228[%dma_start3A_229, %dma_start3A_230] : memref<10000x128xf32, #tpu.memory_space<hbm>> -> memref<10000x128xf32, #tpu.memory_space<hbm>>
        tpu.enqueue_indirect_dma source(%dma_start3A_231 : memref<10000x128xf32, #tpu.memory_space<hbm>>) target(%dma_start3A_221 : memref<40x128xf32, #tpu.memory_space<vmem>>) offsets(%dma_start3A_224 : memref<40xi32, #tpu.memory_space<vmem>>) semaphore(%arg15 : memref<!tpu.dma_semaphore, #tpu.memory_space<semaphore_mem>>)
      } else {
      }
    }
    %scan3A_85 = arith.constant 50 : i32
    %barrier3A_86 = arith.constant 0 : index
    tpu.barrier barrier_id(%barrier3A_86)
    %mul3A_87 = arith.constant 632 : i32
    %mul3A_88 = arith.muli %arg1, %mul3A_87 : i32
    %mul3A_89 = arith.constant 632 : i32
    %mul3A_90 = arith.muli %arg1, %mul3A_89 : i32
    "tpu.region"() ({
      %run_scoped3A = tpu.sem_alloc : memref<!tpu.dma_semaphore, #tpu.memory_space<semaphore_mem>>
      %dma_start3A_91 = arith.constant 0 : i32
      %dma_start3A_92 = tpu.memref_slice %arg6[%arg0, %mul3A_90, %dma_start3A_91] : memref<2x10112x128xf32, #tpu.memory_space<hbm>> -> memref<1x632x128xf32, #tpu.memory_space<hbm>>
      %dma_start3A_93 = tpu.memref_squeeze %dma_start3A_92 : memref<1x632x128xf32, #tpu.memory_space<hbm>> -> memref<632x128xf32, #tpu.memory_space<hbm>>
      %dma_start3A_94 = arith.constant 0 : i32
      %dma_start3A_95 = tpu.memref_slice %arg10[%mul3A_88, %dma_start3A_94] : memref<10112x128xf32, #tpu.memory_space<vmem_shared>> -> memref<632x128xf32, #tpu.memory_space<vmem_shared>>
      tpu.enqueue_dma source(%dma_start3A_95 : memref<632x128xf32, #tpu.memory_space<vmem_shared>>) target(%dma_start3A_93 : memref<632x128xf32, #tpu.memory_space<hbm>>) target_semaphore(%run_scoped3A : memref<!tpu.dma_semaphore, #tpu.memory_space<semaphore_mem>>)
      %dma_wait3A = arith.constant 0 : i32
      %dma_wait3A_96 = tpu.memref_slice %arg6[%arg0, %mul3A_90, %dma_wait3A] : memref<2x10112x128xf32, #tpu.memory_space<hbm>> -> memref<1x632x128xf32, #tpu.memory_space<hbm>>
      %dma_wait3A_97 = tpu.memref_squeeze %dma_wait3A_96 : memref<1x632x128xf32, #tpu.memory_space<hbm>> -> memref<632x128xf32, #tpu.memory_space<hbm>>
      %dma_wait3A_98 = arith.constant 0 : i32
      %dma_wait3A_99 = tpu.memref_slice %arg10[%mul3A_88, %dma_wait3A_98] : memref<10112x128xf32, #tpu.memory_space<vmem_shared>> -> memref<632x128xf32, #tpu.memory_space<vmem_shared>>
      tpu.wait_dma2 semaphore(%run_scoped3A : memref<!tpu.dma_semaphore, #tpu.memory_space<semaphore_mem>>) src(%dma_wait3A_99 : memref<632x128xf32, #tpu.memory_space<vmem_shared>>) dst(%dma_wait3A_97 : memref<632x128xf32, #tpu.memory_space<hbm>>)
      tpu.yield
    }) : () -> ()
    return
  }
}

module attributes {stable_mosaic.version = 14 : i64} {
  func.func @_mm1_body(%arg0: i32, %arg1: memref<10000x256xf32, #tpu.memory_space<vmem>>, %arg2: memref<256x256xf32, #tpu.memory_space<vmem>>, %arg3: memref<2x10000x16xf32, #tpu.memory_space<vmem>>, %arg4: memref<2x10000x128xf32, #tpu.memory_space<vmem>>) attributes {dimension_semantics = [#tpu.dimension_semantics<arbitrary>], iteration_bounds = array<i64: 1>, scalar_prefetch = 0 : i64, scratch_operands = 0 : i64, tpu.core_type = #tpu.core_type<tc>, window_params = [{transform_indices = @transform_0, window_bounds = array<i64: 10000, 256>}, {pipeline_mode = #tpu.pipeline_mode<synchronous>, transform_indices = @transform_1, window_bounds = array<i64: 256, 256>}, {transform_indices = @transform_2, window_bounds = array<i64: 2, 10000, 16>}, {transform_indices = @transform_3, window_bounds = array<i64: 2, 10000, 128>}]} {
    %get3A = arith.constant 0 : index
    %get3A_0 = arith.constant 0 : index
    %get3A_1 = arith.constant 0 : index
    %get3A_2 = vector.load %arg3[%get3A, %get3A_0, %get3A_1] : memref<2x10000x16xf32, #tpu.memory_space<vmem>>, vector<1x10000x1xf32>
    %get3A_3 = vector.shape_cast %get3A_2 : vector<1x10000x1xf32> to vector<10000xf32>
    %get3A_4 = arith.constant 1 : index
    %get3A_5 = arith.constant 0 : index
    %get3A_6 = arith.constant 0 : index
    %get3A_7 = vector.load %arg3[%get3A_4, %get3A_5, %get3A_6] : memref<2x10000x16xf32, #tpu.memory_space<vmem>>, vector<1x10000x1xf32>
    %get3A_8 = vector.shape_cast %get3A_7 : vector<1x10000x1xf32> to vector<10000xf32>
    %add3A = arith.addf %get3A_3, %get3A_8 : vector<10000xf32>
    %max3A = arith.constant 1.000000e+00 : f32
    %max3A_9 = vector.broadcast %max3A : f32 to vector<10000xf32>
    %max3A_10 = arith.maximumf %add3A, %max3A_9 : vector<10000xf32>
    %rsqrt3A = math.rsqrt %max3A_10 : vector<10000xf32>
    %get3A_11 = arith.constant 0 : index
    %get3A_12 = arith.constant 0 : index
    %get3A_13 = vector.load %arg1[%get3A_11, %get3A_12] : memref<10000x256xf32, #tpu.memory_space<vmem>>, vector<10000x256xf32>
    %get3A_14 = arith.constant 0 : index
    %get3A_15 = arith.constant 0 : index
    %get3A_16 = vector.load %arg2[%get3A_14, %get3A_15] : memref<256x256xf32, #tpu.memory_space<vmem>>, vector<256x256xf32>
    %dot_general3A = arith.constant dense<0.000000e+00> : vector<10000x256xf32>
    %dot_general3A_17 = tpu.matmul %get3A_13, %get3A_16, %dot_general3A {dimension_numbers = #tpu.dot_dimension_numbers<[1], [0], [0], [1], [0, 0, 1, 1], [], []>, transpose_lhs_hint = false} : vector<10000x256xf32>, vector<256x256xf32>, vector<10000x256xf32> -> vector<10000x256xf32>
    %broadcast_in_dim3A = vector.shape_cast %rsqrt3A : vector<10000xf32> to vector<10000x1xf32>
    %mul3A = vector.broadcast %broadcast_in_dim3A : vector<10000x1xf32> to vector<10000x256xf32>
    %mul3A_18 = arith.mulf %dot_general3A_17, %mul3A : vector<10000x256xf32>
    %slice3A = vector.extract_strided_slice %mul3A_18 {offsets = [0, 0], sizes = [10000, 128], strides = [1, 1]} : vector<10000x256xf32> to vector<10000x128xf32>
    %swap3A = arith.constant 0 : index
    %swap3A_19 = arith.constant 0 : index
    %swap3A_20 = arith.constant 0 : index
    %swap3A_21 = vector.load %arg4[%swap3A, %swap3A_19, %swap3A_20] : memref<2x10000x128xf32, #tpu.memory_space<vmem>>, vector<1x10000x128xf32>
    %swap3A_22 = vector.shape_cast %swap3A_21 : vector<1x10000x128xf32> to vector<10000x128xf32>
    %swap3A_23 = vector.shape_cast %slice3A : vector<10000x128xf32> to vector<1x10000x128xf32>
    tpu.vector_store %arg4[%swap3A, %swap3A_19, %swap3A_20], %swap3A_23 {strides = array<i32>} : memref<2x10000x128xf32, #tpu.memory_space<vmem>>, vector<1x10000x128xf32>,
    %slice3A_24 = vector.extract_strided_slice %mul3A_18 {offsets = [0, 128], sizes = [10000, 128], strides = [1, 1]} : vector<10000x256xf32> to vector<10000x128xf32>
    %swap3A_25 = arith.constant 1 : index
    %swap3A_26 = arith.constant 0 : index
    %swap3A_27 = arith.constant 0 : index
    %swap3A_28 = vector.load %arg4[%swap3A_25, %swap3A_26, %swap3A_27] : memref<2x10000x128xf32, #tpu.memory_space<vmem>>, vector<1x10000x128xf32>
    %swap3A_29 = vector.shape_cast %swap3A_28 : vector<1x10000x128xf32> to vector<10000x128xf32>
    %swap3A_30 = vector.shape_cast %slice3A_24 : vector<10000x128xf32> to vector<1x10000x128xf32>
    tpu.vector_store %arg4[%swap3A_25, %swap3A_26, %swap3A_27], %swap3A_30 {strides = array<i32>} : memref<2x10000x128xf32, #tpu.memory_space<vmem>>, vector<1x10000x128xf32>,
    return
  }
  func.func @transform_0(%arg0: i32) -> (i32, i32) {
    %c0_i32 = arith.constant 0 : i32
    %c0_i32_0 = arith.constant 0 : i32
    return %arg0, %c0_i32 : i32, i32
  }
  func.func @transform_1(%arg0: i32) -> (i32, i32) {
    %c0_i32 = arith.constant 0 : i32
    %c0_i32_0 = arith.constant 0 : i32
    %c0_i32_1 = arith.constant 0 : i32
    return %c0_i32, %c0_i32_0 : i32, i32
  }
  func.func @transform_2(%arg0: i32) -> (i32, i32, i32) {
    %c0_i32 = arith.constant 0 : i32
    %c0_i32_0 = arith.constant 0 : i32
    %c0_i32_1 = arith.constant 0 : i32
    return %c0_i32, %arg0, %c0_i32_0 : i32, i32, i32
  }
  func.func @transform_3(%arg0: i32) -> (i32, i32, i32) {
    %c0_i32 = arith.constant 0 : i32
    %c0_i32_0 = arith.constant 0 : i32
    %c0_i32_1 = arith.constant 0 : i32
    return %c0_i32, %arg0, %c0_i32_0 : i32, i32, i32
  }
}

module attributes {stable_mosaic.version = 14 : i64} {
  func.func @_mm2_body(%arg0: i32, %arg1: memref<2x10000x128xf32, #tpu.memory_space<vmem>>, %arg2: memref<2x10000x16xf32, #tpu.memory_space<vmem>>, %arg3: memref<1x256xf32, #tpu.memory_space<vmem>>, %arg4: memref<256x256xf32, #tpu.memory_space<vmem>>, %arg5: memref<2x10000x128xf32, #tpu.memory_space<vmem>>) attributes {dimension_semantics = [#tpu.dimension_semantics<arbitrary>], iteration_bounds = array<i64: 1>, scalar_prefetch = 0 : i64, scratch_operands = 0 : i64, tpu.core_type = #tpu.core_type<tc>, window_params = [{transform_indices = @transform_0, window_bounds = array<i64: 2, 10000, 128>}, {transform_indices = @transform_1, window_bounds = array<i64: 2, 10000, 16>}, {pipeline_mode = #tpu.pipeline_mode<synchronous>, transform_indices = @transform_2, window_bounds = array<i64: 1, 256>}, {pipeline_mode = #tpu.pipeline_mode<synchronous>, transform_indices = @transform_3, window_bounds = array<i64: 256, 256>}, {transform_indices = @transform_4, window_bounds = array<i64: 2, 10000, 128>}]} {
    %get3A = arith.constant 0 : index
    %get3A_0 = arith.constant 0 : index
    %get3A_1 = arith.constant 0 : index
    %get3A_2 = vector.load %arg2[%get3A, %get3A_0, %get3A_1] : memref<2x10000x16xf32, #tpu.memory_space<vmem>>, vector<1x10000x1xf32>
    %get3A_3 = vector.shape_cast %get3A_2 : vector<1x10000x1xf32> to vector<10000xf32>
    %get3A_4 = arith.constant 1 : index
    %get3A_5 = arith.constant 0 : index
    %get3A_6 = arith.constant 0 : index
    %get3A_7 = vector.load %arg2[%get3A_4, %get3A_5, %get3A_6] : memref<2x10000x16xf32, #tpu.memory_space<vmem>>, vector<1x10000x1xf32>
    %get3A_8 = vector.shape_cast %get3A_7 : vector<1x10000x1xf32> to vector<10000xf32>
    %add3A = arith.addf %get3A_3, %get3A_8 : vector<10000xf32>
    %max3A = arith.constant 1.000000e+00 : f32
    %max3A_9 = vector.broadcast %max3A : f32 to vector<10000xf32>
    %max3A_10 = arith.maximumf %add3A, %max3A_9 : vector<10000xf32>
    %rsqrt3A = math.rsqrt %max3A_10 : vector<10000xf32>
    %broadcast_in_dim3A = vector.shape_cast %rsqrt3A : vector<10000xf32> to vector<10000x1xf32>
    %get3A_11 = arith.constant 0 : index
    %get3A_12 = arith.constant 0 : index
    %get3A_13 = arith.constant 0 : index
    %get3A_14 = vector.load %arg1[%get3A_11, %get3A_12, %get3A_13] : memref<2x10000x128xf32, #tpu.memory_space<vmem>>, vector<1x10000x128xf32>
    %get3A_15 = vector.shape_cast %get3A_14 : vector<1x10000x128xf32> to vector<10000x128xf32>
    %mul3A = vector.broadcast %broadcast_in_dim3A : vector<10000x1xf32> to vector<10000x128xf32>
    %mul3A_16 = arith.mulf %get3A_15, %mul3A : vector<10000x128xf32>
    %get3A_17 = arith.constant 0 : index
    %get3A_18 = arith.constant 0 : index
    %get3A_19 = vector.load %arg3[%get3A_17, %get3A_18] : memref<1x256xf32, #tpu.memory_space<vmem>>, vector<1x128xf32>
    %get3A_20 = vector.shape_cast %get3A_19 : vector<1x128xf32> to vector<128xf32>
    %broadcast_in_dim3A_21 = vector.shape_cast %get3A_20 : vector<128xf32> to vector<1x128xf32>
    %add3A_22 = vector.broadcast %broadcast_in_dim3A_21 : vector<1x128xf32> to vector<10000x128xf32>
    %add3A_23 = arith.addf %mul3A_16, %add3A_22 : vector<10000x128xf32>
    %max3A_24 = arith.constant 0.000000e+00 : f32
    %max3A_25 = vector.broadcast %max3A_24 : f32 to vector<10000x128xf32>
    %max3A_26 = arith.maximumf %add3A_23, %max3A_25 : vector<10000x128xf32>
    %get3A_27 = arith.constant 1 : index
    %get3A_28 = arith.constant 0 : index
    %get3A_29 = arith.constant 0 : index
    %get3A_30 = vector.load %arg1[%get3A_27, %get3A_28, %get3A_29] : memref<2x10000x128xf32, #tpu.memory_space<vmem>>, vector<1x10000x128xf32>
    %get3A_31 = vector.shape_cast %get3A_30 : vector<1x10000x128xf32> to vector<10000x128xf32>
    %mul3A_32 = vector.broadcast %broadcast_in_dim3A : vector<10000x1xf32> to vector<10000x128xf32>
    %mul3A_33 = arith.mulf %get3A_31, %mul3A_32 : vector<10000x128xf32>
    %get3A_34 = arith.constant 0 : index
    %get3A_35 = arith.constant 128 : index
    %get3A_36 = vector.load %arg3[%get3A_34, %get3A_35] : memref<1x256xf32, #tpu.memory_space<vmem>>, vector<1x128xf32>
    %get3A_37 = vector.shape_cast %get3A_36 : vector<1x128xf32> to vector<128xf32>
    %broadcast_in_dim3A_38 = vector.shape_cast %get3A_37 : vector<128xf32> to vector<1x128xf32>
    %add3A_39 = vector.broadcast %broadcast_in_dim3A_38 : vector<1x128xf32> to vector<10000x128xf32>
    %add3A_40 = arith.addf %mul3A_33, %add3A_39 : vector<10000x128xf32>
    %max3A_41 = arith.constant 0.000000e+00 : f32
    %max3A_42 = vector.broadcast %max3A_41 : f32 to vector<10000x128xf32>
    %max3A_43 = arith.maximumf %add3A_40, %max3A_42 : vector<10000x128xf32>
    %get3A_44 = arith.constant 0 : index
    %get3A_45 = arith.constant 0 : index
    %get3A_46 = vector.load %arg4[%get3A_44, %get3A_45] : memref<256x256xf32, #tpu.memory_space<vmem>>, vector<128x256xf32>
    %dot_general3A = arith.constant dense<0.000000e+00> : vector<10000x256xf32>
    %dot_general3A_47 = tpu.matmul %max3A_26, %get3A_46, %dot_general3A {dimension_numbers = #tpu.dot_dimension_numbers<[1], [0], [0], [1], [0, 0, 1, 1], [], []>, transpose_lhs_hint = false} : vector<10000x128xf32>, vector<128x256xf32>, vector<10000x256xf32> -> vector<10000x256xf32>
    %get3A_48 = arith.constant 128 : index
    %get3A_49 = arith.constant 0 : index
    %get3A_50 = vector.load %arg4[%get3A_48, %get3A_49] : memref<256x256xf32, #tpu.memory_space<vmem>>, vector<128x256xf32>
    %dot_general3A_51 = arith.constant dense<0.000000e+00> : vector<10000x256xf32>
    %dot_general3A_52 = tpu.matmul %max3A_43, %get3A_50, %dot_general3A_51 {dimension_numbers = #tpu.dot_dimension_numbers<[1], [0], [0], [1], [0, 0, 1, 1], [], []>, transpose_lhs_hint = false} : vector<10000x128xf32>, vector<128x256xf32>, vector<10000x256xf32> -> vector<10000x256xf32>
    %add3A_53 = arith.addf %dot_general3A_47, %dot_general3A_52 : vector<10000x256xf32>
    %mul3A_54 = vector.broadcast %broadcast_in_dim3A : vector<10000x1xf32> to vector<10000x256xf32>
    %mul3A_55 = arith.mulf %add3A_53, %mul3A_54 : vector<10000x256xf32>
    %slice3A = vector.extract_strided_slice %mul3A_55 {offsets = [0, 0], sizes = [10000, 128], strides = [1, 1]} : vector<10000x256xf32> to vector<10000x128xf32>
    %swap3A = arith.constant 0 : index
    %swap3A_56 = arith.constant 0 : index
    %swap3A_57 = arith.constant 0 : index
    %swap3A_58 = vector.load %arg5[%swap3A, %swap3A_56, %swap3A_57] : memref<2x10000x128xf32, #tpu.memory_space<vmem>>, vector<1x10000x128xf32>
    %swap3A_59 = vector.shape_cast %swap3A_58 : vector<1x10000x128xf32> to vector<10000x128xf32>
    %swap3A_60 = vector.shape_cast %slice3A : vector<10000x128xf32> to vector<1x10000x128xf32>
    tpu.vector_store %arg5[%swap3A, %swap3A_56, %swap3A_57], %swap3A_60 {strides = array<i32>} : memref<2x10000x128xf32, #tpu.memory_space<vmem>>, vector<1x10000x128xf32>,
    %slice3A_61 = vector.extract_strided_slice %mul3A_55 {offsets = [0, 128], sizes = [10000, 128], strides = [1, 1]} : vector<10000x256xf32> to vector<10000x128xf32>
    %swap3A_62 = arith.constant 1 : index
    %swap3A_63 = arith.constant 0 : index
    %swap3A_64 = arith.constant 0 : index
    %swap3A_65 = vector.load %arg5[%swap3A_62, %swap3A_63, %swap3A_64] : memref<2x10000x128xf32, #tpu.memory_space<vmem>>, vector<1x10000x128xf32>
    %swap3A_66 = vector.shape_cast %swap3A_65 : vector<1x10000x128xf32> to vector<10000x128xf32>
    %swap3A_67 = vector.shape_cast %slice3A_61 : vector<10000x128xf32> to vector<1x10000x128xf32>
    tpu.vector_store %arg5[%swap3A_62, %swap3A_63, %swap3A_64], %swap3A_67 {strides = array<i32>} : memref<2x10000x128xf32, #tpu.memory_space<vmem>>, vector<1x10000x128xf32>,
    return
  }
  func.func @transform_0(%arg0: i32) -> (i32, i32, i32) {
    %c0_i32 = arith.constant 0 : i32
    %c0_i32_0 = arith.constant 0 : i32
    %c0_i32_1 = arith.constant 0 : i32
    return %c0_i32, %arg0, %c0_i32_0 : i32, i32, i32
  }
  func.func @transform_1(%arg0: i32) -> (i32, i32, i32) {
    %c0_i32 = arith.constant 0 : i32
    %c0_i32_0 = arith.constant 0 : i32
    %c0_i32_1 = arith.constant 0 : i32
    return %c0_i32, %arg0, %c0_i32_0 : i32, i32, i32
  }
  func.func @transform_2(%arg0: i32) -> (i32, i32) {
    %c0_i32 = arith.constant 0 : i32
    %c0_i32_0 = arith.constant 0 : i32
    %c0_i32_1 = arith.constant 0 : i32
    return %c0_i32, %c0_i32_0 : i32, i32
  }
  func.func @transform_3(%arg0: i32) -> (i32, i32) {
    %c0_i32 = arith.constant 0 : i32
    %c0_i32_0 = arith.constant 0 : i32
    %c0_i32_1 = arith.constant 0 : i32
    return %c0_i32, %c0_i32_0 : i32, i32
  }
  func.func @transform_4(%arg0: i32) -> (i32, i32, i32) {
    %c0_i32 = arith.constant 0 : i32
    %c0_i32_0 = arith.constant 0 : i32
    %c0_i32_1 = arith.constant 0 : i32
    return %c0_i32, %arg0, %c0_i32_0 : i32, i32, i32
  }
}

module attributes {stable_mosaic.version = 14 : i64} {
  func.func @_mm3_body(%arg0: i32, %arg1: memref<2x10000x128xf32, #tpu.memory_space<vmem>>, %arg2: memref<2x10000x16xf32, #tpu.memory_space<vmem>>, %arg3: memref<1x256xf32, #tpu.memory_space<vmem>>, %arg4: memref<256x48xf32, #tpu.memory_space<vmem>>, %arg5: memref<10000x48xf32, #tpu.memory_space<vmem>>) attributes {dimension_semantics = [#tpu.dimension_semantics<arbitrary>], iteration_bounds = array<i64: 1>, scalar_prefetch = 0 : i64, scratch_operands = 0 : i64, tpu.core_type = #tpu.core_type<tc>, window_params = [{transform_indices = @transform_0, window_bounds = array<i64: 2, 10000, 128>}, {transform_indices = @transform_1, window_bounds = array<i64: 2, 10000, 16>}, {pipeline_mode = #tpu.pipeline_mode<synchronous>, transform_indices = @transform_2, window_bounds = array<i64: 1, 256>}, {pipeline_mode = #tpu.pipeline_mode<synchronous>, transform_indices = @transform_3, window_bounds = array<i64: 256, 48>}, {transform_indices = @transform_4, window_bounds = array<i64: 10000, 48>}]} {
    %get3A = arith.constant 0 : index
    %get3A_0 = arith.constant 0 : index
    %get3A_1 = arith.constant 0 : index
    %get3A_2 = vector.load %arg2[%get3A, %get3A_0, %get3A_1] : memref<2x10000x16xf32, #tpu.memory_space<vmem>>, vector<1x10000x1xf32>
    %get3A_3 = vector.shape_cast %get3A_2 : vector<1x10000x1xf32> to vector<10000xf32>
    %get3A_4 = arith.constant 1 : index
    %get3A_5 = arith.constant 0 : index
    %get3A_6 = arith.constant 0 : index
    %get3A_7 = vector.load %arg2[%get3A_4, %get3A_5, %get3A_6] : memref<2x10000x16xf32, #tpu.memory_space<vmem>>, vector<1x10000x1xf32>
    %get3A_8 = vector.shape_cast %get3A_7 : vector<1x10000x1xf32> to vector<10000xf32>
    %add3A = arith.addf %get3A_3, %get3A_8 : vector<10000xf32>
    %max3A = arith.constant 1.000000e+00 : f32
    %max3A_9 = vector.broadcast %max3A : f32 to vector<10000xf32>
    %max3A_10 = arith.maximumf %add3A, %max3A_9 : vector<10000xf32>
    %rsqrt3A = math.rsqrt %max3A_10 : vector<10000xf32>
    %broadcast_in_dim3A = vector.shape_cast %rsqrt3A : vector<10000xf32> to vector<10000x1xf32>
    %get3A_11 = arith.constant 0 : index
    %get3A_12 = arith.constant 0 : index
    %get3A_13 = arith.constant 0 : index
    %get3A_14 = vector.load %arg1[%get3A_11, %get3A_12, %get3A_13] : memref<2x10000x128xf32, #tpu.memory_space<vmem>>, vector<1x10000x128xf32>
    %get3A_15 = vector.shape_cast %get3A_14 : vector<1x10000x128xf32> to vector<10000x128xf32>
    %mul3A = vector.broadcast %broadcast_in_dim3A : vector<10000x1xf32> to vector<10000x128xf32>
    %mul3A_16 = arith.mulf %get3A_15, %mul3A : vector<10000x128xf32>
    %get3A_17 = arith.constant 0 : index
    %get3A_18 = arith.constant 0 : index
    %get3A_19 = vector.load %arg3[%get3A_17, %get3A_18] : memref<1x256xf32, #tpu.memory_space<vmem>>, vector<1x128xf32>
    %get3A_20 = vector.shape_cast %get3A_19 : vector<1x128xf32> to vector<128xf32>
    %broadcast_in_dim3A_21 = vector.shape_cast %get3A_20 : vector<128xf32> to vector<1x128xf32>
    %add3A_22 = vector.broadcast %broadcast_in_dim3A_21 : vector<1x128xf32> to vector<10000x128xf32>
    %add3A_23 = arith.addf %mul3A_16, %add3A_22 : vector<10000x128xf32>
    %max3A_24 = arith.constant 0.000000e+00 : f32
    %max3A_25 = vector.broadcast %max3A_24 : f32 to vector<10000x128xf32>
    %max3A_26 = arith.maximumf %add3A_23, %max3A_25 : vector<10000x128xf32>
    %get3A_27 = arith.constant 1 : index
    %get3A_28 = arith.constant 0 : index
    %get3A_29 = arith.constant 0 : index
    %get3A_30 = vector.load %arg1[%get3A_27, %get3A_28, %get3A_29] : memref<2x10000x128xf32, #tpu.memory_space<vmem>>, vector<1x10000x128xf32>
    %get3A_31 = vector.shape_cast %get3A_30 : vector<1x10000x128xf32> to vector<10000x128xf32>
    %mul3A_32 = vector.broadcast %broadcast_in_dim3A : vector<10000x1xf32> to vector<10000x128xf32>
    %mul3A_33 = arith.mulf %get3A_31, %mul3A_32 : vector<10000x128xf32>
    %get3A_34 = arith.constant 0 : index
    %get3A_35 = arith.constant 128 : index
    %get3A_36 = vector.load %arg3[%get3A_34, %get3A_35] : memref<1x256xf32, #tpu.memory_space<vmem>>, vector<1x128xf32>
    %get3A_37 = vector.shape_cast %get3A_36 : vector<1x128xf32> to vector<128xf32>
    %broadcast_in_dim3A_38 = vector.shape_cast %get3A_37 : vector<128xf32> to vector<1x128xf32>
    %add3A_39 = vector.broadcast %broadcast_in_dim3A_38 : vector<1x128xf32> to vector<10000x128xf32>
    %add3A_40 = arith.addf %mul3A_33, %add3A_39 : vector<10000x128xf32>
    %max3A_41 = arith.constant 0.000000e+00 : f32
    %max3A_42 = vector.broadcast %max3A_41 : f32 to vector<10000x128xf32>
    %max3A_43 = arith.maximumf %add3A_40, %max3A_42 : vector<10000x128xf32>
    %get3A_44 = arith.constant 0 : index
    %get3A_45 = arith.constant 0 : index
    %get3A_46 = vector.load %arg4[%get3A_44, %get3A_45] : memref<256x48xf32, #tpu.memory_space<vmem>>, vector<128x48xf32>
    %dot_general3A = arith.constant dense<0.000000e+00> : vector<10000x48xf32>
    %dot_general3A_47 = tpu.matmul %max3A_26, %get3A_46, %dot_general3A {dimension_numbers = #tpu.dot_dimension_numbers<[1], [0], [0], [1], [0, 0, 1, 1], [], []>, transpose_lhs_hint = false} : vector<10000x128xf32>, vector<128x48xf32>, vector<10000x48xf32> -> vector<10000x48xf32>
    %get3A_48 = arith.constant 128 : index
    %get3A_49 = arith.constant 0 : index
    %get3A_50 = vector.load %arg4[%get3A_48, %get3A_49] : memref<256x48xf32, #tpu.memory_space<vmem>>, vector<128x48xf32>
    %dot_general3A_51 = arith.constant dense<0.000000e+00> : vector<10000x48xf32>
    %dot_general3A_52 = tpu.matmul %max3A_43, %get3A_50, %dot_general3A_51 {dimension_numbers = #tpu.dot_dimension_numbers<[1], [0], [0], [1], [0, 0, 1, 1], [], []>, transpose_lhs_hint = false} : vector<10000x128xf32>, vector<128x48xf32>, vector<10000x48xf32> -> vector<10000x48xf32>
    %add3A_53 = arith.addf %dot_general3A_47, %dot_general3A_52 : vector<10000x48xf32>
    %mul3A_54 = vector.broadcast %broadcast_in_dim3A : vector<10000x1xf32> to vector<10000x48xf32>
    %mul3A_55 = arith.mulf %add3A_53, %mul3A_54 : vector<10000x48xf32>
    %swap3A = arith.constant 0 : index
    %swap3A_56 = arith.constant 0 : index
    %swap3A_57 = vector.load %arg5[%swap3A, %swap3A_56] : memref<10000x48xf32, #tpu.memory_space<vmem>>, vector<10000x48xf32>
    tpu.vector_store %arg5[%swap3A, %swap3A_56], %mul3A_55 {strides = array<i32>} : memref<10000x48xf32, #tpu.memory_space<vmem>>, vector<10000x48xf32>,
    return
  }
  func.func @transform_0(%arg0: i32) -> (i32, i32, i32) {
    %c0_i32 = arith.constant 0 : i32
    %c0_i32_0 = arith.constant 0 : i32
    %c0_i32_1 = arith.constant 0 : i32
    return %c0_i32, %arg0, %c0_i32_0 : i32, i32, i32
  }
  func.func @transform_1(%arg0: i32) -> (i32, i32, i32) {
    %c0_i32 = arith.constant 0 : i32
    %c0_i32_0 = arith.constant 0 : i32
    %c0_i32_1 = arith.constant 0 : i32
    return %c0_i32, %arg0, %c0_i32_0 : i32, i32, i32
  }
  func.func @transform_2(%arg0: i32) -> (i32, i32) {
    %c0_i32 = arith.constant 0 : i32
    %c0_i32_0 = arith.constant 0 : i32
    %c0_i32_1 = arith.constant 0 : i32
    return %c0_i32, %c0_i32_0 : i32, i32
  }
  func.func @transform_3(%arg0: i32) -> (i32, i32) {
    %c0_i32 = arith.constant 0 : i32
    %c0_i32_0 = arith.constant 0 : i32
    %c0_i32_1 = arith.constant 0 : i32
    return %c0_i32, %c0_i32_0 : i32, i32
  }
  func.func @transform_4(%arg0: i32) -> (i32, i32) {
    %c0_i32 = arith.constant 0 : i32
    %c0_i32_0 = arith.constant 0 : i32
    return %arg0, %c0_i32 : i32, i32
  }
}

module attributes {stable_mosaic.version = 14 : i64} {
  func.func @_final_body(%arg0: i32, %arg1: memref<2x10000x48xf32, #tpu.memory_space<vmem>>, %arg2: memref<2x10000x16xf32, #tpu.memory_space<vmem>>, %arg3: memref<1x40xf32, #tpu.memory_space<vmem>>, %arg4: memref<10000x40xf32, #tpu.memory_space<vmem>>) attributes {dimension_semantics = [#tpu.dimension_semantics<arbitrary>], iteration_bounds = array<i64: 1>, scalar_prefetch = 0 : i64, scratch_operands = 0 : i64, tpu.core_type = #tpu.core_type<tc>, window_params = [{transform_indices = @transform_0, window_bounds = array<i64: 2, 10000, 48>}, {transform_indices = @transform_1, window_bounds = array<i64: 2, 10000, 16>}, {pipeline_mode = #tpu.pipeline_mode<synchronous>, transform_indices = @transform_2, window_bounds = array<i64: 1, 40>}, {transform_indices = @transform_3, window_bounds = array<i64: 10000, 40>}]} {
    %get3A = arith.constant 0 : index
    %get3A_0 = arith.constant 0 : index
    %get3A_1 = arith.constant 0 : index
    %get3A_2 = vector.load %arg2[%get3A, %get3A_0, %get3A_1] : memref<2x10000x16xf32, #tpu.memory_space<vmem>>, vector<1x10000x1xf32>
    %get3A_3 = vector.shape_cast %get3A_2 : vector<1x10000x1xf32> to vector<10000xf32>
    %get3A_4 = arith.constant 1 : index
    %get3A_5 = arith.constant 0 : index
    %get3A_6 = arith.constant 0 : index
    %get3A_7 = vector.load %arg2[%get3A_4, %get3A_5, %get3A_6] : memref<2x10000x16xf32, #tpu.memory_space<vmem>>, vector<1x10000x1xf32>
    %get3A_8 = vector.shape_cast %get3A_7 : vector<1x10000x1xf32> to vector<10000xf32>
    %add3A = arith.addf %get3A_3, %get3A_8 : vector<10000xf32>
    %max3A = arith.constant 1.000000e+00 : f32
    %max3A_9 = vector.broadcast %max3A : f32 to vector<10000xf32>
    %max3A_10 = arith.maximumf %add3A, %max3A_9 : vector<10000xf32>
    %rsqrt3A = math.rsqrt %max3A_10 : vector<10000xf32>
    %get3A_11 = arith.constant 0 : index
    %get3A_12 = arith.constant 0 : index
    %get3A_13 = arith.constant 0 : index
    %get3A_14 = vector.load %arg1[%get3A_11, %get3A_12, %get3A_13] : memref<2x10000x48xf32, #tpu.memory_space<vmem>>, vector<1x10000x40xf32>
    %get3A_15 = vector.shape_cast %get3A_14 : vector<1x10000x40xf32> to vector<10000x40xf32>
    %get3A_16 = arith.constant 1 : index
    %get3A_17 = arith.constant 0 : index
    %get3A_18 = arith.constant 0 : index
    %get3A_19 = vector.load %arg1[%get3A_16, %get3A_17, %get3A_18] : memref<2x10000x48xf32, #tpu.memory_space<vmem>>, vector<1x10000x40xf32>
    %get3A_20 = vector.shape_cast %get3A_19 : vector<1x10000x40xf32> to vector<10000x40xf32>
    %add3A_21 = arith.addf %get3A_15, %get3A_20 : vector<10000x40xf32>
    %broadcast_in_dim3A = vector.shape_cast %rsqrt3A : vector<10000xf32> to vector<10000x1xf32>
    %mul3A = vector.broadcast %broadcast_in_dim3A : vector<10000x1xf32> to vector<10000x40xf32>
    %mul3A_22 = arith.mulf %add3A_21, %mul3A : vector<10000x40xf32>
    %get3A_23 = arith.constant 0 : index
    %get3A_24 = arith.constant 0 : index
    %get3A_25 = vector.load %arg3[%get3A_23, %get3A_24] : memref<1x40xf32, #tpu.memory_space<vmem>>, vector<1x40xf32>
    %get3A_26 = vector.shape_cast %get3A_25 : vector<1x40xf32> to vector<40xf32>
    %broadcast_in_dim3A_27 = vector.shape_cast %get3A_26 : vector<40xf32> to vector<1x40xf32>
    %add3A_28 = vector.broadcast %broadcast_in_dim3A_27 : vector<1x40xf32> to vector<10000x40xf32>
    %add3A_29 = arith.addf %mul3A_22, %add3A_28 : vector<10000x40xf32>
    %swap3A = arith.constant 0 : index
    %swap3A_30 = arith.constant 0 : index
    %swap3A_31 = vector.load %arg4[%swap3A, %swap3A_30] : memref<10000x40xf32, #tpu.memory_space<vmem>>, vector<10000x40xf32>
    tpu.vector_store %arg4[%swap3A, %swap3A_30], %add3A_29 {strides = array<i32>} : memref<10000x40xf32, #tpu.memory_space<vmem>>, vector<10000x40xf32>,
    return
  }
  func.func @transform_0(%arg0: i32) -> (i32, i32, i32) {
    %c0_i32 = arith.constant 0 : i32
    %c0_i32_0 = arith.constant 0 : i32
    %c0_i32_1 = arith.constant 0 : i32
    return %c0_i32, %arg0, %c0_i32_0 : i32, i32, i32
  }
  func.func @transform_1(%arg0: i32) -> (i32, i32, i32) {
    %c0_i32 = arith.constant 0 : i32
    %c0_i32_0 = arith.constant 0 : i32
    %c0_i32_1 = arith.constant 0 : i32
    return %c0_i32, %arg0, %c0_i32_0 : i32, i32, i32
  }
  func.func @transform_2(%arg0: i32) -> (i32, i32) {
    %c0_i32 = arith.constant 0 : i32
    %c0_i32_0 = arith.constant 0 : i32
    %c0_i32_1 = arith.constant 0 : i32
    return %c0_i32, %c0_i32_0 : i32, i32
  }
  func.func @transform_3(%arg0: i32) -> (i32, i32) {
    %c0_i32 = arith.constant 0 : i32
    %c0_i32_0 = arith.constant 0 : i32
    return %arg0, %c0_i32 : i32, i32
  }
}

</mosaic_0001>

<sc_bundles>
// kernel: kernel.10.cloned.1.call-start
scs
__scs_entry_jumppad:
0x0: {  	(pc) =	sbr.rel $0x88, $3  }
0x1: {  	(tag) =	ssettag $0x0;
	lr =	simm.s32 $0x1  }
0x2: {  	[smem:$0x3F99] =	sst lr;
	_ =	strace $0xD0000000  }
0x3: {  	_ = 	snop  }
0x4: {  	_ = 	snop  }
0x5: {  	_ = 	snop  }
0x6: {  	_ = 	snop  }
0x7: {  	_ = 	snop  }
__scs_overlays_trampoline_lowered:
0x8: {  	[smem:$0x3FA8] =	sst s0  }
0x9: {  	[smem:$0x3FA9] =	sst s1  }
0xa: {  	[smem:$0x3FAA] =	sst s2  }
0xb: {  	[smem:$0x3FAB] =	sst s3  }
0xc: {  	[smem:$0x3FAC] =	sst s4  }
0xd: {  	[smem:$0x3FAD] =	sst s5  }
0xe: {  	[smem:$0x3FAE] =	sst s6  }
0xf: {  	[smem:$0x3FAF] =	sst s7  }
0x10: {  	[smem:$0x3FB0] =	sst s8  }
0x11: {  	[smem:$0x3FB1] =	sst s9;
	s0 =	simm.s32 @!p0 $0x0  }
0x12: {  	s1 =	sld [smem:$0x3F97];
	s0 =	simm.s32 @p0 $0x1  }
0x13: {  	[smem:$0x3FB2] =	sst s0;
	s0 =	simm.s32 @!p1 $0x0  }
0x14: {  	s2 =	sld [smem:$0x3F96];
	s0 =	simm.s32 @p1 $0x1  }
0x15: {  	[smem:$0x3FB3] =	sst s0;
	s0 =	simm.s32 @!p2 $0x0  }
0x16: {  	s3 =	sld [smem:$0x3FDB];
	s0 =	simm.s32 @p2 $0x1  }
0x17: {  	s4 =	simm.s32 $0x1BF5;
	[smem:$0x3FB5] =	sst s0  }
0x18: {  	s0 =	sld [smem:$0x3F98];
	_ =	swait.ge [sflag:s4], $0x0  }
0x19: {  	s7 =	sld [smem:$0x3F99]  }
0x1a: {  	s8 =	sadd.s32 $0xFFFFE003, lr  }
0x1b: {  	s9 =	sadd.s32 $0xFFFFFEF7, lr;
	s5 =	simm.s32 $0xFFFFFFFF;
	p2 =	slt.u32 s8, $0xFFFFF086  }
0x1c: {  	p1 =	slt.u32 s9, $0xF7A;
	s5 =	simm.s32 @!p2 $0x0  }
0x1d: {  	s5 =	simm.s32 @p1 $0x1;
	p0 =	seq.s32 s7, s2  }
0x1e: {  	s7 =	smul.u32 @!p0 $0xF7A, s2;
	p2 =	seq.s32 @!p0 s5, $0x0  }
0x1f: {  	s9 =	smul.u32 $0xF7A, s1;
	s8 =	simm.s32 @!p0 $0x1BF5;
	p2 =	por !p2, p0  }
0x20: {  	[sflag:s8] =	ssyncset.s32 @!p0 $0xFFFFF086;
	s6 =	sadd.s32 @!p0 s3, s7;
	s7 =	simm.s32 @!p0 $0x108  }
0x21: {  	s3 =	sadd.s32 s3, s9;
	s6 =	sadd.s32 @!p0 $0x88, s6;
	s7 =	simm.s32 @p2 $0x1082  }
0x22: {  	[simem:s7], [sflag:s8] =	dma.local @!p0 [hbm:s6], $0xF7A  }
0x23: {  	s9 =	sor.u32 $0xD0000000, s2;
	s6 =	simm.s32 $0x108;
	_ =	swait.ge @!p0 [sflag:s8], $0x0  }
0x24: {  	s3 =	sadd.s32 $0x88, s3;
	s6 =	simm.s32 @!p1 $0x1082;
	[sflag:s4] =	ssyncset.s32 $0xFFFFF086  }
0x25: {  	[simem:s6], [sflag:s4] =	dma.local [hbm:s3], $0xF7A  }
0x26: {  	[smem:$0x3F99] =	sst s1;
	(tag) =	ssettag s2;
	_ =	strace s9  }
0x27: {  	s1 =	sld [smem:$0x3FA9]  }
0x28: {  	s2 =	sld [smem:$0x3FAA]  }
0x29: {  	s4 =	sld [smem:$0x3FAC]  }
0x2a: {  	p0 =	seq.s32 s5, $0x0;
	s5 =	sld [smem:$0x3FAD]  }
0x2b: {  	s6 =	sld [smem:$0x3FAE]  }
0x2c: {  	s7 =	sld [smem:$0x3FAF]  }
0x2d: {  	s3 =	simm.s32 $0x108;
	s8 =	sld [smem:$0x3FB0]  }
0x2e: {  	s3 =	simm.s32 @!p0 $0x1082;
	s9 =	sld [smem:$0x3FB1]  }
0x2f: {  	lr =	sadd.s32 s0, s3;
	s0 =	sld [smem:$0x3FA8]  }
0x30: {  	s3 =	sld [smem:$0x3FAB]  }
0x31: {  	[smem:$0x3FB4] =	sst s10  }
0x32: {  	s10 =	sld [smem:$0x3FB2];
	_ =	sdelay $0x3  }
0x33: {  	p0 =	seq.s32 s10, $0x1;
	s10 =	sld [smem:$0x3FB4];
	_ =	sdelay $0x3  }
0x34: {  	[smem:$0x3FB4] =	sst s10  }
0x35: {  	s10 =	sld [smem:$0x3FB3];
	_ =	sdelay $0x3  }
0x36: {  	p1 =	seq.s32 s10, $0x1;
	s10 =	sld [smem:$0x3FB4];
	_ =	sdelay $0x3  }
0x37: {  	[smem:$0x3FB4] =	sst s10  }
0x38: {  	s10 =	sld [smem:$0x3FB5]  }
0x39: {  	_ = 	snop;
	(pc) =	sbr.ind lr, $3  }
0x3a: {  	_ = 	snop  }
0x3b: {  	_ = 	snop  }
0x3c: {  	p2 =	seq.s32 s10, $0x1;
	s10 =	sld [smem:$0x3FB4]  }
0x3d: {  	_ =	shalt  }
0x3e: {  	_ =	shalt  }
0x3f: {  	_ =	shalt  }
0x40: {  	_ =	shalt  }
0x41: {  	_ =	shalt  }
0x42: {  	_ =	shalt  }
0x43: {  	_ =	shalt  }
0x44: {  	_ =	shalt  }
0x45: {  	_ =	shalt  }
0x46: {  	_ =	shalt  }
0x47: {  	_ =	shalt  }
0x48: {  	_ =	shalt  }
0x49: {  	_ =	shalt  }
0x4a: {  	_ =	shalt  }
0x4b: {  	_ =	shalt  }
0x4c: {  	_ =	shalt  }
0x4d: {  	_ =	shalt  }
0x4e: {  	_ =	shalt  }
0x4f: {  	_ =	shalt  }
0x50: {  	_ =	shalt  }
0x51: {  	_ =	shalt  }
0x52: {  	_ =	shalt  }
0x53: {  	_ =	shalt  }
0x54: {  	_ =	shalt  }
0x55: {  	_ =	shalt  }
0x56: {  	_ =	shalt  }
0x57: {  	_ =	shalt  }
0x58: {  	_ =	shalt  }
0x59: {  	_ =	shalt  }
0x5a: {  	_ =	shalt  }
0x5b: {  	_ =	shalt  }
0x5c: {  	_ =	shalt  }
0x5d: {  	_ =	shalt  }
0x5e: {  	_ =	shalt  }
0x5f: {  	_ =	shalt  }
0x60: {  	_ =	shalt  }
0x61: {  	_ =	shalt  }
0x62: {  	_ =	shalt  }
0x63: {  	_ =	shalt  }
0x64: {  	_ =	shalt  }
0x65: {  	_ =	shalt  }
0x66: {  	_ =	shalt  }
0x67: {  	_ =	shalt  }
0x68: {  	_ =	shalt  }
0x69: {  	_ =	shalt  }
0x6a: {  	_ =	shalt  }
0x6b: {  	_ =	shalt  }
0x6c: {  	_ =	shalt  }
0x6d: {  	_ =	shalt  }
0x6e: {  	_ =	shalt  }
0x6f: {  	_ =	shalt  }
0x70: {  	_ =	shalt  }
0x71: {  	_ =	shalt  }
0x72: {  	_ =	shalt  }
0x73: {  	_ =	shalt  }
0x74: {  	_ =	shalt  }
0x75: {  	_ =	shalt  }
0x76: {  	_ =	shalt  }
0x77: {  	_ =	shalt  }
0x78: {  	_ =	shalt  }
0x79: {  	_ =	shalt  }
0x7a: {  	_ =	shalt  }
0x7b: {  	_ =	shalt  }
0x7c: {  	_ =	shalt  }
0x7d: {  	_ =	shalt  }
0x7e: {  	_ =	shalt  }
0x7f: {  	_ =	shalt  }
0x80: {  	_ =	shalt  }
0x81: {  	_ =	shalt  }
0x82: {  	_ =	shalt  }
0x83: {  	_ =	shalt  }
0x84: {  	_ =	shalt  }
0x85: {  	_ =	shalt  }
0x86: {  	_ =	shalt  }
0x87: {  	_ =	shalt  }
.Lfunc_end0:
.L_simem_size_0:
called_computation_lowered:
.L_overlay_start_0:
0x88: {  	s2 =	sld [smem:$0x3FD9]  }
0x89: {  	s3 =	sld [smem:$0x3FFE];
	_ =	sdelay $0x1  }
0x8a: {  	s1 =	srdreg.scid  }
0x8b: {  	s0 =	sand.u32 $0x1, s1  }
0x8c: {  	s17 =	sshll.u32 s0, $0xA;
	s2 =	sadd.s32 s3, s2  }
0x8d: {  	s2 =	sadd.s32 s2, s17  }
0x8e: {  	[smem:$0x3FC0] =	sst s2  }
0x8f: {  	_ = 	snop  }
0x90: {  	s2 =	sld [smem:$0x3FD0];
	(tm) =	ssettm $0x1  }
0x91: {  	s18 =	sld [smem:$0x3FFB];
	_ =	sdelay $0x3  }
0x92: {  	_ =	strace s18  }
0x93: {  	s3 =	sld [smem:$0x3FFC];
	_ =	sdelay $0x3  }
0x94: {  	_ =	strace s3  }
0x95: {  	s3 =	sld [smem:$0x3FFD];
	_ =	sdelay $0x3  }
0x96: {  	_ =	strace s3  }
0x97: {  	_ =	strace $0x8FFFFFFF  }
0x98: {  	s19 =	sld [smem:$0x3FDB];
	_ =	sdelay $0x1  }
0x99: {  	s4 =	simm.s32 $_scs_section_size  }
0x9a: {  	s5 =	simm.s32 $_size__tile_overlayer_lowered;
	s6 =	simm.s32 $_tile_overlayer_lowered  }
0x9b: {  	s22 =	simm.s32 $0x1BFF;
	s21 =	sshll.u32 s6, $0x1;
	s3 =	sadd.s32 s4, s19  }
0x9c: {  	s7 =	simm.s32 $0x0;
	s20 =	sshll.u32 s5, $0x1;
	s5 =	sadd.s32 s21, s3  }
0x9d: {  	[timem:s7], [sflag:s22] =	dma.local [hbm:s5], s20  }
0x9e: {  	_ =	swait.ge [sflag:s22], s20  }
0x9f: {  	s4 =	ssub.s32 $0x0, s20;
	[sflag:s22] =	ssyncset.done $0x0  }
0xa0: {  	[sflag:s22] =	ssyncadd.s32 s4;
	_ =	sdelay $0x1  }
0xa1: {  	s23 =	simm.s32 $0x1B8B  }
0xa2: {  	_ =	swait.ge [sflag:s23], $0x1  }
0xa3: {  	[sflag:s23] =	ssyncset.done $0x0  }
0xa4: {  	s25 =	simm.s32 $0x1B8E;
	s24 =	sld [smem:$0x3FFE];
	[sflag:s23] =	ssyncadd.s32 $0xFFFFFFFF  }
0xa5: {  	s26 =	simm.s32 $execute0_lowered;
	[smem:$0x3FD2] =	sst s25  }
0xa6: {  	s5 =	sshll.u32 s26, $0x1;
	_ =	strace $0x80000046;
	[dreg:$0x1] =	wrdreg $0xFFFFFFFF  }
0xa7: {  	s28 =	simm.s32 $_size_execute0_lowered;
	s3 =	sadd.s32 s3, s5;
	[dreg:$0x0] =	wrdreg $0x0  }
0xa8: {  	s5 =	sshll.u32 s28, $0x1;
	[dreg:$0x2] =	wrdreg s3  }
0xa9: {  	[dreg:$0x3] =	wrdreg s5  }
0xaa: {  	[dreg:$0x4] =	wrdreg $0xC0  }
0xab: {  	_ =	task [dreg:s7], $0x5FFFF  }
0xac: {  	[dreg:$0x1] =	wrdreg $0xFFFFFFFF  }
0xad: {  	[dreg:$0x0] =	wrdreg $0x60  }
0xae: {  	[dreg:$0x2] =	wrdreg s24  }
0xaf: {  	[dreg:$0x3] =	wrdreg s2  }
0xb0: {  	[dreg:$0x4] =	wrdreg $0x16080  }
0xb1: {  	[dreg:$0x5] =	wrdreg $0x9  }
0xb2: {  	_ =	task.clear_ibuf [dreg:s7], $0x6FFFF;
	_ =	strace $0x90000046  }
0xb3: {  	s29 =	simm.s32 $0x9;
	_ =	strace $0x80000048  }
0xb4: {  	_ =	swait.ge [sflag:s29], $0x1  }
0xb5: {  	[sflag:s29] =	ssyncadd.s32 $0xFFFFFFFF  }
0xb6: {  	_ =	strace $0x90000048  }
0xb7: {  	_ =	sfence  }
0xb8: {  	s30 =	sld [smem:$0x0];
	_ =	sdelay $0x2  }
0xb9: {  	s31 =	sshll.u32 s1, $0xD;
	s1 =	sshrl.u32 s1, $0x2  }
0xba: {  	s3 =	sand.u32 $0x4000, s31;
	s1 =	sadd.s32 s1, s30  }
0xbb: {  	s0 =	sor.u32 s3, s0;
	s1 =	sshll.u32 s1, $0x11  }
0xbc: {  	s0 =	sor.u32 s1, s0  }
0xbd: {  	s0 =	sadd.s32 $0x8F2B, s0  }
0xbe: {  	[sflag:s0] =	ssyncadd.remote.s32 $0x1  }
0xbf: {  	_ =	sfence.sel $0xFFFF  }
0xc0: {  	[dreg:$0x0] =	wrdreg $0xFFFFFFFF;
	(pc) =	sbr.abs _section_cstart, $3  }
0xc1: {  	[dreg:$0x1] =	wrdreg $0xFFFFFFFF  }
0xc2: {  	_ =	task.clear_ibuf [dreg:s7], $0x2FFFF;
	_ =	strace $0x9FFFFFFF  }
0xc3: {  	(tm) =	ssettm $0x7FFFFFFF  }
tec
execute0_lowered:
.L_overlay_start_1:
0x0: {  	(tag) =	ssettag $0x1  }
0x1: {  	s5 =	rddreg [dreg:$0x0];
	s1 =	srdreg.scid  }
0x2: {  	s0 =	stileid.u32;
	s7 =	rddreg [dreg:$0x1]  }
0x3: {  	s2 =	rddreg [dreg:$0x2];
	s3 =	simm.s32 $0x0;
	s14 =	simm.s32 $0x10  }
0x4: {  	s15 =	simm.s32 $0x28;
	s4 =	sand.u32 $0x1, s1;
	s1 =	rddreg [dreg:$0x3]  }
0x5: {  	s16 =	simm.s32 $0x0;
	s29 =	sshll.u32 s0, $0x1;
	[smem:$0x7FF] =	sst s3  }
0x6: {  	s8 =	smul.u32 $0x2780, s0;
	s31 =	sshll.u32 s0, $0x6;
	s6 =	sor.u32 s4, s29  }
0x7: {  	_ =	strace $0x80000047;
	s9 =	ssub.s32 $0x2, s4;
	s10 =	smul.u32 $0x27800, s4  }
0x8: {  	s4 =	sadd.s32 $0x34000, s5;
	s6 =	smul.u32 $0x271, s6;
	s11 =	sshrl.u32 s9, $0x1  }
0x9: {  	s12 =	sadd.s32 s8, s5;
	s13 =	sadd.s32 s8, s2;
	s9 =	ssub.s32 s9, s11  }
0xa: {  	s10 =	sadd.s32 s8, s10;
	s11 =	sor.u32 $0x1C02, s31;
	s6 =	sadd.s32 s6, s5  }
0xb: {  	s30 =	sshrl.u32 s10, $0x3;
	s8 =	smax.u32 s9, $0x1;
	s9 =	simm.s32 $0x2  }
0xc: {  	s10 =	simm.s32 $0x1388;
	s5 =	sadd.s32 $0x7800, s6;
	s6 =	sadd.s32 $0xC800, s12  }
0xd: {  	s7 =	sadd.s32 s7, s30;
	s12 =	sshrl.u32 s13, $0x3;
	s13 =	simm.s32 $0x1  }
.LBB2_1:
0xe: {  	[tilespmem:s3], [sflag:$0x2] =	stream.linear.gather [hbm4b:s5+s3], $0x1388, $0x38;
	[tilespmem:$0x3D88] =	vst v63  }
0xf: {  	_ =	swait.ge [sflag:s9], $0x1388  }
0x10: {  	[sflag:s9] =	ssyncset.done $0x0  }
0x11: {  	[sflag:s9] =	ssyncadd.s32 $0xFFFFEC78  }
0x12: {  	[tilespmem:s10], [sflag:$0x2] =	stream.linear.gather [hbm4b:s4+s3], $0x280, $0x38;
	[tilespmem:$0x3D88] =	vst v63  }
0x13: {  	_ =	swait.ge [sflag:s9], $0x280  }
0x14: {  	[sflag:s9] =	ssyncset.done $0x0  }
0x15: {  	[sflag:s9] =	ssyncadd.s32 $0xFFFFFD80  }
0x16: {  	[spmem:s12@s9], [sflag:s11] =	dma.strided [hbm:s6@s14], $0x4F0, s13, $0x2   }
0x17: {  	_ =	swait.ge [sflag:s9], $0x4F0  }
0x18: {  	[sflag:s9] =	ssyncset.done $0x0  }
0x19: {  	[sflag:s9] =	ssyncadd.s32 $0xFFFFFB10  }
0x1a: {  	s17 =	simm.s32 $0x0;
	[bflag:$0x0] =	sbarrier.arrive $0xFFFF  }
0x1b: {  	[spmem:s2] =	stream.indirect.scatter.add.f32 [tilespmem:s10], [sflag:$0x1], $0x10, s17, s15, $0xb8;
	[tilespmem:$0x3D88] =	vst v63  }
0x1c: {  	s28 =	simm.s32 $0x28  }
0x1d: {  	[spmem:s2] =	stream.indirect.scatter.add.f32 [tilespmem:s10], [sflag:$0x1], $0x10, s28, s15, $0xb8;
	[tilespmem:$0x3D88] =	vst v63  }
0x1e: {  	s29 =	simm.s32 $0x50  }
0x1f: {  	[spmem:s2] =	stream.indirect.scatter.add.f32 [tilespmem:s10], [sflag:$0x1], $0x10, s29, s15, $0xb8;
	[tilespmem:$0x3D88] =	vst v63  }
0x20: {  	s30 =	simm.s32 $0x78  }
0x21: {  	[spmem:s2] =	stream.indirect.scatter.add.f32 [tilespmem:s10], [sflag:$0x1], $0x10, s30, s15, $0xb8;
	[tilespmem:$0x3D88] =	vst v63  }
0x22: {  	s31 =	simm.s32 $0xA0  }
0x23: {  	[spmem:s2] =	stream.indirect.scatter.add.f32 [tilespmem:s10], [sflag:$0x1], $0x10, s31, s15, $0xb8;
	[tilespmem:$0x3D88] =	vst v63  }
0x24: {  	_ =	swait.ge [sflag:s13], $0x280  }
0x25: {  	[sflag:s13] =	ssyncset.done $0x0  }
0x26: {  	[sflag:s13] =	ssyncadd.s32 $0xFFFFFD80  }
0x27: {  	_ =	swait.ge [sflag:s13], $0x280  }
0x28: {  	[sflag:s13] =	ssyncset.done $0x0  }
0x29: {  	[sflag:s13] =	ssyncadd.s32 $0xFFFFFD80  }
0x2a: {  	_ =	swait.ge [sflag:s13], $0x280  }
0x2b: {  	[sflag:s13] =	ssyncset.done $0x0  }
0x2c: {  	[sflag:s13] =	ssyncadd.s32 $0xFFFFFD80  }
0x2d: {  	_ =	swait.ge [sflag:s13], $0x280  }
0x2e: {  	[sflag:s13] =	ssyncset.done $0x0  }
0x2f: {  	[sflag:s13] =	ssyncadd.s32 $0xFFFFFD80  }
0x30: {  	_ =	swait.ge [sflag:s13], $0x280  }
0x31: {  	s18 =	simm.s32 $0x640;
	s17 =	simm.s32 $0x320;
	[sflag:s13] =	ssyncset.done $0x0  }
.LBB2_2:
0x32: {  	s19 =	sshra.s32 s17, $0x2  }
0x33: {  	[sflag:s13] =	ssyncadd.s32 $0xFFFFFD80;
	s17 =	smov.u32 s18;
	s20 =	sadd.s32 $0x320, s18  }
0x34: {  	[spmem:s2] =	stream.indirect.scatter.add.f32 [tilespmem:s10], [sflag:$0x1], $0x10, s19, s15, $0xb8;
	[tilespmem:$0x3D88] =	vst v63  }
0x35: {  	p0 =	sne.s32 s18, $0x4B00;
	s18 =	sadd.s32 $0x28, s19  }
0x36: {  	[spmem:s2] =	stream.indirect.scatter.add.f32 [tilespmem:s10], [sflag:$0x1], $0x10, s18, s15, $0xb8;
	[tilespmem:$0x3D88] =	vst v63  }
0x37: {  	s18 =	sadd.s32 $0x50, s19  }
0x38: {  	[spmem:s2] =	stream.indirect.scatter.add.f32 [tilespmem:s10], [sflag:$0x1], $0x10, s18, s15, $0xb8;
	[tilespmem:$0x3D88] =	vst v63  }
0x39: {  	s18 =	sadd.s32 $0x78, s19  }
0x3a: {  	[spmem:s2] =	stream.indirect.scatter.add.f32 [tilespmem:s10], [sflag:$0x1], $0x10, s18, s15, $0xb8;
	[tilespmem:$0x3D88] =	vst v63  }
0x3b: {  	s18 =	sadd.s32 $0xA0, s19  }
0x3c: {  	[spmem:s2] =	stream.indirect.scatter.add.f32 [tilespmem:s10], [sflag:$0x1], $0x10, s18, s15, $0xb8;
	[tilespmem:$0x3D88] =	vst v63  }
0x3d: {  	_ =	swait.ge [sflag:s13], $0x280  }
0x3e: {  	[sflag:s13] =	ssyncset.done $0x0  }
0x3f: {  	[sflag:s13] =	ssyncadd.s32 $0xFFFFFD80  }
0x40: {  	_ =	swait.ge [sflag:s13], $0x280  }
0x41: {  	[sflag:s13] =	ssyncset.done $0x0  }
0x42: {  	[sflag:s13] =	ssyncadd.s32 $0xFFFFFD80  }
0x43: {  	_ =	swait.ge [sflag:s13], $0x280  }
0x44: {  	[sflag:s13] =	ssyncset.done $0x0  }
0x45: {  	[sflag:s13] =	ssyncadd.s32 $0xFFFFFD80  }
.Ltmp0:
0x46: {  	_ =	swait.ge [sflag:s13], $0x280;
	(pc) =	sbr.rel @p0 .LBB2_2-.Ltmp0, $4  }
0x47: {  	[sflag:s13] =	ssyncset.done $0x0  }
0x48: {  	[sflag:s13] =	ssyncadd.s32 $0xFFFFFD80  }
0x49: {  	_ =	swait.ge [sflag:s13], $0x280  }
0x4a: {  	s18 =	smov.u32 s20;
	[sflag:s13] =	ssyncset.done $0x0  }
0x4b: {  	s17 =	sshra.s32 s17, $0x2;
	[sflag:s13] =	ssyncadd.s32 $0xFFFFFD80  }
0x4c: {  	[spmem:s2] =	stream.indirect.scatter.add.f32 [tilespmem:s10], [sflag:$0x1], $0x10, s17, s15, $0xb8;
	[tilespmem:$0x3D88] =	vst v63  }
0x4d: {  	s18 =	sadd.s32 $0x28, s17  }
0x4e: {  	[spmem:s2] =	stream.indirect.scatter.add.f32 [tilespmem:s10], [sflag:$0x1], $0x10, s18, s15, $0xb8;
	[tilespmem:$0x3D88] =	vst v63  }
0x4f: {  	s30 =	sadd.s32 $0x50, s17  }
0x50: {  	[spmem:s2] =	stream.indirect.scatter.add.f32 [tilespmem:s10], [sflag:$0x1], $0x10, s30, s15, $0xb8;
	[tilespmem:$0x3D88] =	vst v63  }
0x51: {  	s31 =	sadd.s32 $0x78, s17  }
0x52: {  	[spmem:s2] =	stream.indirect.scatter.add.f32 [tilespmem:s10], [sflag:$0x1], $0x10, s31, s15, $0xb8;
	[tilespmem:$0x3D88] =	vst v63  }
0x53: {  	s17 =	sadd.s32 $0xA0, s17  }
0x54: {  	[spmem:s2] =	stream.indirect.scatter.add.f32 [tilespmem:s10], [sflag:$0x1], $0x10, s17, s15, $0xb8;
	[tilespmem:$0x3D88] =	vst v63  }
0x55: {  	_ =	swait.ge [sflag:s13], $0x280  }
0x56: {  	[sflag:s13] =	ssyncset.done $0x0  }
0x57: {  	[sflag:s13] =	ssyncadd.s32 $0xFFFFFD80  }
0x58: {  	_ =	swait.ge [sflag:s13], $0x280  }
0x59: {  	[sflag:s13] =	ssyncset.done $0x0  }
0x5a: {  	[sflag:s13] =	ssyncadd.s32 $0xFFFFFD80  }
0x5b: {  	_ =	swait.ge [sflag:s13], $0x280  }
0x5c: {  	[sflag:s13] =	ssyncset.done $0x0  }
0x5d: {  	[sflag:s13] =	ssyncadd.s32 $0xFFFFFD80  }
0x5e: {  	_ =	swait.ge [sflag:s13], $0x280  }
0x5f: {  	[sflag:s13] =	ssyncset.done $0x0  }
0x60: {  	[sflag:s13] =	ssyncadd.s32 $0xFFFFFD80  }
0x61: {  	_ =	swait.ge [sflag:s13], $0x280  }
0x62: {  	s16 =	sadd.s32 $0x1, s16;
	[sflag:s13] =	ssyncset.done $0x0  }
0x63: {  	p0 =	sne.s32 s16, s8;
	[sflag:s13] =	ssyncadd.s32 $0xFFFFFD80  }
.Ltmp1:
0x64: {  	[bflag:$0x0] =	sbarrier.arrive $0xFFFF;
	(pc) =	sbr.rel @p0 .LBB2_1-.Ltmp1, $4  }
0x65: {  	[hbm:s7], [sflag:s11] =	dma.local [spmem:s12], $0x4F0  }
0x66: {  	_ =	swait.ge [sflag:s9], $0x4F0  }
0x67: {  	[sflag:s9] =	ssyncset.done $0x0  }
0x68: {  	[sflag:s9] =	ssyncadd.s32 $0xFFFFFB10  }
0x69: {  	_ =	sfence.sel $0x180000  }
0x6a: {  	[bflag:$0x0] =	sbarrier.arrive $0xFFFF  }
0x6b: {  	p0 =	sne.s32 s0, $0x0;
	_ =	strace $0x90000047  }
0x6c: {  	s0 =	sadd.s32 @!p0 $0x100000, s1;
	[bflag:$0x2] =	sbarrier.arrive $0xFFFF  }
0x6d: {  	[sflag:s0] =	ssyncadd.tile.s32 @!p0 $0x1;
	_ =	shalt  }
.Lfunc_end2:
_tile_overlayer_lowered:
.L_overlay_start_2:
0x6e: {  	(tag) =	ssettag $0x2  }
0x6f: {  	s0 =	rddreg [dreg:$0x0];
	s2 =	stileid.u32  }
0x70: {  	s1 =	rddreg [dreg:$0x1];
	p0 =	sne.s32 s2, $0x0  }
0x71: {  	s3 =	rddreg [dreg:$0x2];
	[bflag:$0x3] =	sbarrier.arrive $0xFFFF;
	s2 =	simm.s32 @!p0 $0x1C02  }
0x72: {  	[timem:s3], [sflag:s2] =	dma.local @!p0 [hbm:s0], s1  }
0x73: {  	s0 =	simm.s32 @!p0 $0x2  }
0x74: {  	_ =	swait.ge @!p0 [sflag:s0], s1  }
0x75: {  	s1 =	ssub.s32 @!p0 $0x0, s1;
	[sflag:s0] =	ssyncset.done @!p0 $0x0  }
0x76: {  	[sflag:s0] =	ssyncadd.s32 @!p0 s1  }
0x77: {  	[bflag:$0x3] =	sbarrier.arrive $0xFFFF  }
0x78: {  	_ =	shalt  }

// kernel: kernel.13.cloned.1.call-start
scs
__scs_entry_jumppad:
0x0: {  	(pc) =	sbr.rel $0x88, $3  }
0x1: {  	(tag) =	ssettag $0x0;
	lr =	simm.s32 $0x1  }
0x2: {  	[smem:$0x3F99] =	sst lr;
	_ =	strace $0xD0000000  }
0x3: {  	_ = 	snop  }
0x4: {  	_ = 	snop  }
0x5: {  	_ = 	snop  }
0x6: {  	_ = 	snop  }
0x7: {  	_ = 	snop  }
__scs_overlays_trampoline_lowered:
0x8: {  	[smem:$0x3FA8] =	sst s0  }
0x9: {  	[smem:$0x3FA9] =	sst s1  }
0xa: {  	[smem:$0x3FAA] =	sst s2  }
0xb: {  	[smem:$0x3FAB] =	sst s3  }
0xc: {  	[smem:$0x3FAC] =	sst s4  }
0xd: {  	[smem:$0x3FAD] =	sst s5  }
0xe: {  	[smem:$0x3FAE] =	sst s6  }
0xf: {  	[smem:$0x3FAF] =	sst s7  }
0x10: {  	[smem:$0x3FB0] =	sst s8  }
0x11: {  	[smem:$0x3FB1] =	sst s9;
	s0 =	simm.s32 @!p0 $0x0  }
0x12: {  	s1 =	sld [smem:$0x3F97];
	s0 =	simm.s32 @p0 $0x1  }
0x13: {  	[smem:$0x3FB2] =	sst s0;
	s0 =	simm.s32 @!p1 $0x0  }
0x14: {  	s2 =	sld [smem:$0x3F96];
	s0 =	simm.s32 @p1 $0x1  }
0x15: {  	[smem:$0x3FB3] =	sst s0;
	s0 =	simm.s32 @!p2 $0x0  }
0x16: {  	s3 =	sld [smem:$0x3FDB];
	s0 =	simm.s32 @p2 $0x1  }
0x17: {  	s4 =	simm.s32 $0x1BF5;
	[smem:$0x3FB5] =	sst s0  }
0x18: {  	s0 =	sld [smem:$0x3F98];
	_ =	swait.ge [sflag:s4], $0x0  }
0x19: {  	s7 =	sld [smem:$0x3F99]  }
0x1a: {  	s8 =	sadd.s32 $0xFFFFE003, lr  }
0x1b: {  	s9 =	sadd.s32 $0xFFFFFEF7, lr;
	s5 =	simm.s32 $0xFFFFFFFF;
	p2 =	slt.u32 s8, $0xFFFFF086  }
0x1c: {  	p1 =	slt.u32 s9, $0xF7A;
	s5 =	simm.s32 @!p2 $0x0  }
0x1d: {  	s5 =	simm.s32 @p1 $0x1;
	p0 =	seq.s32 s7, s2  }
0x1e: {  	s7 =	smul.u32 @!p0 $0xF7A, s2;
	p2 =	seq.s32 @!p0 s5, $0x0  }
0x1f: {  	s9 =	smul.u32 $0xF7A, s1;
	s8 =	simm.s32 @!p0 $0x1BF5;
	p2 =	por !p2, p0  }
0x20: {  	[sflag:s8] =	ssyncset.s32 @!p0 $0xFFFFF086;
	s6 =	sadd.s32 @!p0 s3, s7;
	s7 =	simm.s32 @!p0 $0x108  }
0x21: {  	s3 =	sadd.s32 s3, s9;
	s6 =	sadd.s32 @!p0 $0x88, s6;
	s7 =	simm.s32 @p2 $0x1082  }
0x22: {  	[simem:s7], [sflag:s8] =	dma.local @!p0 [hbm:s6], $0xF7A  }
0x23: {  	s9 =	sor.u32 $0xD0000000, s2;
	s6 =	simm.s32 $0x108;
	_ =	swait.ge @!p0 [sflag:s8], $0x0  }
0x24: {  	s3 =	sadd.s32 $0x88, s3;
	s6 =	simm.s32 @!p1 $0x1082;
	[sflag:s4] =	ssyncset.s32 $0xFFFFF086  }
0x25: {  	[simem:s6], [sflag:s4] =	dma.local [hbm:s3], $0xF7A  }
0x26: {  	[smem:$0x3F99] =	sst s1;
	(tag) =	ssettag s2;
	_ =	strace s9  }
0x27: {  	s1 =	sld [smem:$0x3FA9]  }
0x28: {  	s2 =	sld [smem:$0x3FAA]  }
0x29: {  	s4 =	sld [smem:$0x3FAC]  }
0x2a: {  	p0 =	seq.s32 s5, $0x0;
	s5 =	sld [smem:$0x3FAD]  }
0x2b: {  	s6 =	sld [smem:$0x3FAE]  }
0x2c: {  	s7 =	sld [smem:$0x3FAF]  }
0x2d: {  	s3 =	simm.s32 $0x108;
	s8 =	sld [smem:$0x3FB0]  }
0x2e: {  	s3 =	simm.s32 @!p0 $0x1082;
	s9 =	sld [smem:$0x3FB1]  }
0x2f: {  	lr =	sadd.s32 s0, s3;
	s0 =	sld [smem:$0x3FA8]  }
0x30: {  	s3 =	sld [smem:$0x3FAB]  }
0x31: {  	[smem:$0x3FB4] =	sst s10  }
0x32: {  	s10 =	sld [smem:$0x3FB2];
	_ =	sdelay $0x3  }
0x33: {  	p0 =	seq.s32 s10, $0x1;
	s10 =	sld [smem:$0x3FB4];
	_ =	sdelay $0x3  }
0x34: {  	[smem:$0x3FB4] =	sst s10  }
0x35: {  	s10 =	sld [smem:$0x3FB3];
	_ =	sdelay $0x3  }
0x36: {  	p1 =	seq.s32 s10, $0x1;
	s10 =	sld [smem:$0x3FB4];
	_ =	sdelay $0x3  }
0x37: {  	[smem:$0x3FB4] =	sst s10  }
0x38: {  	s10 =	sld [smem:$0x3FB5]  }
0x39: {  	_ = 	snop;
	(pc) =	sbr.ind lr, $3  }
0x3a: {  	_ = 	snop  }
0x3b: {  	_ = 	snop  }
0x3c: {  	p2 =	seq.s32 s10, $0x1;
	s10 =	sld [smem:$0x3FB4]  }
0x3d: {  	_ =	shalt  }
0x3e: {  	_ =	shalt  }
0x3f: {  	_ =	shalt  }
0x40: {  	_ =	shalt  }
0x41: {  	_ =	shalt  }
0x42: {  	_ =	shalt  }
0x43: {  	_ =	shalt  }
0x44: {  	_ =	shalt  }
0x45: {  	_ =	shalt  }
0x46: {  	_ =	shalt  }
0x47: {  	_ =	shalt  }
0x48: {  	_ =	shalt  }
0x49: {  	_ =	shalt  }
0x4a: {  	_ =	shalt  }
0x4b: {  	_ =	shalt  }
0x4c: {  	_ =	shalt  }
0x4d: {  	_ =	shalt  }
0x4e: {  	_ =	shalt  }
0x4f: {  	_ =	shalt  }
0x50: {  	_ =	shalt  }
0x51: {  	_ =	shalt  }
0x52: {  	_ =	shalt  }
0x53: {  	_ =	shalt  }
0x54: {  	_ =	shalt  }
0x55: {  	_ =	shalt  }
0x56: {  	_ =	shalt  }
0x57: {  	_ =	shalt  }
0x58: {  	_ =	shalt  }
0x59: {  	_ =	shalt  }
0x5a: {  	_ =	shalt  }
0x5b: {  	_ =	shalt  }
0x5c: {  	_ =	shalt  }
0x5d: {  	_ =	shalt  }
0x5e: {  	_ =	shalt  }
0x5f: {  	_ =	shalt  }
0x60: {  	_ =	shalt  }
0x61: {  	_ =	shalt  }
0x62: {  	_ =	shalt  }
0x63: {  	_ =	shalt  }
0x64: {  	_ =	shalt  }
0x65: {  	_ =	shalt  }
0x66: {  	_ =	shalt  }
0x67: {  	_ =	shalt  }
0x68: {  	_ =	shalt  }
0x69: {  	_ =	shalt  }
0x6a: {  	_ =	shalt  }
0x6b: {  	_ =	shalt  }
0x6c: {  	_ =	shalt  }
0x6d: {  	_ =	shalt  }
0x6e: {  	_ =	shalt  }
0x6f: {  	_ =	shalt  }
0x70: {  	_ =	shalt  }
0x71: {  	_ =	shalt  }
0x72: {  	_ =	shalt  }
0x73: {  	_ =	shalt  }
0x74: {  	_ =	shalt  }
0x75: {  	_ =	shalt  }
0x76: {  	_ =	shalt  }
0x77: {  	_ =	shalt  }
0x78: {  	_ =	shalt  }
0x79: {  	_ =	shalt  }
0x7a: {  	_ =	shalt  }
0x7b: {  	_ =	shalt  }
0x7c: {  	_ =	shalt  }
0x7d: {  	_ =	shalt  }
0x7e: {  	_ =	shalt  }
0x7f: {  	_ =	shalt  }
0x80: {  	_ =	shalt  }
0x81: {  	_ =	shalt  }
0x82: {  	_ =	shalt  }
0x83: {  	_ =	shalt  }
0x84: {  	_ =	shalt  }
0x85: {  	_ =	shalt  }
0x86: {  	_ =	shalt  }
0x87: {  	_ =	shalt  }
.Lfunc_end0:
.L_simem_size_0:
called_computation.1_lowered:
.L_overlay_start_0:
0x88: {  	s2 =	sld [smem:$0x3FD9]  }
0x89: {  	s3 =	sld [smem:$0x3FFE];
	_ =	sdelay $0x1  }
0x8a: {  	s1 =	srdreg.scid  }
0x8b: {  	s0 =	sand.u32 $0x1, s1  }
0x8c: {  	s16 =	sshll.u32 s0, $0xA;
	s2 =	sadd.s32 s3, s2  }
0x8d: {  	s2 =	sadd.s32 s2, s16  }
0x8e: {  	[smem:$0x3FC0] =	sst s2  }
0x8f: {  	_ = 	snop  }
0x90: {  	(tm) =	ssettm $0x1  }
0x91: {  	s17 =	sld [smem:$0x3FFB];
	_ =	sdelay $0x3  }
0x92: {  	_ =	strace s17  }
0x93: {  	s2 =	sld [smem:$0x3FFC];
	_ =	sdelay $0x3  }
0x94: {  	_ =	strace s2  }
0x95: {  	s2 =	sld [smem:$0x3FFD];
	_ =	sdelay $0x3  }
0x96: {  	_ =	strace s2  }
0x97: {  	_ =	strace $0x8FFFFFFF  }
0x98: {  	s18 =	sld [smem:$0x3FDB];
	_ =	sdelay $0x1  }
0x99: {  	s19 =	simm.s32 $_scs_section_size  }
0x9a: {  	s4 =	simm.s32 $_size__tile_overlayer_lowered;
	s5 =	simm.s32 $_tile_overlayer_lowered  }
0x9b: {  	s22 =	simm.s32 $0x1BFF;
	s21 =	sshll.u32 s5, $0x1;
	s2 =	sadd.s32 s19, s18  }
0x9c: {  	s6 =	simm.s32 $0x0;
	s20 =	sshll.u32 s4, $0x1;
	s4 =	sadd.s32 s21, s2  }
0x9d: {  	[timem:s6], [sflag:s22] =	dma.local [hbm:s4], s20  }
0x9e: {  	_ =	swait.ge [sflag:s22], s20  }
0x9f: {  	s3 =	ssub.s32 $0x0, s20;
	[sflag:s22] =	ssyncset.done $0x0  }
0xa0: {  	[sflag:s22] =	ssyncadd.s32 s3;
	_ =	sdelay $0x1  }
0xa1: {  	s23 =	simm.s32 $0x1B8B  }
0xa2: {  	_ =	swait.ge [sflag:s23], $0x1  }
0xa3: {  	[sflag:s23] =	ssyncset.done $0x0  }
0xa4: {  	s25 =	simm.s32 $0x1B8E;
	s24 =	sld [smem:$0x3FFE];
	[sflag:s23] =	ssyncadd.s32 $0xFFFFFFFF  }
0xa5: {  	s26 =	simm.s32 $execute0_lowered;
	[smem:$0x3FD2] =	sst s25  }
0xa6: {  	s4 =	sshll.u32 s26, $0x1;
	_ =	strace $0x80000049;
	[dreg:$0x1] =	wrdreg $0xFFFFFFFF  }
0xa7: {  	s28 =	simm.s32 $_size_execute0_lowered;
	s2 =	sadd.s32 s2, s4;
	[dreg:$0x0] =	wrdreg $0x0  }
0xa8: {  	s4 =	sshll.u32 s28, $0x1;
	[dreg:$0x2] =	wrdreg s2  }
0xa9: {  	[dreg:$0x3] =	wrdreg s4  }
0xaa: {  	[dreg:$0x4] =	wrdreg $0xC0  }
0xab: {  	_ =	task [dreg:s6], $0x5FFFF  }
0xac: {  	[dreg:$0x1] =	wrdreg $0xFFFFFFFF  }
0xad: {  	[dreg:$0x0] =	wrdreg $0x60  }
0xae: {  	[dreg:$0x2] =	wrdreg s24  }
0xaf: {  	[dreg:$0x3] =	wrdreg $0xB2200  }
0xb0: {  	[dreg:$0x4] =	wrdreg $0x9  }
0xb1: {  	_ =	task.clear_ibuf [dreg:s6], $0x5FFFF;
	_ =	strace $0x90000049  }
0xb2: {  	s29 =	simm.s32 $0x9;
	_ =	strace $0x8000004B  }
0xb3: {  	_ =	swait.ge [sflag:s29], $0x1  }
0xb4: {  	[sflag:s29] =	ssyncadd.s32 $0xFFFFFFFF  }
0xb5: {  	_ =	strace $0x9000004B  }
0xb6: {  	_ =	sfence  }
0xb7: {  	s30 =	sld [smem:$0x0];
	_ =	sdelay $0x2  }
0xb8: {  	s31 =	sshll.u32 s1, $0xD;
	s1 =	sshrl.u32 s1, $0x2  }
0xb9: {  	s3 =	sand.u32 $0x4000, s31;
	s1 =	sadd.s32 s1, s30  }
0xba: {  	s0 =	sor.u32 s3, s0;
	s1 =	sshll.u32 s1, $0x11  }
0xbb: {  	s0 =	sor.u32 s1, s0  }
0xbc: {  	s0 =	sadd.s32 $0x8F2B, s0  }
0xbd: {  	[sflag:s0] =	ssyncadd.remote.s32 $0x1  }
0xbe: {  	_ =	sfence.sel $0xFFFF  }
0xbf: {  	[dreg:$0x0] =	wrdreg $0xFFFFFFFF;
	(pc) =	sbr.abs _section_cstart, $3  }
0xc0: {  	[dreg:$0x1] =	wrdreg $0xFFFFFFFF  }
0xc1: {  	_ =	task.clear_ibuf [dreg:s6], $0x2FFFF;
	_ =	strace $0x9FFFFFFF  }
0xc2: {  	(tm) =	ssettm $0x7FFFFFFF  }
0xc3: {  	_ =	shalt  }
tec
execute0_lowered:
.L_overlay_start_1:
0x0: {  	(tag) =	ssettag $0x1  }
0x1: {  	s0 =	srdreg.scid;
	s1 =	rddreg [dreg:$0x0]  }
0x2: {  	s15 =	stileid.u32;
	s2 =	rddreg [dreg:$0x1];
	s3 =	simm.s32 $0x0  }
0x3: {  	s10 =	simm.s32 $0x6;
	s12 =	simm.s32 $0x28;
	s13 =	simm.s32 $0x4E20  }
0x4: {  	s14 =	simm.s32 $0x6220;
	s16 =	simm.s32 $0x7620;
	s18 =	simm.s32 $0x8A20  }
0x5: {  	s20 =	simm.s32 $0x9E20;
	s28 =	simm.s32 $0x5;
	s5 =	smul.u32 $0x4E2, s15  }
0x6: {  	s29 =	simm.s32 $0x4D58;
	s0 =	sand.u32 $0x1, s0;
	s7 =	smul.u32 $0x13C00, s15  }
0x7: {  	s30 =	simm.s32 $0x4D80;
	s31 =	simm.s32 $0x4DA8;
	s4 =	smul.u32 $0x27100, s0  }
0x8: {  	[smem:$0x7FF] =	sst s3;
	s26 =	sshll.u32 s15, $0x6;
	s6 =	smul.u32 $0x13C000, s0  }
0x9: {  	_ =	strace $0x8000004A;
	s0 =	ssub.s32 $0x2, s0;
	s21 =	sor.u32 $0x1C06, s26  }
0xa: {  	s26 =	simm.s32 $0x4;
	s5 =	sadd.s32 s5, s1;
	s24 =	sshrl.u32 s7, $0x3  }
0xb: {  	s25 =	sshrl.u32 s0, $0x1;
	s11 =	sadd.s32 s7, s2;
	s8 =	sadd.s32 s4, s1  }
0xc: {  	s23 =	sadd.s32 s7, s6;
	s9 =	sadd.s32 s24, s1;
	s0 =	ssub.s32 s0, s25  }
0xd: {  	s22 =	sshrl.u32 s11, $0x3;
	s24 =	simm.s32 $0x2;
	s25 =	simm.s32 $0x3  }
0xe: {  	s11 =	simm.s32 $0x0;
	s4 =	sshrl.u32 s23, $0x3;
	s6 =	sadd.s32 $0x83000, s8  }
0xf: {  	s7 =	sadd.s32 $0xC800, s9;
	s9 =	smax.u32 s0, $0x1;
	s23 =	simm.s32 $0x1  }
0x10: {  	s0 =	simm.s32 $0x4DF8;
	s1 =	sadd.s32 s4, s1;
	s4 =	sadd.s32 $0x2800, s5  }
0x11: {  	s5 =	sadd.s32 $0x7800, s5;
	s8 =	sadd.s32 $0xD1200, s1;
	s1 =	simm.s32 $0x4DD0  }
.LBB2_1:
0x12: {  	[tilespmem:s3], [sflag:$0x6] =	stream.linear.gather [hbm4b:s4+s3], $0x2710, $0x38;
	[tilespmem:$0x1EE20] =	vst v63  }
0x13: {  	_ =	swait.ge [sflag:s10], $0x2710  }
0x14: {  	[sflag:s10] =	ssyncset.done $0x0  }
0x15: {  	s15 =	simm.s32 $0x2710;
	[sflag:s10] =	ssyncadd.s32 $0xFFFFD8F0  }
0x16: {  	[tilespmem:s15], [sflag:$0x6] =	stream.linear.gather [hbm4b:s5+s3], $0x2710, $0x38;
	[tilespmem:$0x1EE20] =	vst v63  }
0x17: {  	_ =	swait.ge [sflag:s10], $0x2710  }
0x18: {  	[sflag:s10] =	ssyncset.done $0x0  }
0x19: {  	[sflag:s10] =	ssyncadd.s32 $0xFFFFD8F0  }
0x1a: {  	[tilespmem:s13], [sflag:$0x1] =	stream.indirect.gather [hbm4b:s6+s12], $0x80, s3, s12, $0xb8;
	[tilespmem:$0x1EE20] =	vst v63  }
0x1b: {  	_ = 	snop  }
0x1c: {  	[tilespmem:s14], [sflag:$0x2] =	stream.indirect.gather [hbm4b:s6+s12], $0x80, s12, s12, $0xb8;
	[tilespmem:$0x1EE20] =	vst v63  }
0x1d: {  	s17 =	simm.s32 $0x50  }
0x1e: {  	[tilespmem:s16], [sflag:$0x3] =	stream.indirect.gather [hbm4b:s6+s12], $0x80, s17, s12, $0xb8;
	[tilespmem:$0x1EE20] =	vst v63  }
0x1f: {  	s19 =	simm.s32 $0x78  }
0x20: {  	[tilespmem:s18], [sflag:$0x4] =	stream.indirect.gather [hbm4b:s6+s12], $0x80, s19, s12, $0xb8;
	[tilespmem:$0x1EE20] =	vst v63  }
0x21: {  	s17 =	simm.s32 $0xA0  }
0x22: {  	[tilespmem:s20], [sflag:$0x5] =	stream.indirect.gather [hbm4b:s6+s12], $0x80, s17, s12, $0xb8;
	[tilespmem:$0x1EE20] =	vst v63  }
0x23: {  	[spmem:s22], [sflag:s21] =	dma.local [hbm:s7], $0x2780  }
0x24: {  	_ =	swait.ge [sflag:s10], $0x2780  }
0x25: {  	[sflag:s10] =	ssyncset.done $0x0  }
0x26: {  	[sflag:s10] =	ssyncadd.s32 $0xFFFFD880  }
0x27: {  	[bflag:$0x0] =	sbarrier.arrive $0xFFFF  }
0x28: {  	_ =	swait.ge [sflag:s23], $0x1400  }
0x29: {  	[sflag:s23] =	ssyncset.done $0x0  }
0x2a: {  	s19 =	simm.s32 $0x2710;
	[sflag:s23] =	ssyncadd.s32 $0xFFFFEC00  }
0x2b: {  	[spmem:s2] =	stream.indirect.scatter.add.f32 [tilespmem:s13], [sflag:$0x6], $0x80, s19, s12, $0xb8;
	[tilespmem:$0x1EE20] =	vst v63  }
0x2c: {  	_ =	swait.ge [sflag:s10], $0x1400  }
0x2d: {  	[sflag:s10] =	ssyncset.done $0x0  }
0x2e: {  	s17 =	simm.s32 $0xC8;
	[sflag:s10] =	ssyncadd.s32 $0xFFFFEC00  }
0x2f: {  	[tilespmem:s13], [sflag:$0x1] =	stream.indirect.gather [hbm4b:s6+s12], $0x80, s17, s12, $0xb8;
	[tilespmem:$0x1EE20] =	vst v63  }
0x30: {  	_ =	swait.ge [sflag:s24], $0x1400  }
0x31: {  	[sflag:s24] =	ssyncset.done $0x0  }
0x32: {  	s19 =	simm.s32 $0x2738;
	[sflag:s24] =	ssyncadd.s32 $0xFFFFEC00  }
0x33: {  	[spmem:s2] =	stream.indirect.scatter.add.f32 [tilespmem:s14], [sflag:$0x6], $0x80, s19, s12, $0xb8;
	[tilespmem:$0x1EE20] =	vst v63  }
0x34: {  	_ =	swait.ge [sflag:s10], $0x1400  }
0x35: {  	[sflag:s10] =	ssyncset.done $0x0  }
0x36: {  	s17 =	simm.s32 $0xF0;
	[sflag:s10] =	ssyncadd.s32 $0xFFFFEC00  }
0x37: {  	[tilespmem:s14], [sflag:$0x2] =	stream.indirect.gather [hbm4b:s6+s12], $0x80, s17, s12, $0xb8;
	[tilespmem:$0x1EE20] =	vst v63  }
0x38: {  	_ =	swait.ge [sflag:s25], $0x1400  }
0x39: {  	[sflag:s25] =	ssyncset.done $0x0  }
0x3a: {  	s19 =	simm.s32 $0x2760;
	[sflag:s25] =	ssyncadd.s32 $0xFFFFEC00  }
0x3b: {  	[spmem:s2] =	stream.indirect.scatter.add.f32 [tilespmem:s16], [sflag:$0x6], $0x80, s19, s12, $0xb8;
	[tilespmem:$0x1EE20] =	vst v63  }
0x3c: {  	_ =	swait.ge [sflag:s10], $0x1400  }
0x3d: {  	[sflag:s10] =	ssyncset.done $0x0  }
0x3e: {  	s17 =	simm.s32 $0x118;
	[sflag:s10] =	ssyncadd.s32 $0xFFFFEC00  }
0x3f: {  	[tilespmem:s16], [sflag:$0x3] =	stream.indirect.gather [hbm4b:s6+s12], $0x80, s17, s12, $0xb8;
	[tilespmem:$0x1EE20] =	vst v63  }
0x40: {  	_ =	swait.ge [sflag:s26], $0x1400  }
0x41: {  	[sflag:s26] =	ssyncset.done $0x0  }
0x42: {  	s19 =	simm.s32 $0x2788;
	[sflag:s26] =	ssyncadd.s32 $0xFFFFEC00  }
0x43: {  	[spmem:s2] =	stream.indirect.scatter.add.f32 [tilespmem:s18], [sflag:$0x6], $0x80, s19, s12, $0xb8;
	[tilespmem:$0x1EE20] =	vst v63  }
0x44: {  	_ =	swait.ge [sflag:s10], $0x1400  }
0x45: {  	[sflag:s10] =	ssyncset.done $0x0  }
0x46: {  	s17 =	simm.s32 $0x140;
	[sflag:s10] =	ssyncadd.s32 $0xFFFFEC00  }
0x47: {  	[tilespmem:s18], [sflag:$0x4] =	stream.indirect.gather [hbm4b:s6+s12], $0x80, s17, s12, $0xb8;
	[tilespmem:$0x1EE20] =	vst v63  }
0x48: {  	_ =	swait.ge [sflag:s28], $0x1400  }
0x49: {  	[sflag:s28] =	ssyncset.done $0x0  }
0x4a: {  	s19 =	simm.s32 $0x27B0;
	[sflag:s28] =	ssyncadd.s32 $0xFFFFEC00  }
0x4b: {  	[spmem:s2] =	stream.indirect.scatter.add.f32 [tilespmem:s20], [sflag:$0x6], $0x80, s19, s12, $0xb8;
	[tilespmem:$0x1EE20] =	vst v63  }
0x4c: {  	_ =	swait.ge [sflag:s10], $0x1400  }
0x4d: {  	[sflag:s10] =	ssyncset.done $0x0  }
0x4e: {  	s15 =	simm.s32 $0x320;
	s17 =	simm.s32 $0x168;
	[sflag:s10] =	ssyncadd.s32 $0xFFFFEC00  }
.LBB2_2:
0x4f: {  	[tilespmem:s20], [sflag:$0x5] =	stream.indirect.gather [hbm4b:s6+s12], $0x80, s17, s12, $0xb8;
	[tilespmem:$0x1EE20] =	vst v63  }
0x50: {  	s17 =	smov.u32 s15  }
0x51: {  	p0 =	sne.s32 s15, $0x9600;
	s15 =	sadd.s32 $0x320, s15;
	_ =	swait.ge [sflag:s23], $0x1400  }
0x52: {  	s17 =	sshra.s32 s17, $0x2;
	[sflag:s23] =	ssyncset.done $0x0  }
0x53: {  	s19 =	sadd.s32 $0x2710, s17;
	[sflag:s23] =	ssyncadd.s32 $0xFFFFEC00  }
0x54: {  	[spmem:s2] =	stream.indirect.scatter.add.f32 [tilespmem:s13], [sflag:$0x6], $0x80, s19, s12, $0xb8;
	[tilespmem:$0x1EE20] =	vst v63  }
0x55: {  	_ =	swait.ge [sflag:s10], $0x1400  }
0x56: {  	[sflag:s10] =	ssyncset.done $0x0  }
0x57: {  	s19 =	sadd.s32 $0xC8, s17;
	[sflag:s10] =	ssyncadd.s32 $0xFFFFEC00  }
0x58: {  	[tilespmem:s13], [sflag:$0x1] =	stream.indirect.gather [hbm4b:s6+s12], $0x80, s19, s12, $0xb8;
	[tilespmem:$0x1EE20] =	vst v63  }
0x59: {  	_ =	swait.ge [sflag:s24], $0x1400  }
0x5a: {  	[sflag:s24] =	ssyncset.done $0x0  }
0x5b: {  	s19 =	sadd.s32 $0x2738, s17;
	[sflag:s24] =	ssyncadd.s32 $0xFFFFEC00  }
0x5c: {  	[spmem:s2] =	stream.indirect.scatter.add.f32 [tilespmem:s14], [sflag:$0x6], $0x80, s19, s12, $0xb8;
	[tilespmem:$0x1EE20] =	vst v63  }
0x5d: {  	_ =	swait.ge [sflag:s10], $0x1400  }
0x5e: {  	[sflag:s10] =	ssyncset.done $0x0  }
0x5f: {  	s19 =	sadd.s32 $0xF0, s17;
	[sflag:s10] =	ssyncadd.s32 $0xFFFFEC00  }
0x60: {  	[tilespmem:s14], [sflag:$0x2] =	stream.indirect.gather [hbm4b:s6+s12], $0x80, s19, s12, $0xb8;
	[tilespmem:$0x1EE20] =	vst v63  }
0x61: {  	_ =	swait.ge [sflag:s25], $0x1400  }
0x62: {  	[sflag:s25] =	ssyncset.done $0x0  }
0x63: {  	s19 =	sadd.s32 $0x2760, s17;
	[sflag:s25] =	ssyncadd.s32 $0xFFFFEC00  }
0x64: {  	[spmem:s2] =	stream.indirect.scatter.add.f32 [tilespmem:s16], [sflag:$0x6], $0x80, s19, s12, $0xb8;
	[tilespmem:$0x1EE20] =	vst v63  }
0x65: {  	_ =	swait.ge [sflag:s10], $0x1400  }
0x66: {  	[sflag:s10] =	ssyncset.done $0x0  }
0x67: {  	s19 =	sadd.s32 $0x118, s17;
	[sflag:s10] =	ssyncadd.s32 $0xFFFFEC00  }
0x68: {  	[tilespmem:s16], [sflag:$0x3] =	stream.indirect.gather [hbm4b:s6+s12], $0x80, s19, s12, $0xb8;
	[tilespmem:$0x1EE20] =	vst v63  }
0x69: {  	_ =	swait.ge [sflag:s26], $0x1400  }
0x6a: {  	[sflag:s26] =	ssyncset.done $0x0  }
0x6b: {  	s19 =	sadd.s32 $0x2788, s17;
	[sflag:s26] =	ssyncadd.s32 $0xFFFFEC00  }
0x6c: {  	[spmem:s2] =	stream.indirect.scatter.add.f32 [tilespmem:s18], [sflag:$0x6], $0x80, s19, s12, $0xb8;
	[tilespmem:$0x1EE20] =	vst v63  }
0x6d: {  	_ =	swait.ge [sflag:s10], $0x1400  }
0x6e: {  	[sflag:s10] =	ssyncset.done $0x0  }
0x6f: {  	s19 =	sadd.s32 $0x140, s17;
	[sflag:s10] =	ssyncadd.s32 $0xFFFFEC00  }
0x70: {  	[tilespmem:s18], [sflag:$0x4] =	stream.indirect.gather [hbm4b:s6+s12], $0x80, s19, s12, $0xb8;
	[tilespmem:$0x1EE20] =	vst v63  }
0x71: {  	_ =	swait.ge [sflag:s28], $0x1400  }
0x72: {  	[sflag:s28] =	ssyncset.done $0x0  }
.Ltmp0:
0x73: {  	s19 =	sadd.s32 $0x27B0, s17;
	[sflag:s28] =	ssyncadd.s32 $0xFFFFEC00;
	(pc) =	sbr.rel @p0 .LBB2_2-.Ltmp0, $4  }
0x74: {  	[spmem:s2] =	stream.indirect.scatter.add.f32 [tilespmem:s20], [sflag:$0x6], $0x80, s19, s12, $0xb8;
	[tilespmem:$0x1EE20] =	vst v63  }
0x75: {  	_ =	swait.ge [sflag:s10], $0x1400  }
0x76: {  	[sflag:s10] =	ssyncset.done $0x0  }
0x77: {  	s17 =	sadd.s32 $0x168, s17;
	[sflag:s10] =	ssyncadd.s32 $0xFFFFEC00  }
0x78: {  	[tilespmem:s20], [sflag:$0x5] =	stream.indirect.gather [hbm4b:s6+s12], $0x80, s17, s12, $0xb8;
	[tilespmem:$0x1EE20] =	vst v63  }
0x79: {  	_ =	swait.ge [sflag:s23], $0x1400  }
0x7a: {  	[sflag:s23] =	ssyncset.done $0x0  }
0x7b: {  	[sflag:s23] =	ssyncadd.s32 $0xFFFFEC00  }
0x7c: {  	[spmem:s2] =	stream.indirect.scatter.add.f32 [tilespmem:s13], [sflag:$0x6], $0x80, s29, s12, $0xb8;
	[tilespmem:$0x1EE20] =	vst v63  }
0x7d: {  	_ =	swait.ge [sflag:s10], $0x1400  }
0x7e: {  	[sflag:s10] =	ssyncset.done $0x0  }
0x7f: {  	[sflag:s10] =	ssyncadd.s32 $0xFFFFEC00  }
0x80: {  	_ =	swait.ge [sflag:s24], $0x1400  }
0x81: {  	[sflag:s24] =	ssyncset.done $0x0  }
0x82: {  	[sflag:s24] =	ssyncadd.s32 $0xFFFFEC00  }
0x83: {  	[spmem:s2] =	stream.indirect.scatter.add.f32 [tilespmem:s14], [sflag:$0x6], $0x80, s30, s12, $0xb8;
	[tilespmem:$0x1EE20] =	vst v63  }
0x84: {  	_ =	swait.ge [sflag:s10], $0x1400  }
0x85: {  	[sflag:s10] =	ssyncset.done $0x0  }
0x86: {  	[sflag:s10] =	ssyncadd.s32 $0xFFFFEC00  }
0x87: {  	_ =	swait.ge [sflag:s25], $0x1400  }
0x88: {  	[sflag:s25] =	ssyncset.done $0x0  }
0x89: {  	[sflag:s25] =	ssyncadd.s32 $0xFFFFEC00  }
0x8a: {  	[spmem:s2] =	stream.indirect.scatter.add.f32 [tilespmem:s16], [sflag:$0x6], $0x80, s31, s12, $0xb8;
	[tilespmem:$0x1EE20] =	vst v63  }
0x8b: {  	_ =	swait.ge [sflag:s10], $0x1400  }
0x8c: {  	[sflag:s10] =	ssyncset.done $0x0  }
0x8d: {  	[sflag:s10] =	ssyncadd.s32 $0xFFFFEC00  }
0x8e: {  	_ =	swait.ge [sflag:s26], $0x1400  }
0x8f: {  	[sflag:s26] =	ssyncset.done $0x0  }
0x90: {  	[sflag:s26] =	ssyncadd.s32 $0xFFFFEC00  }
0x91: {  	[spmem:s2] =	stream.indirect.scatter.add.f32 [tilespmem:s18], [sflag:$0x6], $0x80, s1, s12, $0xb8;
	[tilespmem:$0x1EE20] =	vst v63  }
0x92: {  	_ =	swait.ge [sflag:s10], $0x1400  }
0x93: {  	[sflag:s10] =	ssyncset.done $0x0  }
0x94: {  	[sflag:s10] =	ssyncadd.s32 $0xFFFFEC00  }
0x95: {  	_ =	swait.ge [sflag:s28], $0x1400  }
0x96: {  	[sflag:s28] =	ssyncset.done $0x0  }
0x97: {  	[sflag:s28] =	ssyncadd.s32 $0xFFFFEC00  }
0x98: {  	[spmem:s2] =	stream.indirect.scatter.add.f32 [tilespmem:s20], [sflag:$0x6], $0x80, s0, s12, $0xb8;
	[tilespmem:$0x1EE20] =	vst v63  }
0x99: {  	_ =	swait.ge [sflag:s10], $0x1400  }
0x9a: {  	s11 =	sadd.s32 $0x1, s11;
	[sflag:s10] =	ssyncset.done $0x0  }
0x9b: {  	p0 =	sne.s32 s11, s9;
	[sflag:s10] =	ssyncadd.s32 $0xFFFFEC00  }
.Ltmp1:
0x9c: {  	[bflag:$0x0] =	sbarrier.arrive $0xFFFF;
	(pc) =	sbr.rel @p0 .LBB2_1-.Ltmp1, $4  }
0x9d: {  	[hbm:s8], [sflag:s21] =	dma.local [spmem:s22], $0x2780  }
0x9e: {  	_ =	swait.ge [sflag:s10], $0x2780  }
0x9f: {  	[sflag:s10] =	ssyncset.done $0x0  }
0xa0: {  	[sflag:s10] =	ssyncadd.s32 $0xFFFFD880  }
0xa1: {  	_ =	sfence.sel $0x180000  }
0xa2: {  	[bflag:$0x0] =	sbarrier.arrive $0xFFFF  }
0xa3: {  	_ =	strace $0x9000004A  }
0xa4: {  	s0 =	stileid.u32;
	[bflag:$0x2] =	sbarrier.arrive $0xFFFF  }
0xa5: {  	p0 =	sne.s32 s0, $0x0;
	s0 =	rddreg [dreg:$0x2]  }
0xa6: {  	s0 =	sadd.s32 @!p0 $0x100000, s0  }
0xa7: {  	[sflag:s0] =	ssyncadd.tile.s32 @!p0 $0x1;
	_ =	shalt  }
.Lfunc_end2:
_tile_overlayer_lowered:
.L_overlay_start_2:
0xa8: {  	(tag) =	ssettag $0x2  }
0xa9: {  	s0 =	rddreg [dreg:$0x0];
	s2 =	stileid.u32  }
0xaa: {  	s1 =	rddreg [dreg:$0x1];
	p0 =	sne.s32 s2, $0x0  }
0xab: {  	s3 =	rddreg [dreg:$0x2];
	[bflag:$0x3] =	sbarrier.arrive $0xFFFF;
	s2 =	simm.s32 @!p0 $0x1C06  }
0xac: {  	[timem:s3], [sflag:s2] =	dma.local @!p0 [hbm:s0], s1  }
0xad: {  	s0 =	simm.s32 @!p0 $0x6  }
0xae: {  	_ =	swait.ge @!p0 [sflag:s0], s1  }
0xaf: {  	s1 =	ssub.s32 @!p0 $0x0, s1;
	[sflag:s0] =	ssyncset.done @!p0 $0x0  }
0xb0: {  	[sflag:s0] =	ssyncadd.s32 @!p0 s1  }
0xb1: {  	[bflag:$0x3] =	sbarrier.arrive $0xFFFF  }
0xb2: {  	_ =	shalt  }

// kernel: kernel.16.cloned.1.call-start
scs
__scs_entry_jumppad:
0x0: {  	(pc) =	sbr.rel $0x88, $3  }
0x1: {  	(tag) =	ssettag $0x0;
	lr =	simm.s32 $0x1  }
0x2: {  	[smem:$0x3F99] =	sst lr;
	_ =	strace $0xD0000000  }
0x3: {  	_ = 	snop  }
0x4: {  	_ = 	snop  }
0x5: {  	_ = 	snop  }
0x6: {  	_ = 	snop  }
0x7: {  	_ = 	snop  }
__scs_overlays_trampoline_lowered:
0x8: {  	[smem:$0x3FA8] =	sst s0  }
0x9: {  	[smem:$0x3FA9] =	sst s1  }
0xa: {  	[smem:$0x3FAA] =	sst s2  }
0xb: {  	[smem:$0x3FAB] =	sst s3  }
0xc: {  	[smem:$0x3FAC] =	sst s4  }
0xd: {  	[smem:$0x3FAD] =	sst s5  }
0xe: {  	[smem:$0x3FAE] =	sst s6  }
0xf: {  	[smem:$0x3FAF] =	sst s7  }
0x10: {  	[smem:$0x3FB0] =	sst s8  }
0x11: {  	[smem:$0x3FB1] =	sst s9;
	s0 =	simm.s32 @!p0 $0x0  }
0x12: {  	s1 =	sld [smem:$0x3F97];
	s0 =	simm.s32 @p0 $0x1  }
0x13: {  	[smem:$0x3FB2] =	sst s0;
	s0 =	simm.s32 @!p1 $0x0  }
0x14: {  	s2 =	sld [smem:$0x3F96];
	s0 =	simm.s32 @p1 $0x1  }
0x15: {  	[smem:$0x3FB3] =	sst s0;
	s0 =	simm.s32 @!p2 $0x0  }
0x16: {  	s3 =	sld [smem:$0x3FDB];
	s0 =	simm.s32 @p2 $0x1  }
0x17: {  	s4 =	simm.s32 $0x1BF5;
	[smem:$0x3FB5] =	sst s0  }
0x18: {  	s0 =	sld [smem:$0x3F98];
	_ =	swait.ge [sflag:s4], $0x0  }
0x19: {  	s7 =	sld [smem:$0x3F99]  }
0x1a: {  	s8 =	sadd.s32 $0xFFFFE003, lr  }
0x1b: {  	s9 =	sadd.s32 $0xFFFFFEF7, lr;
	s5 =	simm.s32 $0xFFFFFFFF;
	p2 =	slt.u32 s8, $0xFFFFF086  }
0x1c: {  	p1 =	slt.u32 s9, $0xF7A;
	s5 =	simm.s32 @!p2 $0x0  }
0x1d: {  	s5 =	simm.s32 @p1 $0x1;
	p0 =	seq.s32 s7, s2  }
0x1e: {  	s7 =	smul.u32 @!p0 $0xF7A, s2;
	p2 =	seq.s32 @!p0 s5, $0x0  }
0x1f: {  	s9 =	smul.u32 $0xF7A, s1;
	s8 =	simm.s32 @!p0 $0x1BF5;
	p2 =	por !p2, p0  }
0x20: {  	[sflag:s8] =	ssyncset.s32 @!p0 $0xFFFFF086;
	s6 =	sadd.s32 @!p0 s3, s7;
	s7 =	simm.s32 @!p0 $0x108  }
0x21: {  	s3 =	sadd.s32 s3, s9;
	s6 =	sadd.s32 @!p0 $0x88, s6;
	s7 =	simm.s32 @p2 $0x1082  }
0x22: {  	[simem:s7], [sflag:s8] =	dma.local @!p0 [hbm:s6], $0xF7A  }
0x23: {  	s9 =	sor.u32 $0xD0000000, s2;
	s6 =	simm.s32 $0x108;
	_ =	swait.ge @!p0 [sflag:s8], $0x0  }
0x24: {  	s3 =	sadd.s32 $0x88, s3;
	s6 =	simm.s32 @!p1 $0x1082;
	[sflag:s4] =	ssyncset.s32 $0xFFFFF086  }
0x25: {  	[simem:s6], [sflag:s4] =	dma.local [hbm:s3], $0xF7A  }
0x26: {  	[smem:$0x3F99] =	sst s1;
	(tag) =	ssettag s2;
	_ =	strace s9  }
0x27: {  	s1 =	sld [smem:$0x3FA9]  }
0x28: {  	s2 =	sld [smem:$0x3FAA]  }
0x29: {  	s4 =	sld [smem:$0x3FAC]  }
0x2a: {  	p0 =	seq.s32 s5, $0x0;
	s5 =	sld [smem:$0x3FAD]  }
0x2b: {  	s6 =	sld [smem:$0x3FAE]  }
0x2c: {  	s7 =	sld [smem:$0x3FAF]  }
0x2d: {  	s3 =	simm.s32 $0x108;
	s8 =	sld [smem:$0x3FB0]  }
0x2e: {  	s3 =	simm.s32 @!p0 $0x1082;
	s9 =	sld [smem:$0x3FB1]  }
0x2f: {  	lr =	sadd.s32 s0, s3;
	s0 =	sld [smem:$0x3FA8]  }
0x30: {  	s3 =	sld [smem:$0x3FAB]  }
0x31: {  	[smem:$0x3FB4] =	sst s10  }
0x32: {  	s10 =	sld [smem:$0x3FB2];
	_ =	sdelay $0x3  }
0x33: {  	p0 =	seq.s32 s10, $0x1;
	s10 =	sld [smem:$0x3FB4];
	_ =	sdelay $0x3  }
0x34: {  	[smem:$0x3FB4] =	sst s10  }
0x35: {  	s10 =	sld [smem:$0x3FB3];
	_ =	sdelay $0x3  }
0x36: {  	p1 =	seq.s32 s10, $0x1;
	s10 =	sld [smem:$0x3FB4];
	_ =	sdelay $0x3  }
0x37: {  	[smem:$0x3FB4] =	sst s10  }
0x38: {  	s10 =	sld [smem:$0x3FB5]  }
0x39: {  	_ = 	snop;
	(pc) =	sbr.ind lr, $3  }
0x3a: {  	_ = 	snop  }
0x3b: {  	_ = 	snop  }
0x3c: {  	p2 =	seq.s32 s10, $0x1;
	s10 =	sld [smem:$0x3FB4]  }
0x3d: {  	_ =	shalt  }
0x3e: {  	_ =	shalt  }
0x3f: {  	_ =	shalt  }
0x40: {  	_ =	shalt  }
0x41: {  	_ =	shalt  }
0x42: {  	_ =	shalt  }
0x43: {  	_ =	shalt  }
0x44: {  	_ =	shalt  }
0x45: {  	_ =	shalt  }
0x46: {  	_ =	shalt  }
0x47: {  	_ =	shalt  }
0x48: {  	_ =	shalt  }
0x49: {  	_ =	shalt  }
0x4a: {  	_ =	shalt  }
0x4b: {  	_ =	shalt  }
0x4c: {  	_ =	shalt  }
0x4d: {  	_ =	shalt  }
0x4e: {  	_ =	shalt  }
0x4f: {  	_ =	shalt  }
0x50: {  	_ =	shalt  }
0x51: {  	_ =	shalt  }
0x52: {  	_ =	shalt  }
0x53: {  	_ =	shalt  }
0x54: {  	_ =	shalt  }
0x55: {  	_ =	shalt  }
0x56: {  	_ =	shalt  }
0x57: {  	_ =	shalt  }
0x58: {  	_ =	shalt  }
0x59: {  	_ =	shalt  }
0x5a: {  	_ =	shalt  }
0x5b: {  	_ =	shalt  }
0x5c: {  	_ =	shalt  }
0x5d: {  	_ =	shalt  }
0x5e: {  	_ =	shalt  }
0x5f: {  	_ =	shalt  }
0x60: {  	_ =	shalt  }
0x61: {  	_ =	shalt  }
0x62: {  	_ =	shalt  }
0x63: {  	_ =	shalt  }
0x64: {  	_ =	shalt  }
0x65: {  	_ =	shalt  }
0x66: {  	_ =	shalt  }
0x67: {  	_ =	shalt  }
0x68: {  	_ =	shalt  }
0x69: {  	_ =	shalt  }
0x6a: {  	_ =	shalt  }
0x6b: {  	_ =	shalt  }
0x6c: {  	_ =	shalt  }
0x6d: {  	_ =	shalt  }
0x6e: {  	_ =	shalt  }
0x6f: {  	_ =	shalt  }
0x70: {  	_ =	shalt  }
0x71: {  	_ =	shalt  }
0x72: {  	_ =	shalt  }
0x73: {  	_ =	shalt  }
0x74: {  	_ =	shalt  }
0x75: {  	_ =	shalt  }
0x76: {  	_ =	shalt  }
0x77: {  	_ =	shalt  }
0x78: {  	_ =	shalt  }
0x79: {  	_ =	shalt  }
0x7a: {  	_ =	shalt  }
0x7b: {  	_ =	shalt  }
0x7c: {  	_ =	shalt  }
0x7d: {  	_ =	shalt  }
0x7e: {  	_ =	shalt  }
0x7f: {  	_ =	shalt  }
0x80: {  	_ =	shalt  }
0x81: {  	_ =	shalt  }
0x82: {  	_ =	shalt  }
0x83: {  	_ =	shalt  }
0x84: {  	_ =	shalt  }
0x85: {  	_ =	shalt  }
0x86: {  	_ =	shalt  }
0x87: {  	_ =	shalt  }
.Lfunc_end0:
.L_simem_size_0:
called_computation.2_lowered:
.L_overlay_start_0:
0x88: {  	s2 =	sld [smem:$0x3FD9]  }
0x89: {  	s3 =	sld [smem:$0x3FFE];
	_ =	sdelay $0x1  }
0x8a: {  	s1 =	srdreg.scid  }
0x8b: {  	s0 =	sand.u32 $0x1, s1  }
0x8c: {  	s16 =	sshll.u32 s0, $0xA;
	s2 =	sadd.s32 s3, s2  }
0x8d: {  	s2 =	sadd.s32 s2, s16  }
0x8e: {  	[smem:$0x3FC0] =	sst s2  }
0x8f: {  	_ = 	snop  }
0x90: {  	(tm) =	ssettm $0x1  }
0x91: {  	s17 =	sld [smem:$0x3FFB];
	_ =	sdelay $0x3  }
0x92: {  	_ =	strace s17  }
0x93: {  	s2 =	sld [smem:$0x3FFC];
	_ =	sdelay $0x3  }
0x94: {  	_ =	strace s2  }
0x95: {  	s2 =	sld [smem:$0x3FFD];
	_ =	sdelay $0x3  }
0x96: {  	_ =	strace s2  }
0x97: {  	_ =	strace $0x8FFFFFFF  }
0x98: {  	s18 =	sld [smem:$0x3FDB];
	_ =	sdelay $0x1  }
0x99: {  	s19 =	simm.s32 $_scs_section_size  }
0x9a: {  	s4 =	simm.s32 $_size__tile_overlayer_lowered;
	s5 =	simm.s32 $_tile_overlayer_lowered  }
0x9b: {  	s22 =	simm.s32 $0x1BFF;
	s21 =	sshll.u32 s5, $0x1;
	s2 =	sadd.s32 s19, s18  }
0x9c: {  	s6 =	simm.s32 $0x0;
	s20 =	sshll.u32 s4, $0x1;
	s4 =	sadd.s32 s21, s2  }
0x9d: {  	[timem:s6], [sflag:s22] =	dma.local [hbm:s4], s20  }
0x9e: {  	_ =	swait.ge [sflag:s22], s20  }
0x9f: {  	s3 =	ssub.s32 $0x0, s20;
	[sflag:s22] =	ssyncset.done $0x0  }
0xa0: {  	[sflag:s22] =	ssyncadd.s32 s3;
	_ =	sdelay $0x1  }
0xa1: {  	s23 =	simm.s32 $0x1B8B  }
0xa2: {  	_ =	swait.ge [sflag:s23], $0x1  }
0xa3: {  	[sflag:s23] =	ssyncset.done $0x0  }
0xa4: {  	s25 =	simm.s32 $0x1B8E;
	s24 =	sld [smem:$0x3FFE];
	[sflag:s23] =	ssyncadd.s32 $0xFFFFFFFF  }
0xa5: {  	s26 =	simm.s32 $execute0_lowered;
	[smem:$0x3FD2] =	sst s25  }
0xa6: {  	s4 =	sshll.u32 s26, $0x1;
	_ =	strace $0x8000004C;
	[dreg:$0x1] =	wrdreg $0xFFFFFFFF  }
0xa7: {  	s28 =	simm.s32 $_size_execute0_lowered;
	s2 =	sadd.s32 s2, s4;
	[dreg:$0x0] =	wrdreg $0x0  }
0xa8: {  	s4 =	sshll.u32 s28, $0x1;
	[dreg:$0x2] =	wrdreg s2  }
0xa9: {  	[dreg:$0x3] =	wrdreg s4  }
0xaa: {  	[dreg:$0x4] =	wrdreg $0xC0  }
0xab: {  	_ =	task [dreg:s6], $0x5FFFF  }
0xac: {  	[dreg:$0x1] =	wrdreg $0xFFFFFFFF  }
0xad: {  	[dreg:$0x0] =	wrdreg $0x60  }
0xae: {  	[dreg:$0x2] =	wrdreg s24  }
0xaf: {  	[dreg:$0x3] =	wrdreg $0xB2200  }
0xb0: {  	[dreg:$0x4] =	wrdreg $0x9  }
0xb1: {  	_ =	task.clear_ibuf [dreg:s6], $0x5FFFF;
	_ =	strace $0x9000004C  }
0xb2: {  	s29 =	simm.s32 $0x9;
	_ =	strace $0x8000004E  }
0xb3: {  	_ =	swait.ge [sflag:s29], $0x1  }
0xb4: {  	[sflag:s29] =	ssyncadd.s32 $0xFFFFFFFF  }
0xb5: {  	_ =	strace $0x9000004E  }
0xb6: {  	_ =	sfence  }
0xb7: {  	s30 =	sld [smem:$0x0];
	_ =	sdelay $0x2  }
0xb8: {  	s31 =	sshll.u32 s1, $0xD;
	s1 =	sshrl.u32 s1, $0x2  }
0xb9: {  	s3 =	sand.u32 $0x4000, s31;
	s1 =	sadd.s32 s1, s30  }
0xba: {  	s0 =	sor.u32 s3, s0;
	s1 =	sshll.u32 s1, $0x11  }
0xbb: {  	s0 =	sor.u32 s1, s0  }
0xbc: {  	s0 =	sadd.s32 $0x8F2B, s0  }
0xbd: {  	[sflag:s0] =	ssyncadd.remote.s32 $0x1  }
0xbe: {  	_ =	sfence.sel $0xFFFF  }
0xbf: {  	[dreg:$0x0] =	wrdreg $0xFFFFFFFF;
	(pc) =	sbr.abs _section_cstart, $3  }
0xc0: {  	[dreg:$0x1] =	wrdreg $0xFFFFFFFF  }
0xc1: {  	_ =	task.clear_ibuf [dreg:s6], $0x2FFFF;
	_ =	strace $0x9FFFFFFF  }
0xc2: {  	(tm) =	ssettm $0x7FFFFFFF  }
0xc3: {  	_ =	shalt  }
tec
execute0_lowered:
.L_overlay_start_1:
0x0: {  	(tag) =	ssettag $0x1  }
0x1: {  	s0 =	srdreg.scid;
	s1 =	rddreg [dreg:$0x0]  }
0x2: {  	s15 =	stileid.u32;
	s2 =	rddreg [dreg:$0x1];
	s3 =	simm.s32 $0x0  }
0x3: {  	s10 =	simm.s32 $0x6;
	s12 =	simm.s32 $0x28;
	s13 =	simm.s32 $0x4E20  }
0x4: {  	s14 =	simm.s32 $0x6220;
	s16 =	simm.s32 $0x7620;
	s18 =	simm.s32 $0x8A20  }
0x5: {  	s20 =	simm.s32 $0x9E20;
	s28 =	simm.s32 $0x5;
	s5 =	smul.u32 $0x4E2, s15  }
0x6: {  	s29 =	simm.s32 $0x4D58;
	s0 =	sand.u32 $0x1, s0;
	s7 =	smul.u32 $0x13C00, s15  }
0x7: {  	s30 =	simm.s32 $0x4D80;
	s31 =	simm.s32 $0x4DA8;
	s4 =	smul.u32 $0x27100, s0  }
0x8: {  	[smem:$0x7FF] =	sst s3;
	s26 =	sshll.u32 s15, $0x6;
	s6 =	smul.u32 $0x13C000, s0  }
0x9: {  	_ =	strace $0x8000004D;
	s0 =	ssub.s32 $0x2, s0;
	s21 =	sor.u32 $0x1C06, s26  }
0xa: {  	s26 =	simm.s32 $0x4;
	s5 =	sadd.s32 s5, s1;
	s24 =	sshrl.u32 s7, $0x3  }
0xb: {  	s25 =	sshrl.u32 s0, $0x1;
	s11 =	sadd.s32 s7, s2;
	s8 =	sadd.s32 s4, s1  }
0xc: {  	s23 =	sadd.s32 s7, s6;
	s9 =	sadd.s32 s24, s1;
	s0 =	ssub.s32 s0, s25  }
0xd: {  	s22 =	sshrl.u32 s11, $0x3;
	s24 =	simm.s32 $0x2;
	s25 =	simm.s32 $0x3  }
0xe: {  	s11 =	simm.s32 $0x0;
	s4 =	sshrl.u32 s23, $0x3;
	s6 =	sadd.s32 $0x83000, s8  }
0xf: {  	s7 =	sadd.s32 $0xC800, s9;
	s9 =	smax.u32 s0, $0x1;
	s23 =	simm.s32 $0x1  }
0x10: {  	s0 =	simm.s32 $0x4DF8;
	s1 =	sadd.s32 s4, s1;
	s4 =	sadd.s32 $0x2800, s5  }
0x11: {  	s5 =	sadd.s32 $0x7800, s5;
	s8 =	sadd.s32 $0xD1200, s1;
	s1 =	simm.s32 $0x4DD0  }
.LBB2_1:
0x12: {  	[tilespmem:s3], [sflag:$0x6] =	stream.linear.gather [hbm4b:s4+s3], $0x2710, $0x38;
	[tilespmem:$0x1EE20] =	vst v63  }
0x13: {  	_ =	swait.ge [sflag:s10], $0x2710  }
0x14: {  	[sflag:s10] =	ssyncset.done $0x0  }
0x15: {  	s15 =	simm.s32 $0x2710;
	[sflag:s10] =	ssyncadd.s32 $0xFFFFD8F0  }
0x16: {  	[tilespmem:s15], [sflag:$0x6] =	stream.linear.gather [hbm4b:s5+s3], $0x2710, $0x38;
	[tilespmem:$0x1EE20] =	vst v63  }
0x17: {  	_ =	swait.ge [sflag:s10], $0x2710  }
0x18: {  	[sflag:s10] =	ssyncset.done $0x0  }
0x19: {  	[sflag:s10] =	ssyncadd.s32 $0xFFFFD8F0  }
0x1a: {  	[tilespmem:s13], [sflag:$0x1] =	stream.indirect.gather [hbm4b:s6+s12], $0x80, s3, s12, $0xb8;
	[tilespmem:$0x1EE20] =	vst v63  }
0x1b: {  	_ = 	snop  }
0x1c: {  	[tilespmem:s14], [sflag:$0x2] =	stream.indirect.gather [hbm4b:s6+s12], $0x80, s12, s12, $0xb8;
	[tilespmem:$0x1EE20] =	vst v63  }
0x1d: {  	s17 =	simm.s32 $0x50  }
0x1e: {  	[tilespmem:s16], [sflag:$0x3] =	stream.indirect.gather [hbm4b:s6+s12], $0x80, s17, s12, $0xb8;
	[tilespmem:$0x1EE20] =	vst v63  }
0x1f: {  	s19 =	simm.s32 $0x78  }
0x20: {  	[tilespmem:s18], [sflag:$0x4] =	stream.indirect.gather [hbm4b:s6+s12], $0x80, s19, s12, $0xb8;
	[tilespmem:$0x1EE20] =	vst v63  }
0x21: {  	s17 =	simm.s32 $0xA0  }
0x22: {  	[tilespmem:s20], [sflag:$0x5] =	stream.indirect.gather [hbm4b:s6+s12], $0x80, s17, s12, $0xb8;
	[tilespmem:$0x1EE20] =	vst v63  }
0x23: {  	[spmem:s22], [sflag:s21] =	dma.local [hbm:s7], $0x2780  }
0x24: {  	_ =	swait.ge [sflag:s10], $0x2780  }
0x25: {  	[sflag:s10] =	ssyncset.done $0x0  }
0x26: {  	[sflag:s10] =	ssyncadd.s32 $0xFFFFD880  }
0x27: {  	[bflag:$0x0] =	sbarrier.arrive $0xFFFF  }
0x28: {  	_ =	swait.ge [sflag:s23], $0x1400  }
0x29: {  	[sflag:s23] =	ssyncset.done $0x0  }
0x2a: {  	s19 =	simm.s32 $0x2710;
	[sflag:s23] =	ssyncadd.s32 $0xFFFFEC00  }
0x2b: {  	[spmem:s2] =	stream.indirect.scatter.add.f32 [tilespmem:s13], [sflag:$0x6], $0x80, s19, s12, $0xb8;
	[tilespmem:$0x1EE20] =	vst v63  }
0x2c: {  	_ =	swait.ge [sflag:s10], $0x1400  }
0x2d: {  	[sflag:s10] =	ssyncset.done $0x0  }
0x2e: {  	s17 =	simm.s32 $0xC8;
	[sflag:s10] =	ssyncadd.s32 $0xFFFFEC00  }
0x2f: {  	[tilespmem:s13], [sflag:$0x1] =	stream.indirect.gather [hbm4b:s6+s12], $0x80, s17, s12, $0xb8;
	[tilespmem:$0x1EE20] =	vst v63  }
0x30: {  	_ =	swait.ge [sflag:s24], $0x1400  }
0x31: {  	[sflag:s24] =	ssyncset.done $0x0  }
0x32: {  	s19 =	simm.s32 $0x2738;
	[sflag:s24] =	ssyncadd.s32 $0xFFFFEC00  }
0x33: {  	[spmem:s2] =	stream.indirect.scatter.add.f32 [tilespmem:s14], [sflag:$0x6], $0x80, s19, s12, $0xb8;
	[tilespmem:$0x1EE20] =	vst v63  }
0x34: {  	_ =	swait.ge [sflag:s10], $0x1400  }
0x35: {  	[sflag:s10] =	ssyncset.done $0x0  }
0x36: {  	s17 =	simm.s32 $0xF0;
	[sflag:s10] =	ssyncadd.s32 $0xFFFFEC00  }
0x37: {  	[tilespmem:s14], [sflag:$0x2] =	stream.indirect.gather [hbm4b:s6+s12], $0x80, s17, s12, $0xb8;
	[tilespmem:$0x1EE20] =	vst v63  }
0x38: {  	_ =	swait.ge [sflag:s25], $0x1400  }
0x39: {  	[sflag:s25] =	ssyncset.done $0x0  }
0x3a: {  	s19 =	simm.s32 $0x2760;
	[sflag:s25] =	ssyncadd.s32 $0xFFFFEC00  }
0x3b: {  	[spmem:s2] =	stream.indirect.scatter.add.f32 [tilespmem:s16], [sflag:$0x6], $0x80, s19, s12, $0xb8;
	[tilespmem:$0x1EE20] =	vst v63  }
0x3c: {  	_ =	swait.ge [sflag:s10], $0x1400  }
0x3d: {  	[sflag:s10] =	ssyncset.done $0x0  }
0x3e: {  	s17 =	simm.s32 $0x118;
	[sflag:s10] =	ssyncadd.s32 $0xFFFFEC00  }
0x3f: {  	[tilespmem:s16], [sflag:$0x3] =	stream.indirect.gather [hbm4b:s6+s12], $0x80, s17, s12, $0xb8;
	[tilespmem:$0x1EE20] =	vst v63  }
0x40: {  	_ =	swait.ge [sflag:s26], $0x1400  }
0x41: {  	[sflag:s26] =	ssyncset.done $0x0  }
0x42: {  	s19 =	simm.s32 $0x2788;
	[sflag:s26] =	ssyncadd.s32 $0xFFFFEC00  }
0x43: {  	[spmem:s2] =	stream.indirect.scatter.add.f32 [tilespmem:s18], [sflag:$0x6], $0x80, s19, s12, $0xb8;
	[tilespmem:$0x1EE20] =	vst v63  }
0x44: {  	_ =	swait.ge [sflag:s10], $0x1400  }
0x45: {  	[sflag:s10] =	ssyncset.done $0x0  }
0x46: {  	s17 =	simm.s32 $0x140;
	[sflag:s10] =	ssyncadd.s32 $0xFFFFEC00  }
0x47: {  	[tilespmem:s18], [sflag:$0x4] =	stream.indirect.gather [hbm4b:s6+s12], $0x80, s17, s12, $0xb8;
	[tilespmem:$0x1EE20] =	vst v63  }
0x48: {  	_ =	swait.ge [sflag:s28], $0x1400  }
0x49: {  	[sflag:s28] =	ssyncset.done $0x0  }
0x4a: {  	s19 =	simm.s32 $0x27B0;
	[sflag:s28] =	ssyncadd.s32 $0xFFFFEC00  }
0x4b: {  	[spmem:s2] =	stream.indirect.scatter.add.f32 [tilespmem:s20], [sflag:$0x6], $0x80, s19, s12, $0xb8;
	[tilespmem:$0x1EE20] =	vst v63  }
0x4c: {  	_ =	swait.ge [sflag:s10], $0x1400  }
0x4d: {  	[sflag:s10] =	ssyncset.done $0x0  }
0x4e: {  	s15 =	simm.s32 $0x320;
	s17 =	simm.s32 $0x168;
	[sflag:s10] =	ssyncadd.s32 $0xFFFFEC00  }
.LBB2_2:
0x4f: {  	[tilespmem:s20], [sflag:$0x5] =	stream.indirect.gather [hbm4b:s6+s12], $0x80, s17, s12, $0xb8;
	[tilespmem:$0x1EE20] =	vst v63  }
0x50: {  	s17 =	smov.u32 s15  }
0x51: {  	p0 =	sne.s32 s15, $0x9600;
	s15 =	sadd.s32 $0x320, s15;
	_ =	swait.ge [sflag:s23], $0x1400  }
0x52: {  	s17 =	sshra.s32 s17, $0x2;
	[sflag:s23] =	ssyncset.done $0x0  }
0x53: {  	s19 =	sadd.s32 $0x2710, s17;
	[sflag:s23] =	ssyncadd.s32 $0xFFFFEC00  }
0x54: {  	[spmem:s2] =	stream.indirect.scatter.add.f32 [tilespmem:s13], [sflag:$0x6], $0x80, s19, s12, $0xb8;
	[tilespmem:$0x1EE20] =	vst v63  }
0x55: {  	_ =	swait.ge [sflag:s10], $0x1400  }
0x56: {  	[sflag:s10] =	ssyncset.done $0x0  }
0x57: {  	s19 =	sadd.s32 $0xC8, s17;
	[sflag:s10] =	ssyncadd.s32 $0xFFFFEC00  }
0x58: {  	[tilespmem:s13], [sflag:$0x1] =	stream.indirect.gather [hbm4b:s6+s12], $0x80, s19, s12, $0xb8;
	[tilespmem:$0x1EE20] =	vst v63  }
0x59: {  	_ =	swait.ge [sflag:s24], $0x1400  }
0x5a: {  	[sflag:s24] =	ssyncset.done $0x0  }
0x5b: {  	s19 =	sadd.s32 $0x2738, s17;
	[sflag:s24] =	ssyncadd.s32 $0xFFFFEC00  }
0x5c: {  	[spmem:s2] =	stream.indirect.scatter.add.f32 [tilespmem:s14], [sflag:$0x6], $0x80, s19, s12, $0xb8;
	[tilespmem:$0x1EE20] =	vst v63  }
0x5d: {  	_ =	swait.ge [sflag:s10], $0x1400  }
0x5e: {  	[sflag:s10] =	ssyncset.done $0x0  }
0x5f: {  	s19 =	sadd.s32 $0xF0, s17;
	[sflag:s10] =	ssyncadd.s32 $0xFFFFEC00  }
0x60: {  	[tilespmem:s14], [sflag:$0x2] =	stream.indirect.gather [hbm4b:s6+s12], $0x80, s19, s12, $0xb8;
	[tilespmem:$0x1EE20] =	vst v63  }
0x61: {  	_ =	swait.ge [sflag:s25], $0x1400  }
0x62: {  	[sflag:s25] =	ssyncset.done $0x0  }
0x63: {  	s19 =	sadd.s32 $0x2760, s17;
	[sflag:s25] =	ssyncadd.s32 $0xFFFFEC00  }
0x64: {  	[spmem:s2] =	stream.indirect.scatter.add.f32 [tilespmem:s16], [sflag:$0x6], $0x80, s19, s12, $0xb8;
	[tilespmem:$0x1EE20] =	vst v63  }
0x65: {  	_ =	swait.ge [sflag:s10], $0x1400  }
0x66: {  	[sflag:s10] =	ssyncset.done $0x0  }
0x67: {  	s19 =	sadd.s32 $0x118, s17;
	[sflag:s10] =	ssyncadd.s32 $0xFFFFEC00  }
0x68: {  	[tilespmem:s16], [sflag:$0x3] =	stream.indirect.gather [hbm4b:s6+s12], $0x80, s19, s12, $0xb8;
	[tilespmem:$0x1EE20] =	vst v63  }
0x69: {  	_ =	swait.ge [sflag:s26], $0x1400  }
0x6a: {  	[sflag:s26] =	ssyncset.done $0x0  }
0x6b: {  	s19 =	sadd.s32 $0x2788, s17;
	[sflag:s26] =	ssyncadd.s32 $0xFFFFEC00  }
0x6c: {  	[spmem:s2] =	stream.indirect.scatter.add.f32 [tilespmem:s18], [sflag:$0x6], $0x80, s19, s12, $0xb8;
	[tilespmem:$0x1EE20] =	vst v63  }
0x6d: {  	_ =	swait.ge [sflag:s10], $0x1400  }
0x6e: {  	[sflag:s10] =	ssyncset.done $0x0  }
0x6f: {  	s19 =	sadd.s32 $0x140, s17;
	[sflag:s10] =	ssyncadd.s32 $0xFFFFEC00  }
0x70: {  	[tilespmem:s18], [sflag:$0x4] =	stream.indirect.gather [hbm4b:s6+s12], $0x80, s19, s12, $0xb8;
	[tilespmem:$0x1EE20] =	vst v63  }
0x71: {  	_ =	swait.ge [sflag:s28], $0x1400  }
0x72: {  	[sflag:s28] =	ssyncset.done $0x0  }
.Ltmp0:
0x73: {  	s19 =	sadd.s32 $0x27B0, s17;
	[sflag:s28] =	ssyncadd.s32 $0xFFFFEC00;
	(pc) =	sbr.rel @p0 .LBB2_2-.Ltmp0, $4  }
0x74: {  	[spmem:s2] =	stream.indirect.scatter.add.f32 [tilespmem:s20], [sflag:$0x6], $0x80, s19, s12, $0xb8;
	[tilespmem:$0x1EE20] =	vst v63  }
0x75: {  	_ =	swait.ge [sflag:s10], $0x1400  }
0x76: {  	[sflag:s10] =	ssyncset.done $0x0  }
0x77: {  	s17 =	sadd.s32 $0x168, s17;
	[sflag:s10] =	ssyncadd.s32 $0xFFFFEC00  }
0x78: {  	[tilespmem:s20], [sflag:$0x5] =	stream.indirect.gather [hbm4b:s6+s12], $0x80, s17, s12, $0xb8;
	[tilespmem:$0x1EE20] =	vst v63  }
0x79: {  	_ =	swait.ge [sflag:s23], $0x1400  }
0x7a: {  	[sflag:s23] =	ssyncset.done $0x0  }
0x7b: {  	[sflag:s23] =	ssyncadd.s32 $0xFFFFEC00  }
0x7c: {  	[spmem:s2] =	stream.indirect.scatter.add.f32 [tilespmem:s13], [sflag:$0x6], $0x80, s29, s12, $0xb8;
	[tilespmem:$0x1EE20] =	vst v63  }
0x7d: {  	_ =	swait.ge [sflag:s10], $0x1400  }
0x7e: {  	[sflag:s10] =	ssyncset.done $0x0  }
0x7f: {  	[sflag:s10] =	ssyncadd.s32 $0xFFFFEC00  }
0x80: {  	_ =	swait.ge [sflag:s24], $0x1400  }
0x81: {  	[sflag:s24] =	ssyncset.done $0x0  }
0x82: {  	[sflag:s24] =	ssyncadd.s32 $0xFFFFEC00  }
0x83: {  	[spmem:s2] =	stream.indirect.scatter.add.f32 [tilespmem:s14], [sflag:$0x6], $0x80, s30, s12, $0xb8;
	[tilespmem:$0x1EE20] =	vst v63  }
0x84: {  	_ =	swait.ge [sflag:s10], $0x1400  }
0x85: {  	[sflag:s10] =	ssyncset.done $0x0  }
0x86: {  	[sflag:s10] =	ssyncadd.s32 $0xFFFFEC00  }
0x87: {  	_ =	swait.ge [sflag:s25], $0x1400  }
0x88: {  	[sflag:s25] =	ssyncset.done $0x0  }
0x89: {  	[sflag:s25] =	ssyncadd.s32 $0xFFFFEC00  }
0x8a: {  	[spmem:s2] =	stream.indirect.scatter.add.f32 [tilespmem:s16], [sflag:$0x6], $0x80, s31, s12, $0xb8;
	[tilespmem:$0x1EE20] =	vst v63  }
0x8b: {  	_ =	swait.ge [sflag:s10], $0x1400  }
0x8c: {  	[sflag:s10] =	ssyncset.done $0x0  }
0x8d: {  	[sflag:s10] =	ssyncadd.s32 $0xFFFFEC00  }
0x8e: {  	_ =	swait.ge [sflag:s26], $0x1400  }
0x8f: {  	[sflag:s26] =	ssyncset.done $0x0  }
0x90: {  	[sflag:s26] =	ssyncadd.s32 $0xFFFFEC00  }
0x91: {  	[spmem:s2] =	stream.indirect.scatter.add.f32 [tilespmem:s18], [sflag:$0x6], $0x80, s1, s12, $0xb8;
	[tilespmem:$0x1EE20] =	vst v63  }
0x92: {  	_ =	swait.ge [sflag:s10], $0x1400  }
0x93: {  	[sflag:s10] =	ssyncset.done $0x0  }
0x94: {  	[sflag:s10] =	ssyncadd.s32 $0xFFFFEC00  }
0x95: {  	_ =	swait.ge [sflag:s28], $0x1400  }
0x96: {  	[sflag:s28] =	ssyncset.done $0x0  }
0x97: {  	[sflag:s28] =	ssyncadd.s32 $0xFFFFEC00  }
0x98: {  	[spmem:s2] =	stream.indirect.scatter.add.f32 [tilespmem:s20], [sflag:$0x6], $0x80, s0, s12, $0xb8;
	[tilespmem:$0x1EE20] =	vst v63  }
0x99: {  	_ =	swait.ge [sflag:s10], $0x1400  }
0x9a: {  	s11 =	sadd.s32 $0x1, s11;
	[sflag:s10] =	ssyncset.done $0x0  }
0x9b: {  	p0 =	sne.s32 s11, s9;
	[sflag:s10] =	ssyncadd.s32 $0xFFFFEC00  }
.Ltmp1:
0x9c: {  	[bflag:$0x0] =	sbarrier.arrive $0xFFFF;
	(pc) =	sbr.rel @p0 .LBB2_1-.Ltmp1, $4  }
0x9d: {  	[hbm:s8], [sflag:s21] =	dma.local [spmem:s22], $0x2780  }
0x9e: {  	_ =	swait.ge [sflag:s10], $0x2780  }
0x9f: {  	[sflag:s10] =	ssyncset.done $0x0  }
0xa0: {  	[sflag:s10] =	ssyncadd.s32 $0xFFFFD880  }
0xa1: {  	_ =	sfence.sel $0x180000  }
0xa2: {  	[bflag:$0x0] =	sbarrier.arrive $0xFFFF  }
0xa3: {  	_ =	strace $0x9000004D  }
0xa4: {  	s0 =	stileid.u32;
	[bflag:$0x2] =	sbarrier.arrive $0xFFFF  }
0xa5: {  	p0 =	sne.s32 s0, $0x0;
	s0 =	rddreg [dreg:$0x2]  }
0xa6: {  	s0 =	sadd.s32 @!p0 $0x100000, s0  }
0xa7: {  	[sflag:s0] =	ssyncadd.tile.s32 @!p0 $0x1;
	_ =	shalt  }
.Lfunc_end2:
_tile_overlayer_lowered:
.L_overlay_start_2:
0xa8: {  	(tag) =	ssettag $0x2  }
0xa9: {  	s0 =	rddreg [dreg:$0x0];
	s2 =	stileid.u32  }
0xaa: {  	s1 =	rddreg [dreg:$0x1];
	p0 =	sne.s32 s2, $0x0  }
0xab: {  	s3 =	rddreg [dreg:$0x2];
	[bflag:$0x3] =	sbarrier.arrive $0xFFFF;
	s2 =	simm.s32 @!p0 $0x1C06  }
0xac: {  	[timem:s3], [sflag:s2] =	dma.local @!p0 [hbm:s0], s1  }
0xad: {  	s0 =	simm.s32 @!p0 $0x6  }
0xae: {  	_ =	swait.ge @!p0 [sflag:s0], s1  }
0xaf: {  	s1 =	ssub.s32 @!p0 $0x0, s1;
	[sflag:s0] =	ssyncset.done @!p0 $0x0  }
0xb0: {  	[sflag:s0] =	ssyncadd.s32 @!p0 s1  }
0xb1: {  	[bflag:$0x3] =	sbarrier.arrive $0xFFFF  }
0xb2: {  	_ =	shalt  }

// kernel: kernel.19.cloned.1.call-start
scs
__scs_entry_jumppad:
0x0: {  	(pc) =	sbr.rel $0x88, $3  }
0x1: {  	(tag) =	ssettag $0x0;
	lr =	simm.s32 $0x1  }
0x2: {  	[smem:$0x3F99] =	sst lr;
	_ =	strace $0xD0000000  }
0x3: {  	_ = 	snop  }
0x4: {  	_ = 	snop  }
0x5: {  	_ = 	snop  }
0x6: {  	_ = 	snop  }
0x7: {  	_ = 	snop  }
__scs_overlays_trampoline_lowered:
0x8: {  	[smem:$0x3FA8] =	sst s0  }
0x9: {  	[smem:$0x3FA9] =	sst s1  }
0xa: {  	[smem:$0x3FAA] =	sst s2  }
0xb: {  	[smem:$0x3FAB] =	sst s3  }
0xc: {  	[smem:$0x3FAC] =	sst s4  }
0xd: {  	[smem:$0x3FAD] =	sst s5  }
0xe: {  	[smem:$0x3FAE] =	sst s6  }
0xf: {  	[smem:$0x3FAF] =	sst s7  }
0x10: {  	[smem:$0x3FB0] =	sst s8  }
0x11: {  	[smem:$0x3FB1] =	sst s9;
	s0 =	simm.s32 @!p0 $0x0  }
0x12: {  	s1 =	sld [smem:$0x3F97];
	s0 =	simm.s32 @p0 $0x1  }
0x13: {  	[smem:$0x3FB2] =	sst s0;
	s0 =	simm.s32 @!p1 $0x0  }
0x14: {  	s2 =	sld [smem:$0x3F96];
	s0 =	simm.s32 @p1 $0x1  }
0x15: {  	[smem:$0x3FB3] =	sst s0;
	s0 =	simm.s32 @!p2 $0x0  }
0x16: {  	s3 =	sld [smem:$0x3FDB];
	s0 =	simm.s32 @p2 $0x1  }
0x17: {  	s4 =	simm.s32 $0x1BF5;
	[smem:$0x3FB5] =	sst s0  }
0x18: {  	s0 =	sld [smem:$0x3F98];
	_ =	swait.ge [sflag:s4], $0x0  }
0x19: {  	s7 =	sld [smem:$0x3F99]  }
0x1a: {  	s8 =	sadd.s32 $0xFFFFE003, lr  }
0x1b: {  	s9 =	sadd.s32 $0xFFFFFEF7, lr;
	s5 =	simm.s32 $0xFFFFFFFF;
	p2 =	slt.u32 s8, $0xFFFFF086  }
0x1c: {  	p1 =	slt.u32 s9, $0xF7A;
	s5 =	simm.s32 @!p2 $0x0  }
0x1d: {  	s5 =	simm.s32 @p1 $0x1;
	p0 =	seq.s32 s7, s2  }
0x1e: {  	s7 =	smul.u32 @!p0 $0xF7A, s2;
	p2 =	seq.s32 @!p0 s5, $0x0  }
0x1f: {  	s9 =	smul.u32 $0xF7A, s1;
	s8 =	simm.s32 @!p0 $0x1BF5;
	p2 =	por !p2, p0  }
0x20: {  	[sflag:s8] =	ssyncset.s32 @!p0 $0xFFFFF086;
	s6 =	sadd.s32 @!p0 s3, s7;
	s7 =	simm.s32 @!p0 $0x108  }
0x21: {  	s3 =	sadd.s32 s3, s9;
	s6 =	sadd.s32 @!p0 $0x88, s6;
	s7 =	simm.s32 @p2 $0x1082  }
0x22: {  	[simem:s7], [sflag:s8] =	dma.local @!p0 [hbm:s6], $0xF7A  }
0x23: {  	s9 =	sor.u32 $0xD0000000, s2;
	s6 =	simm.s32 $0x108;
	_ =	swait.ge @!p0 [sflag:s8], $0x0  }
0x24: {  	s3 =	sadd.s32 $0x88, s3;
	s6 =	simm.s32 @!p1 $0x1082;
	[sflag:s4] =	ssyncset.s32 $0xFFFFF086  }
0x25: {  	[simem:s6], [sflag:s4] =	dma.local [hbm:s3], $0xF7A  }
0x26: {  	[smem:$0x3F99] =	sst s1;
	(tag) =	ssettag s2;
	_ =	strace s9  }
0x27: {  	s1 =	sld [smem:$0x3FA9]  }
0x28: {  	s2 =	sld [smem:$0x3FAA]  }
0x29: {  	s4 =	sld [smem:$0x3FAC]  }
0x2a: {  	p0 =	seq.s32 s5, $0x0;
	s5 =	sld [smem:$0x3FAD]  }
0x2b: {  	s6 =	sld [smem:$0x3FAE]  }
0x2c: {  	s7 =	sld [smem:$0x3FAF]  }
0x2d: {  	s3 =	simm.s32 $0x108;
	s8 =	sld [smem:$0x3FB0]  }
0x2e: {  	s3 =	simm.s32 @!p0 $0x1082;
	s9 =	sld [smem:$0x3FB1]  }
0x2f: {  	lr =	sadd.s32 s0, s3;
	s0 =	sld [smem:$0x3FA8]  }
0x30: {  	s3 =	sld [smem:$0x3FAB]  }
0x31: {  	[smem:$0x3FB4] =	sst s10  }
0x32: {  	s10 =	sld [smem:$0x3FB2];
	_ =	sdelay $0x3  }
0x33: {  	p0 =	seq.s32 s10, $0x1;
	s10 =	sld [smem:$0x3FB4];
	_ =	sdelay $0x3  }
0x34: {  	[smem:$0x3FB4] =	sst s10  }
0x35: {  	s10 =	sld [smem:$0x3FB3];
	_ =	sdelay $0x3  }
0x36: {  	p1 =	seq.s32 s10, $0x1;
	s10 =	sld [smem:$0x3FB4];
	_ =	sdelay $0x3  }
0x37: {  	[smem:$0x3FB4] =	sst s10  }
0x38: {  	s10 =	sld [smem:$0x3FB5]  }
0x39: {  	_ = 	snop;
	(pc) =	sbr.ind lr, $3  }
0x3a: {  	_ = 	snop  }
0x3b: {  	_ = 	snop  }
0x3c: {  	p2 =	seq.s32 s10, $0x1;
	s10 =	sld [smem:$0x3FB4]  }
0x3d: {  	_ =	shalt  }
0x3e: {  	_ =	shalt  }
0x3f: {  	_ =	shalt  }
0x40: {  	_ =	shalt  }
0x41: {  	_ =	shalt  }
0x42: {  	_ =	shalt  }
0x43: {  	_ =	shalt  }
0x44: {  	_ =	shalt  }
0x45: {  	_ =	shalt  }
0x46: {  	_ =	shalt  }
0x47: {  	_ =	shalt  }
0x48: {  	_ =	shalt  }
0x49: {  	_ =	shalt  }
0x4a: {  	_ =	shalt  }
0x4b: {  	_ =	shalt  }
0x4c: {  	_ =	shalt  }
0x4d: {  	_ =	shalt  }
0x4e: {  	_ =	shalt  }
0x4f: {  	_ =	shalt  }
0x50: {  	_ =	shalt  }
0x51: {  	_ =	shalt  }
0x52: {  	_ =	shalt  }
0x53: {  	_ =	shalt  }
0x54: {  	_ =	shalt  }
0x55: {  	_ =	shalt  }
0x56: {  	_ =	shalt  }
0x57: {  	_ =	shalt  }
0x58: {  	_ =	shalt  }
0x59: {  	_ =	shalt  }
0x5a: {  	_ =	shalt  }
0x5b: {  	_ =	shalt  }
0x5c: {  	_ =	shalt  }
0x5d: {  	_ =	shalt  }
0x5e: {  	_ =	shalt  }
0x5f: {  	_ =	shalt  }
0x60: {  	_ =	shalt  }
0x61: {  	_ =	shalt  }
0x62: {  	_ =	shalt  }
0x63: {  	_ =	shalt  }
0x64: {  	_ =	shalt  }
0x65: {  	_ =	shalt  }
0x66: {  	_ =	shalt  }
0x67: {  	_ =	shalt  }
0x68: {  	_ =	shalt  }
0x69: {  	_ =	shalt  }
0x6a: {  	_ =	shalt  }
0x6b: {  	_ =	shalt  }
0x6c: {  	_ =	shalt  }
0x6d: {  	_ =	shalt  }
0x6e: {  	_ =	shalt  }
0x6f: {  	_ =	shalt  }
0x70: {  	_ =	shalt  }
0x71: {  	_ =	shalt  }
0x72: {  	_ =	shalt  }
0x73: {  	_ =	shalt  }
0x74: {  	_ =	shalt  }
0x75: {  	_ =	shalt  }
0x76: {  	_ =	shalt  }
0x77: {  	_ =	shalt  }
0x78: {  	_ =	shalt  }
0x79: {  	_ =	shalt  }
0x7a: {  	_ =	shalt  }
0x7b: {  	_ =	shalt  }
0x7c: {  	_ =	shalt  }
0x7d: {  	_ =	shalt  }
0x7e: {  	_ =	shalt  }
0x7f: {  	_ =	shalt  }
0x80: {  	_ =	shalt  }
0x81: {  	_ =	shalt  }
0x82: {  	_ =	shalt  }
0x83: {  	_ =	shalt  }
0x84: {  	_ =	shalt  }
0x85: {  	_ =	shalt  }
0x86: {  	_ =	shalt  }
0x87: {  	_ =	shalt  }
.Lfunc_end0:
.L_simem_size_0:
called_computation.3_lowered:
.L_overlay_start_0:
0x88: {  	s2 =	sld [smem:$0x3FD9]  }
0x89: {  	s3 =	sld [smem:$0x3FFE];
	_ =	sdelay $0x1  }
0x8a: {  	s1 =	srdreg.scid  }
0x8b: {  	s0 =	sand.u32 $0x1, s1  }
0x8c: {  	s16 =	sshll.u32 s0, $0xA;
	s2 =	sadd.s32 s3, s2  }
0x8d: {  	s2 =	sadd.s32 s2, s16  }
0x8e: {  	[smem:$0x3FC0] =	sst s2  }
0x8f: {  	_ = 	snop  }
0x90: {  	(tm) =	ssettm $0x1  }
0x91: {  	s17 =	sld [smem:$0x3FFB];
	_ =	sdelay $0x3  }
0x92: {  	_ =	strace s17  }
0x93: {  	s2 =	sld [smem:$0x3FFC];
	_ =	sdelay $0x3  }
0x94: {  	_ =	strace s2  }
0x95: {  	s2 =	sld [smem:$0x3FFD];
	_ =	sdelay $0x3  }
0x96: {  	_ =	strace s2  }
0x97: {  	_ =	strace $0x8FFFFFFF  }
0x98: {  	s18 =	sld [smem:$0x3FDB];
	_ =	sdelay $0x1  }
0x99: {  	s19 =	simm.s32 $_scs_section_size  }
0x9a: {  	s4 =	simm.s32 $_size__tile_overlayer_lowered;
	s5 =	simm.s32 $_tile_overlayer_lowered  }
0x9b: {  	s22 =	simm.s32 $0x1BFF;
	s21 =	sshll.u32 s5, $0x1;
	s2 =	sadd.s32 s19, s18  }
0x9c: {  	s6 =	simm.s32 $0x0;
	s20 =	sshll.u32 s4, $0x1;
	s4 =	sadd.s32 s21, s2  }
0x9d: {  	[timem:s6], [sflag:s22] =	dma.local [hbm:s4], s20  }
0x9e: {  	_ =	swait.ge [sflag:s22], s20  }
0x9f: {  	s3 =	ssub.s32 $0x0, s20;
	[sflag:s22] =	ssyncset.done $0x0  }
0xa0: {  	[sflag:s22] =	ssyncadd.s32 s3;
	_ =	sdelay $0x1  }
0xa1: {  	s23 =	simm.s32 $0x1B8B  }
0xa2: {  	_ =	swait.ge [sflag:s23], $0x1  }
0xa3: {  	[sflag:s23] =	ssyncset.done $0x0  }
0xa4: {  	s25 =	simm.s32 $0x1B8E;
	s24 =	sld [smem:$0x3FFE];
	[sflag:s23] =	ssyncadd.s32 $0xFFFFFFFF  }
0xa5: {  	s26 =	simm.s32 $execute0_lowered;
	[smem:$0x3FD2] =	sst s25  }
0xa6: {  	s4 =	sshll.u32 s26, $0x1;
	_ =	strace $0x8000004F;
	[dreg:$0x1] =	wrdreg $0xFFFFFFFF  }
0xa7: {  	s28 =	simm.s32 $_size_execute0_lowered;
	s2 =	sadd.s32 s2, s4;
	[dreg:$0x0] =	wrdreg $0x0  }
0xa8: {  	s4 =	sshll.u32 s28, $0x1;
	[dreg:$0x2] =	wrdreg s2  }
0xa9: {  	[dreg:$0x3] =	wrdreg s4  }
0xaa: {  	[dreg:$0x4] =	wrdreg $0xC0  }
0xab: {  	_ =	task [dreg:s6], $0x5FFFF  }
0xac: {  	[dreg:$0x1] =	wrdreg $0xFFFFFFFF  }
0xad: {  	[dreg:$0x0] =	wrdreg $0x60  }
0xae: {  	[dreg:$0x2] =	wrdreg s24  }
0xaf: {  	[dreg:$0x3] =	wrdreg $0x4C900  }
0xb0: {  	[dreg:$0x4] =	wrdreg $0x9  }
0xb1: {  	_ =	task.clear_ibuf [dreg:s6], $0x5FFFF;
	_ =	strace $0x9000004F  }
0xb2: {  	s29 =	simm.s32 $0x9;
	_ =	strace $0x80000051  }
0xb3: {  	_ =	swait.ge [sflag:s29], $0x1  }
0xb4: {  	[sflag:s29] =	ssyncadd.s32 $0xFFFFFFFF  }
0xb5: {  	_ =	strace $0x90000051  }
0xb6: {  	_ =	sfence  }
0xb7: {  	s30 =	sld [smem:$0x0];
	_ =	sdelay $0x2  }
0xb8: {  	s31 =	sshll.u32 s1, $0xD;
	s1 =	sshrl.u32 s1, $0x2  }
0xb9: {  	s3 =	sand.u32 $0x4000, s31;
	s1 =	sadd.s32 s1, s30  }
0xba: {  	s0 =	sor.u32 s3, s0;
	s1 =	sshll.u32 s1, $0x11  }
0xbb: {  	s0 =	sor.u32 s1, s0  }
0xbc: {  	s0 =	sadd.s32 $0x8F2B, s0  }
0xbd: {  	[sflag:s0] =	ssyncadd.remote.s32 $0x1  }
0xbe: {  	_ =	sfence.sel $0xFFFF  }
0xbf: {  	[dreg:$0x0] =	wrdreg $0xFFFFFFFF;
	(pc) =	sbr.abs _section_cstart, $3  }
0xc0: {  	[dreg:$0x1] =	wrdreg $0xFFFFFFFF  }
0xc1: {  	_ =	task.clear_ibuf [dreg:s6], $0x2FFFF;
	_ =	strace $0x9FFFFFFF  }
0xc2: {  	(tm) =	ssettm $0x7FFFFFFF  }
0xc3: {  	_ =	shalt  }
tec
execute0_lowered:
.L_overlay_start_1:
0x0: {  	(tag) =	ssettag $0x1  }
0x1: {  	s0 =	rddreg [dreg:$0x0]  }
0x2: {  	s2 =	rddreg [dreg:$0x1]  }
0x3: {  	s3 =	simm.s32 $0x0;
	s1 =	srdreg.scid;
	s15 =	stileid.u32  }
0x4: {  	s10 =	simm.s32 $0x6;
	s12 =	simm.s32 $0x28;
	s13 =	simm.s32 $0x2710  }
0x5: {  	s14 =	simm.s32 $0x2E90;
	s16 =	simm.s32 $0x3610;
	s18 =	simm.s32 $0x3D90  }
0x6: {  	s20 =	simm.s32 $0x4510;
	s23 =	simm.s32 $0x1;
	s28 =	simm.s32 $0x4  }
0x7: {  	s29 =	simm.s32 $0x5;
	s30 =	simm.s32 $0x2648;
	s31 =	simm.s32 $0x2670  }
0x8: {  	s1 =	sand.u32 $0x1, s1;
	s4 =	sshll.u32 s15, $0x1;
	s7 =	smul.u32 $0x7680, s15  }
0x9: {  	[smem:$0x7FF] =	sst s3;
	s8 =	smul.u32 $0x2780, s15;
	s26 =	sshll.u32 s15, $0x6  }
0xa: {  	s15 =	simm.s32 $0x0;
	s4 =	sor.u32 s1, s4;
	s5 =	smul.u32 $0x76800, s1  }
0xb: {  	_ =	strace $0x80000050;
	s1 =	ssub.s32 $0x2, s1;
	s21 =	sor.u32 $0x1C06, s26  }
0xc: {  	s26 =	simm.s32 $0x3;
	s6 =	smul.u32 $0x271, s4;
	s4 =	sadd.s32 $0x83000, s0  }
0xd: {  	s8 =	sadd.s32 s8, s0;
	s25 =	sshrl.u32 s1, $0x1;
	s11 =	sadd.s32 s7, s2  }
0xe: {  	s5 =	sadd.s32 s7, s5;
	s1 =	ssub.s32 s1, s25;
	s7 =	sadd.s32 $0xC800, s8  }
0xf: {  	s22 =	sshrl.u32 s11, $0x3;
	s25 =	simm.s32 $0x2;
	s11 =	simm.s32 $0x26E8  }
0x10: {  	s6 =	sadd.s32 s6, s0;
	s5 =	sshrl.u32 s5, $0x3;
	s9 =	smax.u32 s1, $0x1  }
0x11: {  	s1 =	simm.s32 $0x26C0;
	s0 =	sadd.s32 s5, s0;
	s5 =	sadd.s32 $0x2800, s6  }
0x12: {  	s6 =	sadd.s32 $0x7800, s6;
	s8 =	sadd.s32 $0x91C00, s0;
	s0 =	simm.s32 $0x2698  }
.LBB2_1:
0x13: {  	[tilespmem:s3], [sflag:$0x6] =	stream.linear.gather [hbm4b:s5+s3], $0x1388, $0x38;
	[tilespmem:$0xC310] =	vst v63  }
0x14: {  	_ =	swait.ge [sflag:s10], $0x1388  }
0x15: {  	[sflag:s10] =	ssyncset.done $0x0  }
0x16: {  	s17 =	simm.s32 $0x1388;
	[sflag:s10] =	ssyncadd.s32 $0xFFFFEC78  }
0x17: {  	[tilespmem:s17], [sflag:$0x6] =	stream.linear.gather [hbm4b:s6+s3], $0x1388, $0x38;
	[tilespmem:$0xC310] =	vst v63  }
0x18: {  	_ =	swait.ge [sflag:s10], $0x1388  }
0x19: {  	[sflag:s10] =	ssyncset.done $0x0  }
0x1a: {  	[sflag:s10] =	ssyncadd.s32 $0xFFFFEC78  }
0x1b: {  	[tilespmem:s13], [sflag:$0x1] =	stream.indirect.gather [hbm4b:s4+s12], $0x30, s3, s12, $0xb8;
	[tilespmem:$0xC310] =	vst v63  }
0x1c: {  	_ = 	snop  }
0x1d: {  	[tilespmem:s14], [sflag:$0x2] =	stream.indirect.gather [hbm4b:s4+s12], $0x30, s12, s12, $0xb8;
	[tilespmem:$0xC310] =	vst v63  }
0x1e: {  	s24 =	simm.s32 $0x50  }
0x1f: {  	[tilespmem:s16], [sflag:$0x3] =	stream.indirect.gather [hbm4b:s4+s12], $0x30, s24, s12, $0xb8;
	[tilespmem:$0xC310] =	vst v63  }
0x20: {  	s19 =	simm.s32 $0x78  }
0x21: {  	[tilespmem:s18], [sflag:$0x4] =	stream.indirect.gather [hbm4b:s4+s12], $0x30, s19, s12, $0xb8;
	[tilespmem:$0xC310] =	vst v63  }
0x22: {  	s24 =	simm.s32 $0xA0;
	s19 =	simm.s32 $0x10  }
0x23: {  	[tilespmem:s20], [sflag:$0x5] =	stream.indirect.gather [hbm4b:s4+s12], $0x30, s24, s12, $0xb8;
	[tilespmem:$0xC310] =	vst v63  }
0x24: {  	[spmem:s22@s10], [sflag:s21] =	dma.strided [hbm:s7@s19], $0xED0, s23, $0x6   }
0x25: {  	_ =	swait.ge [sflag:s10], $0xED0  }
0x26: {  	[sflag:s10] =	ssyncset.done $0x0  }
0x27: {  	[sflag:s10] =	ssyncadd.s32 $0xFFFFF130  }
0x28: {  	[bflag:$0x0] =	sbarrier.arrive $0xFFFF  }
0x29: {  	_ =	swait.ge [sflag:s23], $0x780  }
0x2a: {  	[sflag:s23] =	ssyncset.done $0x0  }
0x2b: {  	s24 =	simm.s32 $0x1388;
	[sflag:s23] =	ssyncadd.s32 $0xFFFFF880  }
0x2c: {  	[spmem:s2] =	stream.indirect.scatter.add.f32 [tilespmem:s13], [sflag:$0x6], $0x30, s24, s12, $0xb8;
	[tilespmem:$0xC310] =	vst v63  }
0x2d: {  	_ =	swait.ge [sflag:s10], $0x780  }
0x2e: {  	[sflag:s10] =	ssyncset.done $0x0  }
0x2f: {  	s19 =	simm.s32 $0xC8;
	[sflag:s10] =	ssyncadd.s32 $0xFFFFF880  }
0x30: {  	[tilespmem:s13], [sflag:$0x1] =	stream.indirect.gather [hbm4b:s4+s12], $0x30, s19, s12, $0xb8;
	[tilespmem:$0xC310] =	vst v63  }
0x31: {  	_ =	swait.ge [sflag:s25], $0x780  }
0x32: {  	[sflag:s25] =	ssyncset.done $0x0  }
0x33: {  	s24 =	simm.s32 $0x13B0;
	[sflag:s25] =	ssyncadd.s32 $0xFFFFF880  }
0x34: {  	[spmem:s2] =	stream.indirect.scatter.add.f32 [tilespmem:s14], [sflag:$0x6], $0x30, s24, s12, $0xb8;
	[tilespmem:$0xC310] =	vst v63  }
0x35: {  	_ =	swait.ge [sflag:s10], $0x780  }
0x36: {  	[sflag:s10] =	ssyncset.done $0x0  }
0x37: {  	s19 =	simm.s32 $0xF0;
	[sflag:s10] =	ssyncadd.s32 $0xFFFFF880  }
0x38: {  	[tilespmem:s14], [sflag:$0x2] =	stream.indirect.gather [hbm4b:s4+s12], $0x30, s19, s12, $0xb8;
	[tilespmem:$0xC310] =	vst v63  }
0x39: {  	_ =	swait.ge [sflag:s26], $0x780  }
0x3a: {  	[sflag:s26] =	ssyncset.done $0x0  }
0x3b: {  	s24 =	simm.s32 $0x13D8;
	[sflag:s26] =	ssyncadd.s32 $0xFFFFF880  }
0x3c: {  	[spmem:s2] =	stream.indirect.scatter.add.f32 [tilespmem:s16], [sflag:$0x6], $0x30, s24, s12, $0xb8;
	[tilespmem:$0xC310] =	vst v63  }
0x3d: {  	_ =	swait.ge [sflag:s10], $0x780  }
0x3e: {  	[sflag:s10] =	ssyncset.done $0x0  }
0x3f: {  	s19 =	simm.s32 $0x118;
	[sflag:s10] =	ssyncadd.s32 $0xFFFFF880  }
0x40: {  	[tilespmem:s16], [sflag:$0x3] =	stream.indirect.gather [hbm4b:s4+s12], $0x30, s19, s12, $0xb8;
	[tilespmem:$0xC310] =	vst v63  }
0x41: {  	_ =	swait.ge [sflag:s28], $0x780  }
0x42: {  	[sflag:s28] =	ssyncset.done $0x0  }
0x43: {  	s24 =	simm.s32 $0x1400;
	[sflag:s28] =	ssyncadd.s32 $0xFFFFF880  }
0x44: {  	[spmem:s2] =	stream.indirect.scatter.add.f32 [tilespmem:s18], [sflag:$0x6], $0x30, s24, s12, $0xb8;
	[tilespmem:$0xC310] =	vst v63  }
0x45: {  	_ =	swait.ge [sflag:s10], $0x780  }
0x46: {  	[sflag:s10] =	ssyncset.done $0x0  }
0x47: {  	s19 =	simm.s32 $0x140;
	[sflag:s10] =	ssyncadd.s32 $0xFFFFF880  }
0x48: {  	[tilespmem:s18], [sflag:$0x4] =	stream.indirect.gather [hbm4b:s4+s12], $0x30, s19, s12, $0xb8;
	[tilespmem:$0xC310] =	vst v63  }
0x49: {  	_ =	swait.ge [sflag:s29], $0x780  }
0x4a: {  	[sflag:s29] =	ssyncset.done $0x0  }
0x4b: {  	s24 =	simm.s32 $0x1428;
	[sflag:s29] =	ssyncadd.s32 $0xFFFFF880  }
0x4c: {  	[spmem:s2] =	stream.indirect.scatter.add.f32 [tilespmem:s20], [sflag:$0x6], $0x30, s24, s12, $0xb8;
	[tilespmem:$0xC310] =	vst v63  }
0x4d: {  	_ =	swait.ge [sflag:s10], $0x780  }
0x4e: {  	[sflag:s10] =	ssyncset.done $0x0  }
0x4f: {  	s17 =	simm.s32 $0x320;
	s19 =	simm.s32 $0x168;
	[sflag:s10] =	ssyncadd.s32 $0xFFFFF880  }
.LBB2_2:
0x50: {  	[tilespmem:s20], [sflag:$0x5] =	stream.indirect.gather [hbm4b:s4+s12], $0x30, s19, s12, $0xb8;
	[tilespmem:$0xC310] =	vst v63  }
0x51: {  	s19 =	smov.u32 s17  }
0x52: {  	p0 =	sne.s32 s17, $0x47E0;
	s17 =	sadd.s32 $0x320, s17;
	_ =	swait.ge [sflag:s23], $0x780  }
0x53: {  	s19 =	sshra.s32 s19, $0x2;
	[sflag:s23] =	ssyncset.done $0x0  }
0x54: {  	s24 =	sadd.s32 $0x1388, s19;
	[sflag:s23] =	ssyncadd.s32 $0xFFFFF880  }
0x55: {  	[spmem:s2] =	stream.indirect.scatter.add.f32 [tilespmem:s13], [sflag:$0x6], $0x30, s24, s12, $0xb8;
	[tilespmem:$0xC310] =	vst v63  }
0x56: {  	_ =	swait.ge [sflag:s10], $0x780  }
0x57: {  	[sflag:s10] =	ssyncset.done $0x0  }
0x58: {  	s24 =	sadd.s32 $0xC8, s19;
	[sflag:s10] =	ssyncadd.s32 $0xFFFFF880  }
0x59: {  	[tilespmem:s13], [sflag:$0x1] =	stream.indirect.gather [hbm4b:s4+s12], $0x30, s24, s12, $0xb8;
	[tilespmem:$0xC310] =	vst v63  }
0x5a: {  	_ =	swait.ge [sflag:s25], $0x780  }
0x5b: {  	[sflag:s25] =	ssyncset.done $0x0  }
0x5c: {  	s24 =	sadd.s32 $0x13B0, s19;
	[sflag:s25] =	ssyncadd.s32 $0xFFFFF880  }
0x5d: {  	[spmem:s2] =	stream.indirect.scatter.add.f32 [tilespmem:s14], [sflag:$0x6], $0x30, s24, s12, $0xb8;
	[tilespmem:$0xC310] =	vst v63  }
0x5e: {  	_ =	swait.ge [sflag:s10], $0x780  }
0x5f: {  	[sflag:s10] =	ssyncset.done $0x0  }
0x60: {  	s24 =	sadd.s32 $0xF0, s19;
	[sflag:s10] =	ssyncadd.s32 $0xFFFFF880  }
0x61: {  	[tilespmem:s14], [sflag:$0x2] =	stream.indirect.gather [hbm4b:s4+s12], $0x30, s24, s12, $0xb8;
	[tilespmem:$0xC310] =	vst v63  }
0x62: {  	_ =	swait.ge [sflag:s26], $0x780  }
0x63: {  	[sflag:s26] =	ssyncset.done $0x0  }
0x64: {  	s24 =	sadd.s32 $0x13D8, s19;
	[sflag:s26] =	ssyncadd.s32 $0xFFFFF880  }
0x65: {  	[spmem:s2] =	stream.indirect.scatter.add.f32 [tilespmem:s16], [sflag:$0x6], $0x30, s24, s12, $0xb8;
	[tilespmem:$0xC310] =	vst v63  }
0x66: {  	_ =	swait.ge [sflag:s10], $0x780  }
0x67: {  	[sflag:s10] =	ssyncset.done $0x0  }
0x68: {  	s24 =	sadd.s32 $0x118, s19;
	[sflag:s10] =	ssyncadd.s32 $0xFFFFF880  }
0x69: {  	[tilespmem:s16], [sflag:$0x3] =	stream.indirect.gather [hbm4b:s4+s12], $0x30, s24, s12, $0xb8;
	[tilespmem:$0xC310] =	vst v63  }
0x6a: {  	_ =	swait.ge [sflag:s28], $0x780  }
0x6b: {  	[sflag:s28] =	ssyncset.done $0x0  }
0x6c: {  	s24 =	sadd.s32 $0x1400, s19;
	[sflag:s28] =	ssyncadd.s32 $0xFFFFF880  }
0x6d: {  	[spmem:s2] =	stream.indirect.scatter.add.f32 [tilespmem:s18], [sflag:$0x6], $0x30, s24, s12, $0xb8;
	[tilespmem:$0xC310] =	vst v63  }
0x6e: {  	_ =	swait.ge [sflag:s10], $0x780  }
0x6f: {  	[sflag:s10] =	ssyncset.done $0x0  }
0x70: {  	s24 =	sadd.s32 $0x140, s19;
	[sflag:s10] =	ssyncadd.s32 $0xFFFFF880  }
0x71: {  	[tilespmem:s18], [sflag:$0x4] =	stream.indirect.gather [hbm4b:s4+s12], $0x30, s24, s12, $0xb8;
	[tilespmem:$0xC310] =	vst v63  }
0x72: {  	_ =	swait.ge [sflag:s29], $0x780  }
0x73: {  	[sflag:s29] =	ssyncset.done $0x0  }
.Ltmp0:
0x74: {  	s24 =	sadd.s32 $0x1428, s19;
	[sflag:s29] =	ssyncadd.s32 $0xFFFFF880;
	(pc) =	sbr.rel @p0 .LBB2_2-.Ltmp0, $4  }
0x75: {  	[spmem:s2] =	stream.indirect.scatter.add.f32 [tilespmem:s20], [sflag:$0x6], $0x30, s24, s12, $0xb8;
	[tilespmem:$0xC310] =	vst v63  }
0x76: {  	_ =	swait.ge [sflag:s10], $0x780  }
0x77: {  	[sflag:s10] =	ssyncset.done $0x0  }
0x78: {  	s19 =	sadd.s32 $0x168, s19;
	[sflag:s10] =	ssyncadd.s32 $0xFFFFF880  }
0x79: {  	[tilespmem:s20], [sflag:$0x5] =	stream.indirect.gather [hbm4b:s4+s12], $0x30, s19, s12, $0xb8;
	[tilespmem:$0xC310] =	vst v63  }
0x7a: {  	_ =	swait.ge [sflag:s23], $0x780  }
0x7b: {  	[sflag:s23] =	ssyncset.done $0x0  }
0x7c: {  	[sflag:s23] =	ssyncadd.s32 $0xFFFFF880  }
0x7d: {  	[spmem:s2] =	stream.indirect.scatter.add.f32 [tilespmem:s13], [sflag:$0x6], $0x30, s30, s12, $0xb8;
	[tilespmem:$0xC310] =	vst v63  }
0x7e: {  	_ =	swait.ge [sflag:s10], $0x780  }
0x7f: {  	[sflag:s10] =	ssyncset.done $0x0  }
0x80: {  	[sflag:s10] =	ssyncadd.s32 $0xFFFFF880  }
0x81: {  	_ =	swait.ge [sflag:s25], $0x780  }
0x82: {  	[sflag:s25] =	ssyncset.done $0x0  }
0x83: {  	[sflag:s25] =	ssyncadd.s32 $0xFFFFF880  }
0x84: {  	[spmem:s2] =	stream.indirect.scatter.add.f32 [tilespmem:s14], [sflag:$0x6], $0x30, s31, s12, $0xb8;
	[tilespmem:$0xC310] =	vst v63  }
0x85: {  	_ =	swait.ge [sflag:s10], $0x780  }
0x86: {  	[sflag:s10] =	ssyncset.done $0x0  }
0x87: {  	[sflag:s10] =	ssyncadd.s32 $0xFFFFF880  }
0x88: {  	_ =	swait.ge [sflag:s26], $0x780  }
0x89: {  	[sflag:s26] =	ssyncset.done $0x0  }
0x8a: {  	[sflag:s26] =	ssyncadd.s32 $0xFFFFF880  }
0x8b: {  	[spmem:s2] =	stream.indirect.scatter.add.f32 [tilespmem:s16], [sflag:$0x6], $0x30, s0, s12, $0xb8;
	[tilespmem:$0xC310] =	vst v63  }
0x8c: {  	_ =	swait.ge [sflag:s10], $0x780  }
0x8d: {  	[sflag:s10] =	ssyncset.done $0x0  }
0x8e: {  	[sflag:s10] =	ssyncadd.s32 $0xFFFFF880  }
0x8f: {  	_ =	swait.ge [sflag:s28], $0x780  }
0x90: {  	[sflag:s28] =	ssyncset.done $0x0  }
0x91: {  	[sflag:s28] =	ssyncadd.s32 $0xFFFFF880  }
0x92: {  	[spmem:s2] =	stream.indirect.scatter.add.f32 [tilespmem:s18], [sflag:$0x6], $0x30, s1, s12, $0xb8;
	[tilespmem:$0xC310] =	vst v63  }
0x93: {  	_ =	swait.ge [sflag:s10], $0x780  }
0x94: {  	[sflag:s10] =	ssyncset.done $0x0  }
0x95: {  	[sflag:s10] =	ssyncadd.s32 $0xFFFFF880  }
0x96: {  	_ =	swait.ge [sflag:s29], $0x780  }
0x97: {  	[sflag:s29] =	ssyncset.done $0x0  }
0x98: {  	[sflag:s29] =	ssyncadd.s32 $0xFFFFF880  }
0x99: {  	[spmem:s2] =	stream.indirect.scatter.add.f32 [tilespmem:s20], [sflag:$0x6], $0x30, s11, s12, $0xb8;
	[tilespmem:$0xC310] =	vst v63  }
0x9a: {  	_ =	swait.ge [sflag:s10], $0x780  }
0x9b: {  	s15 =	sadd.s32 $0x1, s15;
	[sflag:s10] =	ssyncset.done $0x0  }
0x9c: {  	p0 =	sne.s32 s15, s9;
	[sflag:s10] =	ssyncadd.s32 $0xFFFFF880  }
.Ltmp1:
0x9d: {  	[bflag:$0x0] =	sbarrier.arrive $0xFFFF;
	(pc) =	sbr.rel @p0 .LBB2_1-.Ltmp1, $4  }
0x9e: {  	[hbm:s8], [sflag:s21] =	dma.local [spmem:s22], $0xED0  }
0x9f: {  	_ =	swait.ge [sflag:s10], $0xED0  }
0xa0: {  	[sflag:s10] =	ssyncset.done $0x0  }
0xa1: {  	[sflag:s10] =	ssyncadd.s32 $0xFFFFF130  }
0xa2: {  	_ =	sfence.sel $0x180000  }
0xa3: {  	[bflag:$0x0] =	sbarrier.arrive $0xFFFF  }
0xa4: {  	_ =	strace $0x90000050  }
0xa5: {  	s0 =	stileid.u32;
	[bflag:$0x2] =	sbarrier.arrive $0xFFFF  }
0xa6: {  	p0 =	sne.s32 s0, $0x0;
	s0 =	rddreg [dreg:$0x2]  }
0xa7: {  	s0 =	sadd.s32 @!p0 $0x100000, s0  }
0xa8: {  	[sflag:s0] =	ssyncadd.tile.s32 @!p0 $0x1;
	_ =	shalt  }
.Lfunc_end2:
_tile_overlayer_lowered:
.L_overlay_start_2:
0xa9: {  	(tag) =	ssettag $0x2  }
0xaa: {  	s0 =	rddreg [dreg:$0x0];
	s2 =	stileid.u32  }
0xab: {  	s1 =	rddreg [dreg:$0x1];
	p0 =	sne.s32 s2, $0x0  }
0xac: {  	s3 =	rddreg [dreg:$0x2];
	[bflag:$0x3] =	sbarrier.arrive $0xFFFF;
	s2 =	simm.s32 @!p0 $0x1C06  }
0xad: {  	[timem:s3], [sflag:s2] =	dma.local @!p0 [hbm:s0], s1  }
0xae: {  	s0 =	simm.s32 @!p0 $0x6  }
0xaf: {  	_ =	swait.ge @!p0 [sflag:s0], s1  }
0xb0: {  	s1 =	ssub.s32 @!p0 $0x0, s1;
	[sflag:s0] =	ssyncset.done @!p0 $0x0  }
0xb1: {  	[sflag:s0] =	ssyncadd.s32 @!p0 s1  }
0xb2: {  	[bflag:$0x3] =	sbarrier.arrive $0xFFFF  }
0xb3: {  	_ =	shalt  }

</sc_bundles>
